<compile_context>
chip_gen: v7x
topology: tpu7x:2x2x1
jax: 0.10.2.dev20260603
libtpu: 0.0.44.dev20260713+nightly
codegen_flags: <defaults>
</compile_context>

<pallas_src>
import functools

import jax
import jax.numpy as jnp
from jax import lax
from jax.experimental import pallas as pl
from jax.experimental.pallas import tpu as pltpu
from jax.experimental.pallas import tpu_sc as plsc

N_NODES = 10000
N_EDGES = 320000
NC = 2
NS = 16
NW = NC * NS
CHUNK = 128
N_ROWS = N_EDGES // CHUNK
ROWS_PER_W = N_ROWS // NW
TAIL_ROW0 = NW * ROWS_PER_W
TAIL_WID0 = NW - (N_ROWS - TAIL_ROW0)
NBUF = 6
DEG_W = 16
TILE_ROWS = 624
TAIL_BASE = NS * TILE_ROWS
TAIL = N_NODES - TAIL_BASE

_mesh = plsc.VectorSubcoreMesh(core_axis_name="c", subcore_axis_name="s")
_sc_params = pltpu.CompilerParams(use_tc_tiling_on_sc=False)


def _copy_tile_slice(s, src, dst):
    pltpu.sync_copy(src.at[pl.ds(s * TILE_ROWS, TILE_ROWS)],
                    dst.at[pl.ds(s * TILE_ROWS, TILE_ROWS)])

    @pl.when(s == NS - 1)
    def _():
        pltpu.sync_copy(src.at[pl.ds(TAIL_BASE, TAIL)],
                        dst.at[pl.ds(TAIL_BASE, TAIL)])


EDGES_PER_W = ROWS_PER_W * CHUNK


def _load_index_flat(wid, ei_hbm, which, idx_v):
    pltpu.sync_copy(ei_hbm.at[which, pl.ds(wid * EDGES_PER_W, EDGES_PER_W)],
                    idx_v.at[pl.ds(0, EDGES_PER_W)])

    @pl.when(wid >= TAIL_WID0)
    def _():
        base = (TAIL_ROW0 + wid - TAIL_WID0) * CHUNK
        pltpu.sync_copy(ei_hbm.at[which, pl.ds(base, CHUNK)],
                        idx_v.at[pl.ds(EDGES_PER_W, CHUNK)])


def _sc_degree_body(ei_hbm, ones_hbm, zeros_hbm, out_hbm,
                    dst_v, ones_v, acc_sh, sem):
    c = lax.axis_index("c")
    s = lax.axis_index("s")
    wid = c * NS + s
    _copy_tile_slice(s, zeros_hbm, acc_sh)
    plsc.subcore_barrier()
    _load_index_flat(wid, ei_hbm, 1, dst_v)
    pltpu.sync_copy(ones_hbm, ones_v)

    def idx(j):
        return dst_v.at[pl.ds(j * CHUNK, CHUNK)]

    def outer(i, _):
        j0 = i * NBUF
        for b in range(NBUF):
            pltpu.make_async_copy(ones_v, acc_sh.at[idx(j0 + b)],
                                  sem).start(add=True)
        for b in range(NBUF):
            pltpu.make_async_copy(ones_v, acc_sh.at[idx(j0 + b)],
                                  sem).wait()
        return 0

    lax.fori_loop(0, ROWS_PER_W // NBUF, outer, 0)

    @pl.when(wid >= TAIL_WID0)
    def _():
        pltpu.sync_copy(ones_v, acc_sh.at[idx(ROWS_PER_W)], add=True)

    plsc.subcore_barrier()
    _copy_tile_slice(s, acc_sh, out_hbm.at[c])


def _sc_agg_body(d, ei_hbm, y_hbm, zeros_hbm, out_hbm,
                 src_v, dst_v, r0, r1, r2, r3, r4, r5, acc_sh,
                 g0, g1, g2, g3, g4, g5):
    rows = (r0, r1, r2, r3, r4, r5)
    gsems = (g0, g1, g2, g3, g4, g5)
    c = lax.axis_index("c")
    s = lax.axis_index("s")
    wid = c * NS + s
    _copy_tile_slice(s, zeros_hbm, acc_sh)
    plsc.subcore_barrier()
    _load_index_flat(wid, ei_hbm, 0, src_v)
    _load_index_flat(wid, ei_hbm, 1, dst_v)

    def idx(v, j):
        return v.at[pl.ds(j * CHUNK, CHUNK)]

    for b in range(NBUF):
        pltpu.async_copy(y_hbm.at[idx(src_v, b)], rows[b], gsems[b])

    def outer(i, _):
        j0 = i * NBUF
        for b in range(NBUF):
            j = j0 + b
            pltpu.make_async_copy(y_hbm.at[idx(src_v, j)], rows[b],
                                  gsems[b]).wait()
            pltpu.sync_copy(rows[b], acc_sh.at[idx(dst_v, j)], add=True)

            @pl.when(j + NBUF < ROWS_PER_W)
            def _():
                pltpu.async_copy(y_hbm.at[idx(src_v, j + NBUF)], rows[b],
                                 gsems[b])
        return 0

    lax.fori_loop(0, ROWS_PER_W // NBUF, outer, 0)

    @pl.when(wid >= TAIL_WID0)
    def _():
        pltpu.async_copy(y_hbm.at[idx(src_v, ROWS_PER_W)], rows[0],
                         gsems[0]).wait()
        pltpu.sync_copy(rows[0], acc_sh.at[idx(dst_v, ROWS_PER_W)],
                        add=True)

    plsc.subcore_barrier()
    _copy_tile_slice(s, acc_sh, out_hbm.at[c])


def _sc_degree(ei, ones, zeros):
    return pl.kernel(
        _sc_degree_body,
        out_type=jax.ShapeDtypeStruct((NC, N_NODES, DEG_W), jnp.float32),
        mesh=_mesh,
        compiler_params=_sc_params,
        scratch_types=[
            pltpu.VMEM((EDGES_PER_W + CHUNK,), jnp.int32),
            pltpu.VMEM((CHUNK, DEG_W), jnp.float32),
            pltpu.VMEM_SHARED((N_NODES, DEG_W), jnp.float32),
            pltpu.SemaphoreType.DMA,
        ],
    )(ei, ones, zeros)


def _sc_agg(d, ei, y, zeros):
    return pl.kernel(
        functools.partial(_sc_agg_body, d),
        out_type=jax.ShapeDtypeStruct((NC, N_NODES, d), jnp.float32),
        mesh=_mesh,
        compiler_params=_sc_params,
        scratch_types=[
            pltpu.VMEM((EDGES_PER_W + CHUNK,), jnp.int32),
            pltpu.VMEM((EDGES_PER_W + CHUNK,), jnp.int32),
        ] + [pltpu.VMEM((CHUNK, d), jnp.float32)] * NBUF + [
            pltpu.VMEM_SHARED((N_NODES, d), jnp.float32),
        ] + [pltpu.SemaphoreType.DMA] * NBUF,
    )(ei, y, zeros)


def _tc1_body(deg_ref, x_ref, w1_ref, y_ref, dinv_ref):
    dacc = deg_ref[...]
    deg = dacc[0, :, :1] + dacc[1, :, :1] + 1.0
    dinv = lax.rsqrt(deg)
    xw = jnp.dot(x_ref[...], w1_ref[...], preferred_element_type=jnp.float32)
    y_ref[...] = xw * dinv
    dinv_ref[...] = dinv


def _tc2_body(acc_ref, y1_ref, dinv_ref, b1_ref, w2_ref, y2_ref):
    a = acc_ref[...]
    y1 = y1_ref[...]
    dinv = dinv_ref[...]
    h = jnp.maximum((a[0] + a[1] + y1) * dinv + b1_ref[...], 0.0)
    y2_ref[...] = jnp.dot(h, w2_ref[...],
                          preferred_element_type=jnp.float32) * dinv


def _tc3_body(acc_ref, y2_ref, dinv_ref, b2_ref, out_ref):
    a = acc_ref[...]
    o = jnp.maximum((a[0] + a[1] + y2_ref[...]) * dinv_ref[...] + b2_ref[...],
                    0.0)
    m = jnp.max(o, axis=1, keepdims=True)
    e = jnp.exp(o - m)
    out_ref[...] = e / jnp.sum(e, axis=1, keepdims=True)


def kernel(x, edge_index, W1, b1, W2, b2):
    ei = edge_index.astype(jnp.int32)
    ones = jnp.ones((CHUNK, DEG_W), jnp.float32)
    z1 = jnp.zeros((N_NODES, DEG_W), jnp.float32)
    z48 = jnp.zeros((N_NODES, W1.shape[1]), jnp.float32)
    z64 = jnp.zeros((N_NODES, W2.shape[1]), jnp.float32)

    deg2 = _sc_degree(ei, ones, z1)

    y1, dinv = pl.pallas_call(
        _tc1_body,
        out_shape=[
            jax.ShapeDtypeStruct((N_NODES, W1.shape[1]), jnp.float32),
            jax.ShapeDtypeStruct((N_NODES, 1), jnp.float32),
        ],
    )(deg2, x, W1)

    acc1 = _sc_agg(W1.shape[1], ei, y1, z48)

    y2 = pl.pallas_call(
        _tc2_body,
        out_shape=jax.ShapeDtypeStruct((N_NODES, W2.shape[1]), jnp.float32),
    )(acc1, y1, dinv, b1, W2)

    acc2 = _sc_agg(W2.shape[1], ei, y2, z64)

    out = pl.pallas_call(
        _tc3_body,
        out_shape=jax.ShapeDtypeStruct((N_NODES, W2.shape[1]), jnp.float32),
    )(acc2, y2, dinv, b2)
    return out

# --- scband reference (transcript-rebuilt; emitter-appended) ---
"""Pipeline reference for scband-gcn-31464930410621 (READ-ONLY COPY).

The authoritative reference and input builder live on the scoring server;
editing this copy changes nothing except your own understanding.
"""

import jax, jax.numpy as jnp
import numpy as np

N_NODES = 10000
N_EDGES = 320000
D_IN = 128
D_HID = 48
D_OUT = 64


def setup_inputs(seed: int = 0) -> dict:
    key = jax.random.key(seed)
    k1, k2, k3, k4, k5, k6 = jax.random.split(key, 6)
    x = jax.random.normal(k1, (N_NODES, D_IN), dtype=jnp.float32)
    edge_index = jax.random.randint(k2, (2, N_EDGES), 0, N_NODES, dtype=jnp.int64)
    W1 = jax.random.normal(k3, (D_IN, D_HID), dtype=jnp.float32) * (1.0 / np.sqrt(D_IN))
    b1 = jnp.zeros((D_HID,), dtype=jnp.float32)
    W2 = jax.random.normal(k4, (D_HID, D_OUT), dtype=jnp.float32) * (1.0 / np.sqrt(D_HID))
    b2 = jnp.zeros((D_OUT,), dtype=jnp.float32)
    return {"x": x, "edge_index": edge_index, "W1": W1, "b1": b1, "W2": W2, "b2": b2}


def _gcn_conv(x, src, dst, W, b, num_nodes):
    # x' = D^{-1/2} (A + I) D^{-1/2} X W + b   (PyG GCNConv semantics)
    xw = x @ W
    deg = jax.ops.segment_sum(jnp.ones_like(dst, dtype=xw.dtype), dst, num_segments=num_nodes)
    deg_inv_sqrt = jnp.where(deg > 0, 1.0 / jnp.sqrt(deg), 0.0)
    norm = deg_inv_sqrt[src] * deg_inv_sqrt[dst]
    msg = xw[src] * norm[:, None]
    out = jax.ops.segment_sum(msg, dst, num_segments=num_nodes)
    return out + b


def reference(x, edge_index, W1, b1, W2, b2):
    num_nodes = x.shape[0]
    loop = jnp.arange(num_nodes, dtype=edge_index.dtype)
    src = jnp.concatenate([edge_index[0], loop])
    dst = jnp.concatenate([edge_index[1], loop])
    h = _gcn_conv(x, src, dst, W1, b1, num_nodes)
    h = jax.nn.relu(h)
    h = _gcn_conv(h, src, dst, W2, b2, num_nodes)
    h = jax.nn.relu(h)
    out = jax.nn.softmax(h, axis=1)
    return out

if __name__ == "__main__":
    import jax
    _d = setup_inputs()
    print(jax.jit(kernel)(*tuple(_d.values())))

</pallas_src>

<mosaic_0001>
#map = affine_map<(d0, d1) -> (0, 0)>
#map1 = affine_map<(d0, d1) -> (0, 0, 0)>
module attributes {stable_mosaic.version = 14 : i64} {
  func.func @_sc_degree_body(%arg0: i32, %arg1: i32, %arg2: memref<2x320000xi32, #tpu.memory_space<hbm>>, %arg3: memref<128x16xf32, #tpu.memory_space<hbm>>, %arg4: memref<10000x16xf32, #tpu.memory_space<hbm>>, %arg5: memref<2x10000x16xf32, #tpu.memory_space<hbm>>, %arg6: memref<10112xi32, #tpu.memory_space<vmem>>, %arg7: memref<128x16xf32, #tpu.memory_space<vmem>>, %arg8: memref<10000x16xf32, #tpu.memory_space<vmem_shared>>, %arg9: memref<!tpu.dma_semaphore, #tpu.memory_space<semaphore_mem>>) attributes {dimension_semantics = [#tpu.dimension_semantics<core_parallel>, #tpu.dimension_semantics<subcore_parallel>], iteration_bounds = array<i64: 2, 16>, scalar_prefetch = 0 : i64, scratch_operands = 4 : i64, tpu.core_type = #tpu.core_type<sc_vector_subcore>, window_params = [{transform_indices = #map}, {transform_indices = #map}, {transform_indices = #map}, {transform_indices = #map1}]} {
    %mul3A = arith.constant 16 : i32
    %mul3A_0 = arith.muli %arg0, %mul3A : i32
    %add3A = arith.addi %mul3A_0, %arg1 : i32
    %mul3A_1 = arith.constant 624 : i32
    %mul3A_2 = arith.muli %arg1, %mul3A_1 : i32
    %mul3A_3 = arith.constant 624 : i32
    %mul3A_4 = arith.muli %arg1, %mul3A_3 : i32
    "tpu.region"() ({
      %run_scoped3A_34 = tpu.sem_alloc : memref<!tpu.dma_semaphore, #tpu.memory_space<semaphore_mem>>
      %dma_start3A = arith.constant 0 : i32
      %dma_start3A_35 = tpu.memref_slice %arg8[%mul3A_4, %dma_start3A] : memref<10000x16xf32, #tpu.memory_space<vmem_shared>> -> memref<624x16xf32, #tpu.memory_space<vmem_shared>>
      %dma_start3A_36 = arith.constant 0 : i32
      %dma_start3A_37 = tpu.memref_slice %arg4[%mul3A_2, %dma_start3A_36] : memref<10000x16xf32, #tpu.memory_space<hbm>> -> memref<624x16xf32, #tpu.memory_space<hbm>>
      tpu.enqueue_dma source(%dma_start3A_37 : memref<624x16xf32, #tpu.memory_space<hbm>>) target(%dma_start3A_35 : memref<624x16xf32, #tpu.memory_space<vmem_shared>>) target_semaphore(%run_scoped3A_34 : memref<!tpu.dma_semaphore, #tpu.memory_space<semaphore_mem>>)
      %dma_wait3A = arith.constant 0 : i32
      %dma_wait3A_38 = tpu.memref_slice %arg8[%mul3A_4, %dma_wait3A] : memref<10000x16xf32, #tpu.memory_space<vmem_shared>> -> memref<624x16xf32, #tpu.memory_space<vmem_shared>>
      %dma_wait3A_39 = arith.constant 0 : i32
      %dma_wait3A_40 = tpu.memref_slice %arg4[%mul3A_2, %dma_wait3A_39] : memref<10000x16xf32, #tpu.memory_space<hbm>> -> memref<624x16xf32, #tpu.memory_space<hbm>>
      tpu.wait_dma2 semaphore(%run_scoped3A_34 : memref<!tpu.dma_semaphore, #tpu.memory_space<semaphore_mem>>) src(%dma_wait3A_40 : memref<624x16xf32, #tpu.memory_space<hbm>>) dst(%dma_wait3A_38 : memref<624x16xf32, #tpu.memory_space<vmem_shared>>)
      tpu.yield
    }) : () -> ()
    %eq3A = arith.constant 15 : i32
    %eq3A_5 = arith.cmpi eq, %arg1, %eq3A : i32
    %convert_element_type3A = arith.extui %eq3A_5 : i1 to i32
    %cond3A = arith.constant 0 : i32
    %cond3A_6 = arith.cmpi ne, %convert_element_type3A, %cond3A : i32
    scf.if %cond3A_6 {
      "tpu.region"() ({
        %run_scoped3A_34 = tpu.sem_alloc : memref<!tpu.dma_semaphore, #tpu.memory_space<semaphore_mem>>
        %dma_start3A = arith.constant 9984 : i32
        %dma_start3A_35 = arith.constant 0 : i32
        %dma_start3A_36 = tpu.memref_slice %arg8[%dma_start3A, %dma_start3A_35] : memref<10000x16xf32, #tpu.memory_space<vmem_shared>> -> memref<16x16xf32, #tpu.memory_space<vmem_shared>>
        %dma_start3A_37 = arith.constant 9984 : i32
        %dma_start3A_38 = arith.constant 0 : i32
        %dma_start3A_39 = tpu.memref_slice %arg4[%dma_start3A_37, %dma_start3A_38] : memref<10000x16xf32, #tpu.memory_space<hbm>> -> memref<16x16xf32, #tpu.memory_space<hbm>>
        tpu.enqueue_dma source(%dma_start3A_39 : memref<16x16xf32, #tpu.memory_space<hbm>>) target(%dma_start3A_36 : memref<16x16xf32, #tpu.memory_space<vmem_shared>>) target_semaphore(%run_scoped3A_34 : memref<!tpu.dma_semaphore, #tpu.memory_space<semaphore_mem>>)
        %dma_wait3A = arith.constant 9984 : i32
        %dma_wait3A_40 = arith.constant 0 : i32
        %dma_wait3A_41 = tpu.memref_slice %arg8[%dma_wait3A, %dma_wait3A_40] : memref<10000x16xf32, #tpu.memory_space<vmem_shared>> -> memref<16x16xf32, #tpu.memory_space<vmem_shared>>
        %dma_wait3A_42 = arith.constant 9984 : i32
        %dma_wait3A_43 = arith.constant 0 : i32
        %dma_wait3A_44 = tpu.memref_slice %arg4[%dma_wait3A_42, %dma_wait3A_43] : memref<10000x16xf32, #tpu.memory_space<hbm>> -> memref<16x16xf32, #tpu.memory_space<hbm>>
        tpu.wait_dma2 semaphore(%run_scoped3A_34 : memref<!tpu.dma_semaphore, #tpu.memory_space<semaphore_mem>>) src(%dma_wait3A_44 : memref<16x16xf32, #tpu.memory_space<hbm>>) dst(%dma_wait3A_41 : memref<16x16xf32, #tpu.memory_space<vmem_shared>>)
        tpu.yield
      }) : () -> ()
    } else {
    }
    %barrier3A = arith.constant 0 : index
    tpu.barrier barrier_id(%barrier3A)
    %mul3A_7 = arith.constant 9984 : i32
    %mul3A_8 = arith.muli %add3A, %mul3A_7 : i32
    %run_scoped3A = arith.constant 1 : i32
    "tpu.region"() ({
      %run_scoped3A_34 = tpu.sem_alloc : memref<!tpu.dma_semaphore, #tpu.memory_space<semaphore_mem>>
      %dma_start3A = arith.constant 0 : i32
      %dma_start3A_35 = tpu.memref_slice %arg6[%dma_start3A] : memref<10112xi32, #tpu.memory_space<vmem>> -> memref<9984xi32, #tpu.memory_space<vmem>>
      %dma_start3A_36 = tpu.memref_slice %arg2[%run_scoped3A, %mul3A_8] : memref<2x320000xi32, #tpu.memory_space<hbm>> -> memref<1x9984xi32, #tpu.memory_space<hbm>>
      %dma_start3A_37 = tpu.memref_squeeze %dma_start3A_36 : memref<1x9984xi32, #tpu.memory_space<hbm>> -> memref<9984xi32, #tpu.memory_space<hbm>>
      %dma_start3A_38 = arith.constant 0 : i32
      %dma_start3A_39 = tpu.memref_slice %arg6[%dma_start3A_38] : memref<10112xi32, #tpu.memory_space<vmem>> -> memref<9984xi32, #tpu.memory_space<vmem>>
      %dma_start3A_40 = tpu.memref_slice %arg2[%run_scoped3A, %mul3A_8] : memref<2x320000xi32, #tpu.memory_space<hbm>> -> memref<1x9984xi32, #tpu.memory_space<hbm>>
      %dma_start3A_41 = tpu.memref_squeeze %dma_start3A_40 : memref<1x9984xi32, #tpu.memory_space<hbm>> -> memref<9984xi32, #tpu.memory_space<hbm>>
      tpu.enqueue_dma source(%dma_start3A_41 : memref<9984xi32, #tpu.memory_space<hbm>>) target(%dma_start3A_39 : memref<9984xi32, #tpu.memory_space<vmem>>) target_semaphore(%run_scoped3A_34 : memref<!tpu.dma_semaphore, #tpu.memory_space<semaphore_mem>>)
      %dma_wait3A = arith.constant 0 : i32
      %dma_wait3A_42 = tpu.memref_slice %arg6[%dma_wait3A] : memref<10112xi32, #tpu.memory_space<vmem>> -> memref<9984xi32, #tpu.memory_space<vmem>>
      %dma_wait3A_43 = tpu.memref_slice %arg2[%run_scoped3A, %mul3A_8] : memref<2x320000xi32, #tpu.memory_space<hbm>> -> memref<1x9984xi32, #tpu.memory_space<hbm>>
      %dma_wait3A_44 = tpu.memref_squeeze %dma_wait3A_43 : memref<1x9984xi32, #tpu.memory_space<hbm>> -> memref<9984xi32, #tpu.memory_space<hbm>>
      %dma_wait3A_45 = arith.constant 0 : i32
      %dma_wait3A_46 = tpu.memref_slice %arg6[%dma_wait3A_45] : memref<10112xi32, #tpu.memory_space<vmem>> -> memref<9984xi32, #tpu.memory_space<vmem>>
      %dma_wait3A_47 = tpu.memref_slice %arg2[%run_scoped3A, %mul3A_8] : memref<2x320000xi32, #tpu.memory_space<hbm>> -> memref<1x9984xi32, #tpu.memory_space<hbm>>
      %dma_wait3A_48 = tpu.memref_squeeze %dma_wait3A_47 : memref<1x9984xi32, #tpu.memory_space<hbm>> -> memref<9984xi32, #tpu.memory_space<hbm>>
      tpu.wait_dma2 semaphore(%run_scoped3A_34 : memref<!tpu.dma_semaphore, #tpu.memory_space<semaphore_mem>>) src(%dma_wait3A_48 : memref<9984xi32, #tpu.memory_space<hbm>>) dst(%dma_wait3A_46 : memref<9984xi32, #tpu.memory_space<vmem>>)
      tpu.yield
    }) : () -> ()
    %ge3A = arith.constant 28 : i32
    %ge3A_9 = arith.cmpi sge, %add3A, %ge3A : i32
    %convert_element_type3A_10 = arith.extui %ge3A_9 : i1 to i32
    %cond3A_11 = arith.constant 0 : i32
    %cond3A_12 = arith.cmpi ne, %convert_element_type3A_10, %cond3A_11 : i32
    scf.if %cond3A_12 {
      %add3A_34 = arith.constant 2496 : i32
      %add3A_35 = arith.addi %add3A_34, %add3A : i32
      %sub3A = arith.constant 28 : i32
      %sub3A_36 = arith.subi %add3A_35, %sub3A : i32
      %mul3A_37 = arith.constant 128 : i32
      %mul3A_38 = arith.muli %sub3A_36, %mul3A_37 : i32
      %run_scoped3A_39 = arith.constant 1 : i32
      "tpu.region"() ({
        %run_scoped3A_40 = tpu.sem_alloc : memref<!tpu.dma_semaphore, #tpu.memory_space<semaphore_mem>>
        %dma_start3A = arith.constant 9984 : i32
        %dma_start3A_41 = tpu.memref_slice %arg6[%dma_start3A] : memref<10112xi32, #tpu.memory_space<vmem>> -> memref<128xi32, #tpu.memory_space<vmem>>
        %dma_start3A_42 = tpu.memref_slice %arg2[%run_scoped3A_39, %mul3A_38] : memref<2x320000xi32, #tpu.memory_space<hbm>> -> memref<1x128xi32, #tpu.memory_space<hbm>>
        %dma_start3A_43 = tpu.memref_squeeze %dma_start3A_42 : memref<1x128xi32, #tpu.memory_space<hbm>> -> memref<128xi32, #tpu.memory_space<hbm>>
        %dma_start3A_44 = arith.constant 9984 : i32
        %dma_start3A_45 = tpu.memref_slice %arg6[%dma_start3A_44] : memref<10112xi32, #tpu.memory_space<vmem>> -> memref<128xi32, #tpu.memory_space<vmem>>
        %dma_start3A_46 = tpu.memref_slice %arg2[%run_scoped3A_39, %mul3A_38] : memref<2x320000xi32, #tpu.memory_space<hbm>> -> memref<1x128xi32, #tpu.memory_space<hbm>>
        %dma_start3A_47 = tpu.memref_squeeze %dma_start3A_46 : memref<1x128xi32, #tpu.memory_space<hbm>> -> memref<128xi32, #tpu.memory_space<hbm>>
        tpu.enqueue_dma source(%dma_start3A_47 : memref<128xi32, #tpu.memory_space<hbm>>) target(%dma_start3A_45 : memref<128xi32, #tpu.memory_space<vmem>>) target_semaphore(%run_scoped3A_40 : memref<!tpu.dma_semaphore, #tpu.memory_space<semaphore_mem>>)
        %dma_wait3A = arith.constant 9984 : i32
        %dma_wait3A_48 = tpu.memref_slice %arg6[%dma_wait3A] : memref<10112xi32, #tpu.memory_space<vmem>> -> memref<128xi32, #tpu.memory_space<vmem>>
        %dma_wait3A_49 = tpu.memref_slice %arg2[%run_scoped3A_39, %mul3A_38] : memref<2x320000xi32, #tpu.memory_space<hbm>> -> memref<1x128xi32, #tpu.memory_space<hbm>>
        %dma_wait3A_50 = tpu.memref_squeeze %dma_wait3A_49 : memref<1x128xi32, #tpu.memory_space<hbm>> -> memref<128xi32, #tpu.memory_space<hbm>>
        %dma_wait3A_51 = arith.constant 9984 : i32
        %dma_wait3A_52 = tpu.memref_slice %arg6[%dma_wait3A_51] : memref<10112xi32, #tpu.memory_space<vmem>> -> memref<128xi32, #tpu.memory_space<vmem>>
        %dma_wait3A_53 = tpu.memref_slice %arg2[%run_scoped3A_39, %mul3A_38] : memref<2x320000xi32, #tpu.memory_space<hbm>> -> memref<1x128xi32, #tpu.memory_space<hbm>>
        %dma_wait3A_54 = tpu.memref_squeeze %dma_wait3A_53 : memref<1x128xi32, #tpu.memory_space<hbm>> -> memref<128xi32, #tpu.memory_space<hbm>>
        tpu.wait_dma2 semaphore(%run_scoped3A_40 : memref<!tpu.dma_semaphore, #tpu.memory_space<semaphore_mem>>) src(%dma_wait3A_54 : memref<128xi32, #tpu.memory_space<hbm>>) dst(%dma_wait3A_52 : memref<128xi32, #tpu.memory_space<vmem>>)
        tpu.yield
      }) : () -> ()
    } else {
    }
    "tpu.region"() ({
      %run_scoped3A_34 = tpu.sem_alloc : memref<!tpu.dma_semaphore, #tpu.memory_space<semaphore_mem>>
      tpu.enqueue_dma source(%arg3 : memref<128x16xf32, #tpu.memory_space<hbm>>) target(%arg7 : memref<128x16xf32, #tpu.memory_space<vmem>>) target_semaphore(%run_scoped3A_34 : memref<!tpu.dma_semaphore, #tpu.memory_space<semaphore_mem>>)
      tpu.wait_dma2 semaphore(%run_scoped3A_34 : memref<!tpu.dma_semaphore, #tpu.memory_space<semaphore_mem>>) src(%arg3 : memref<128x16xf32, #tpu.memory_space<hbm>>) dst(%arg7 : memref<128x16xf32, #tpu.memory_space<vmem>>)
      tpu.yield
    }) : () -> ()
    %scan3A = arith.constant 0 : i32
    %scan3A_13 = arith.constant 0 : i32
    %scan3A_14 = arith.constant 13 : i32
    %scan3A_15 = arith.addi %scan3A_13, %scan3A_14 : i32
    %scan3A_16 = arith.constant 1 : i32
    %scan3A_17 = scf.for %scan3A_34 = %scan3A_13 to %scan3A_15 step %scan3A_16 iter_args(%scan3A_35 = %scan3A) -> (i32)  : i32 {
      %mul3A_36 = arith.constant 6 : i32
      %mul3A_37 = arith.muli %scan3A_34, %mul3A_36 : i32
      %add3A_38 = arith.constant 0 : i32
      %add3A_39 = arith.addi %mul3A_37, %add3A_38 : i32
      %mul3A_40 = arith.constant 128 : i32
      %mul3A_41 = arith.muli %add3A_39, %mul3A_40 : i32
      %dma_start3A = tpu.memref_slice %arg6[%mul3A_41] : memref<10112xi32, #tpu.memory_space<vmem>> -> memref<128xi32, #tpu.memory_space<vmem>>
      %dma_start3A_42 = arith.constant 0 : i32
      %dma_start3A_43 = arith.constant 0 : i32
      %dma_start3A_44 = tpu.memref_slice %arg8[%dma_start3A_42, %dma_start3A_43] : memref<10000x16xf32, #tpu.memory_space<vmem_shared>> -> memref<10000x16xf32, #tpu.memory_space<vmem_shared>>
      tpu.enqueue_indirect_dma source(%arg7 : memref<128x16xf32, #tpu.memory_space<vmem>>) target(%dma_start3A_44 : memref<10000x16xf32, #tpu.memory_space<vmem_shared>>) offsets(%dma_start3A : memref<128xi32, #tpu.memory_space<vmem>>) semaphore(%arg9 : memref<!tpu.dma_semaphore, #tpu.memory_space<semaphore_mem>>) {add = true}
      %add3A_45 = arith.constant 1 : i32
      %add3A_46 = arith.addi %mul3A_37, %add3A_45 : i32
      %mul3A_47 = arith.constant 128 : i32
      %mul3A_48 = arith.muli %add3A_46, %mul3A_47 : i32
      %dma_start3A_49 = tpu.memref_slice %arg6[%mul3A_48] : memref<10112xi32, #tpu.memory_space<vmem>> -> memref<128xi32, #tpu.memory_space<vmem>>
      %dma_start3A_50 = arith.constant 0 : i32
      %dma_start3A_51 = arith.constant 0 : i32
      %dma_start3A_52 = tpu.memref_slice %arg8[%dma_start3A_50, %dma_start3A_51] : memref<10000x16xf32, #tpu.memory_space<vmem_shared>> -> memref<10000x16xf32, #tpu.memory_space<vmem_shared>>
      tpu.enqueue_indirect_dma source(%arg7 : memref<128x16xf32, #tpu.memory_space<vmem>>) target(%dma_start3A_52 : memref<10000x16xf32, #tpu.memory_space<vmem_shared>>) offsets(%dma_start3A_49 : memref<128xi32, #tpu.memory_space<vmem>>) semaphore(%arg9 : memref<!tpu.dma_semaphore, #tpu.memory_space<semaphore_mem>>) {add = true}
      %add3A_53 = arith.constant 2 : i32
      %add3A_54 = arith.addi %mul3A_37, %add3A_53 : i32
      %mul3A_55 = arith.constant 128 : i32
      %mul3A_56 = arith.muli %add3A_54, %mul3A_55 : i32
      %dma_start3A_57 = tpu.memref_slice %arg6[%mul3A_56] : memref<10112xi32, #tpu.memory_space<vmem>> -> memref<128xi32, #tpu.memory_space<vmem>>
      %dma_start3A_58 = arith.constant 0 : i32
      %dma_start3A_59 = arith.constant 0 : i32
      %dma_start3A_60 = tpu.memref_slice %arg8[%dma_start3A_58, %dma_start3A_59] : memref<10000x16xf32, #tpu.memory_space<vmem_shared>> -> memref<10000x16xf32, #tpu.memory_space<vmem_shared>>
      tpu.enqueue_indirect_dma source(%arg7 : memref<128x16xf32, #tpu.memory_space<vmem>>) target(%dma_start3A_60 : memref<10000x16xf32, #tpu.memory_space<vmem_shared>>) offsets(%dma_start3A_57 : memref<128xi32, #tpu.memory_space<vmem>>) semaphore(%arg9 : memref<!tpu.dma_semaphore, #tpu.memory_space<semaphore_mem>>) {add = true}
      %add3A_61 = arith.constant 3 : i32
      %add3A_62 = arith.addi %mul3A_37, %add3A_61 : i32
      %mul3A_63 = arith.constant 128 : i32
      %mul3A_64 = arith.muli %add3A_62, %mul3A_63 : i32
      %dma_start3A_65 = tpu.memref_slice %arg6[%mul3A_64] : memref<10112xi32, #tpu.memory_space<vmem>> -> memref<128xi32, #tpu.memory_space<vmem>>
      %dma_start3A_66 = arith.constant 0 : i32
      %dma_start3A_67 = arith.constant 0 : i32
      %dma_start3A_68 = tpu.memref_slice %arg8[%dma_start3A_66, %dma_start3A_67] : memref<10000x16xf32, #tpu.memory_space<vmem_shared>> -> memref<10000x16xf32, #tpu.memory_space<vmem_shared>>
      tpu.enqueue_indirect_dma source(%arg7 : memref<128x16xf32, #tpu.memory_space<vmem>>) target(%dma_start3A_68 : memref<10000x16xf32, #tpu.memory_space<vmem_shared>>) offsets(%dma_start3A_65 : memref<128xi32, #tpu.memory_space<vmem>>) semaphore(%arg9 : memref<!tpu.dma_semaphore, #tpu.memory_space<semaphore_mem>>) {add = true}
      %add3A_69 = arith.constant 4 : i32
      %add3A_70 = arith.addi %mul3A_37, %add3A_69 : i32
      %mul3A_71 = arith.constant 128 : i32
      %mul3A_72 = arith.muli %add3A_70, %mul3A_71 : i32
      %dma_start3A_73 = tpu.memref_slice %arg6[%mul3A_72] : memref<10112xi32, #tpu.memory_space<vmem>> -> memref<128xi32, #tpu.memory_space<vmem>>
      %dma_start3A_74 = arith.constant 0 : i32
      %dma_start3A_75 = arith.constant 0 : i32
      %dma_start3A_76 = tpu.memref_slice %arg8[%dma_start3A_74, %dma_start3A_75] : memref<10000x16xf32, #tpu.memory_space<vmem_shared>> -> memref<10000x16xf32, #tpu.memory_space<vmem_shared>>
      tpu.enqueue_indirect_dma source(%arg7 : memref<128x16xf32, #tpu.memory_space<vmem>>) target(%dma_start3A_76 : memref<10000x16xf32, #tpu.memory_space<vmem_shared>>) offsets(%dma_start3A_73 : memref<128xi32, #tpu.memory_space<vmem>>) semaphore(%arg9 : memref<!tpu.dma_semaphore, #tpu.memory_space<semaphore_mem>>) {add = true}
      %add3A_77 = arith.constant 5 : i32
      %add3A_78 = arith.addi %mul3A_37, %add3A_77 : i32
      %mul3A_79 = arith.constant 128 : i32
      %mul3A_80 = arith.muli %add3A_78, %mul3A_79 : i32
      %dma_start3A_81 = tpu.memref_slice %arg6[%mul3A_80] : memref<10112xi32, #tpu.memory_space<vmem>> -> memref<128xi32, #tpu.memory_space<vmem>>
      %dma_start3A_82 = arith.constant 0 : i32
      %dma_start3A_83 = arith.constant 0 : i32
      %dma_start3A_84 = tpu.memref_slice %arg8[%dma_start3A_82, %dma_start3A_83] : memref<10000x16xf32, #tpu.memory_space<vmem_shared>> -> memref<10000x16xf32, #tpu.memory_space<vmem_shared>>
      tpu.enqueue_indirect_dma source(%arg7 : memref<128x16xf32, #tpu.memory_space<vmem>>) target(%dma_start3A_84 : memref<10000x16xf32, #tpu.memory_space<vmem_shared>>) offsets(%dma_start3A_81 : memref<128xi32, #tpu.memory_space<vmem>>) semaphore(%arg9 : memref<!tpu.dma_semaphore, #tpu.memory_space<semaphore_mem>>) {add = true}
      %add3A_85 = arith.constant 0 : i32
      %add3A_86 = arith.addi %mul3A_37, %add3A_85 : i32
      %mul3A_87 = arith.constant 128 : i32
      %mul3A_88 = arith.muli %add3A_86, %mul3A_87 : i32
      %dma_wait3A = tpu.memref_slice %arg6[%mul3A_88] : memref<10112xi32, #tpu.memory_space<vmem>> -> memref<128xi32, #tpu.memory_space<vmem>>
      %dma_wait3A_89 = arith.constant 0 : i32
      %dma_wait3A_90 = arith.constant 0 : i32
      %dma_wait3A_91 = tpu.memref_slice %arg8[%dma_wait3A_89, %dma_wait3A_90] : memref<10000x16xf32, #tpu.memory_space<vmem_shared>> -> memref<10000x16xf32, #tpu.memory_space<vmem_shared>>
      tpu.wait_indirect_dma semaphore(%arg9 : memref<!tpu.dma_semaphore, #tpu.memory_space<semaphore_mem>>) src(%arg7 : memref<128x16xf32, #tpu.memory_space<vmem>>) dst(%dma_wait3A_91 : memref<10000x16xf32, #tpu.memory_space<vmem_shared>>)
      %add3A_92 = arith.constant 1 : i32
      %add3A_93 = arith.addi %mul3A_37, %add3A_92 : i32
      %mul3A_94 = arith.constant 128 : i32
      %mul3A_95 = arith.muli %add3A_93, %mul3A_94 : i32
      %dma_wait3A_96 = tpu.memref_slice %arg6[%mul3A_95] : memref<10112xi32, #tpu.memory_space<vmem>> -> memref<128xi32, #tpu.memory_space<vmem>>
      %dma_wait3A_97 = arith.constant 0 : i32
      %dma_wait3A_98 = arith.constant 0 : i32
      %dma_wait3A_99 = tpu.memref_slice %arg8[%dma_wait3A_97, %dma_wait3A_98] : memref<10000x16xf32, #tpu.memory_space<vmem_shared>> -> memref<10000x16xf32, #tpu.memory_space<vmem_shared>>
      tpu.wait_indirect_dma semaphore(%arg9 : memref<!tpu.dma_semaphore, #tpu.memory_space<semaphore_mem>>) src(%arg7 : memref<128x16xf32, #tpu.memory_space<vmem>>) dst(%dma_wait3A_99 : memref<10000x16xf32, #tpu.memory_space<vmem_shared>>)
      %add3A_100 = arith.constant 2 : i32
      %add3A_101 = arith.addi %mul3A_37, %add3A_100 : i32
      %mul3A_102 = arith.constant 128 : i32
      %mul3A_103 = arith.muli %add3A_101, %mul3A_102 : i32
      %dma_wait3A_104 = tpu.memref_slice %arg6[%mul3A_103] : memref<10112xi32, #tpu.memory_space<vmem>> -> memref<128xi32, #tpu.memory_space<vmem>>
      %dma_wait3A_105 = arith.constant 0 : i32
      %dma_wait3A_106 = arith.constant 0 : i32
      %dma_wait3A_107 = tpu.memref_slice %arg8[%dma_wait3A_105, %dma_wait3A_106] : memref<10000x16xf32, #tpu.memory_space<vmem_shared>> -> memref<10000x16xf32, #tpu.memory_space<vmem_shared>>
      tpu.wait_indirect_dma semaphore(%arg9 : memref<!tpu.dma_semaphore, #tpu.memory_space<semaphore_mem>>) src(%arg7 : memref<128x16xf32, #tpu.memory_space<vmem>>) dst(%dma_wait3A_107 : memref<10000x16xf32, #tpu.memory_space<vmem_shared>>)
      %add3A_108 = arith.constant 3 : i32
      %add3A_109 = arith.addi %mul3A_37, %add3A_108 : i32
      %mul3A_110 = arith.constant 128 : i32
      %mul3A_111 = arith.muli %add3A_109, %mul3A_110 : i32
      %dma_wait3A_112 = tpu.memref_slice %arg6[%mul3A_111] : memref<10112xi32, #tpu.memory_space<vmem>> -> memref<128xi32, #tpu.memory_space<vmem>>
      %dma_wait3A_113 = arith.constant 0 : i32
      %dma_wait3A_114 = arith.constant 0 : i32
      %dma_wait3A_115 = tpu.memref_slice %arg8[%dma_wait3A_113, %dma_wait3A_114] : memref<10000x16xf32, #tpu.memory_space<vmem_shared>> -> memref<10000x16xf32, #tpu.memory_space<vmem_shared>>
      tpu.wait_indirect_dma semaphore(%arg9 : memref<!tpu.dma_semaphore, #tpu.memory_space<semaphore_mem>>) src(%arg7 : memref<128x16xf32, #tpu.memory_space<vmem>>) dst(%dma_wait3A_115 : memref<10000x16xf32, #tpu.memory_space<vmem_shared>>)
      %add3A_116 = arith.constant 4 : i32
      %add3A_117 = arith.addi %mul3A_37, %add3A_116 : i32
      %mul3A_118 = arith.constant 128 : i32
      %mul3A_119 = arith.muli %add3A_117, %mul3A_118 : i32
      %dma_wait3A_120 = tpu.memref_slice %arg6[%mul3A_119] : memref<10112xi32, #tpu.memory_space<vmem>> -> memref<128xi32, #tpu.memory_space<vmem>>
      %dma_wait3A_121 = arith.constant 0 : i32
      %dma_wait3A_122 = arith.constant 0 : i32
      %dma_wait3A_123 = tpu.memref_slice %arg8[%dma_wait3A_121, %dma_wait3A_122] : memref<10000x16xf32, #tpu.memory_space<vmem_shared>> -> memref<10000x16xf32, #tpu.memory_space<vmem_shared>>
      tpu.wait_indirect_dma semaphore(%arg9 : memref<!tpu.dma_semaphore, #tpu.memory_space<semaphore_mem>>) src(%arg7 : memref<128x16xf32, #tpu.memory_space<vmem>>) dst(%dma_wait3A_123 : memref<10000x16xf32, #tpu.memory_space<vmem_shared>>)
      %add3A_124 = arith.constant 5 : i32
      %add3A_125 = arith.addi %mul3A_37, %add3A_124 : i32
      %mul3A_126 = arith.constant 128 : i32
      %mul3A_127 = arith.muli %add3A_125, %mul3A_126 : i32
      %dma_wait3A_128 = tpu.memref_slice %arg6[%mul3A_127] : memref<10112xi32, #tpu.memory_space<vmem>> -> memref<128xi32, #tpu.memory_space<vmem>>
      %dma_wait3A_129 = arith.constant 0 : i32
      %dma_wait3A_130 = arith.constant 0 : i32
      %dma_wait3A_131 = tpu.memref_slice %arg8[%dma_wait3A_129, %dma_wait3A_130] : memref<10000x16xf32, #tpu.memory_space<vmem_shared>> -> memref<10000x16xf32, #tpu.memory_space<vmem_shared>>
      tpu.wait_indirect_dma semaphore(%arg9 : memref<!tpu.dma_semaphore, #tpu.memory_space<semaphore_mem>>) src(%arg7 : memref<128x16xf32, #tpu.memory_space<vmem>>) dst(%dma_wait3A_131 : memref<10000x16xf32, #tpu.memory_space<vmem_shared>>)
      %scan3A_132 = arith.constant 0 : i32
      scf.yield %scan3A_132 : i32
    }
    %scan3A_18 = arith.constant 13 : i32
    %ge3A_19 = arith.constant 28 : i32
    %ge3A_20 = arith.cmpi sge, %add3A, %ge3A_19 : i32
    %convert_element_type3A_21 = arith.extui %ge3A_20 : i1 to i32
    %cond3A_22 = arith.constant 0 : i32
    %cond3A_23 = arith.cmpi ne, %convert_element_type3A_21, %cond3A_22 : i32
    scf.if %cond3A_23 {
      "tpu.region"() ({
        %run_scoped3A_34 = tpu.sem_alloc : memref<!tpu.dma_semaphore, #tpu.memory_space<semaphore_mem>>
        %dma_start3A = arith.constant 9984 : i32
        %dma_start3A_35 = tpu.memref_slice %arg6[%dma_start3A] : memref<10112xi32, #tpu.memory_space<vmem>> -> memref<128xi32, #tpu.memory_space<vmem>>
        %dma_start3A_36 = arith.constant 0 : i32
        %dma_start3A_37 = arith.constant 0 : i32
        %dma_start3A_38 = tpu.memref_slice %arg8[%dma_start3A_36, %dma_start3A_37] : memref<10000x16xf32, #tpu.memory_space<vmem_shared>> -> memref<10000x16xf32, #tpu.memory_space<vmem_shared>>
        tpu.enqueue_indirect_dma source(%arg7 : memref<128x16xf32, #tpu.memory_space<vmem>>) target(%dma_start3A_38 : memref<10000x16xf32, #tpu.memory_space<vmem_shared>>) offsets(%dma_start3A_35 : memref<128xi32, #tpu.memory_space<vmem>>) semaphore(%run_scoped3A_34 : memref<!tpu.dma_semaphore, #tpu.memory_space<semaphore_mem>>) {add = true}
        %dma_wait3A = arith.constant 9984 : i32
        %dma_wait3A_39 = tpu.memref_slice %arg6[%dma_wait3A] : memref<10112xi32, #tpu.memory_space<vmem>> -> memref<128xi32, #tpu.memory_space<vmem>>
        %dma_wait3A_40 = arith.constant 0 : i32
        %dma_wait3A_41 = arith.constant 0 : i32
        %dma_wait3A_42 = tpu.memref_slice %arg8[%dma_wait3A_40, %dma_wait3A_41] : memref<10000x16xf32, #tpu.memory_space<vmem_shared>> -> memref<10000x16xf32, #tpu.memory_space<vmem_shared>>
        tpu.wait_indirect_dma semaphore(%run_scoped3A_34 : memref<!tpu.dma_semaphore, #tpu.memory_space<semaphore_mem>>) src(%arg7 : memref<128x16xf32, #tpu.memory_space<vmem>>) dst(%dma_wait3A_42 : memref<10000x16xf32, #tpu.memory_space<vmem_shared>>)
        tpu.yield
      }) : () -> ()
    } else {
    }
    %barrier3A_24 = arith.constant 0 : index
    tpu.barrier barrier_id(%barrier3A_24)
    %mul3A_25 = arith.constant 624 : i32
    %mul3A_26 = arith.muli %arg1, %mul3A_25 : i32
    %mul3A_27 = arith.constant 624 : i32
    %mul3A_28 = arith.muli %arg1, %mul3A_27 : i32
    "tpu.region"() ({
      %run_scoped3A_34 = tpu.sem_alloc : memref<!tpu.dma_semaphore, #tpu.memory_space<semaphore_mem>>
      %dma_start3A = arith.constant 0 : i32
      %dma_start3A_35 = arith.constant 0 : i32
      %dma_start3A_36 = tpu.memref_slice %arg5[%arg0, %dma_start3A, %dma_start3A_35] : memref<2x10000x16xf32, #tpu.memory_space<hbm>> -> memref<1x10000x16xf32, #tpu.memory_space<hbm>>
      %dma_start3A_37 = tpu.memref_squeeze %dma_start3A_36 : memref<1x10000x16xf32, #tpu.memory_space<hbm>> -> memref<10000x16xf32, #tpu.memory_space<hbm>>
      %dma_start3A_38 = arith.constant 0 : i32
      %dma_start3A_39 = tpu.memref_slice %dma_start3A_37[%mul3A_28, %dma_start3A_38] : memref<10000x16xf32, #tpu.memory_space<hbm>> -> memref<624x16xf32, #tpu.memory_space<hbm>>
      %dma_start3A_40 = arith.constant 0 : i32
      %dma_start3A_41 = tpu.memref_slice %arg8[%mul3A_26, %dma_start3A_40] : memref<10000x16xf32, #tpu.memory_space<vmem_shared>> -> memref<624x16xf32, #tpu.memory_space<vmem_shared>>
      tpu.enqueue_dma source(%dma_start3A_41 : memref<624x16xf32, #tpu.memory_space<vmem_shared>>) target(%dma_start3A_39 : memref<624x16xf32, #tpu.memory_space<hbm>>) target_semaphore(%run_scoped3A_34 : memref<!tpu.dma_semaphore, #tpu.memory_space<semaphore_mem>>)
      %dma_wait3A = arith.constant 0 : i32
      %dma_wait3A_42 = arith.constant 0 : i32
      %dma_wait3A_43 = tpu.memref_slice %arg5[%arg0, %dma_wait3A, %dma_wait3A_42] : memref<2x10000x16xf32, #tpu.memory_space<hbm>> -> memref<1x10000x16xf32, #tpu.memory_space<hbm>>
      %dma_wait3A_44 = tpu.memref_squeeze %dma_wait3A_43 : memref<1x10000x16xf32, #tpu.memory_space<hbm>> -> memref<10000x16xf32, #tpu.memory_space<hbm>>
      %dma_wait3A_45 = arith.constant 0 : i32
      %dma_wait3A_46 = tpu.memref_slice %dma_wait3A_44[%mul3A_28, %dma_wait3A_45] : memref<10000x16xf32, #tpu.memory_space<hbm>> -> memref<624x16xf32, #tpu.memory_space<hbm>>
      %dma_wait3A_47 = arith.constant 0 : i32
      %dma_wait3A_48 = tpu.memref_slice %arg8[%mul3A_26, %dma_wait3A_47] : memref<10000x16xf32, #tpu.memory_space<vmem_shared>> -> memref<624x16xf32, #tpu.memory_space<vmem_shared>>
      tpu.wait_dma2 semaphore(%run_scoped3A_34 : memref<!tpu.dma_semaphore, #tpu.memory_space<semaphore_mem>>) src(%dma_wait3A_48 : memref<624x16xf32, #tpu.memory_space<vmem_shared>>) dst(%dma_wait3A_46 : memref<624x16xf32, #tpu.memory_space<hbm>>)
      tpu.yield
    }) : () -> ()
    %eq3A_29 = arith.constant 15 : i32
    %eq3A_30 = arith.cmpi eq, %arg1, %eq3A_29 : i32
    %convert_element_type3A_31 = arith.extui %eq3A_30 : i1 to i32
    %cond3A_32 = arith.constant 0 : i32
    %cond3A_33 = arith.cmpi ne, %convert_element_type3A_31, %cond3A_32 : i32
    scf.if %cond3A_33 {
      "tpu.region"() ({
        %run_scoped3A_34 = tpu.sem_alloc : memref<!tpu.dma_semaphore, #tpu.memory_space<semaphore_mem>>
        %dma_start3A = arith.constant 0 : i32
        %dma_start3A_35 = arith.constant 0 : i32
        %dma_start3A_36 = tpu.memref_slice %arg5[%arg0, %dma_start3A, %dma_start3A_35] : memref<2x10000x16xf32, #tpu.memory_space<hbm>> -> memref<1x10000x16xf32, #tpu.memory_space<hbm>>
        %dma_start3A_37 = tpu.memref_squeeze %dma_start3A_36 : memref<1x10000x16xf32, #tpu.memory_space<hbm>> -> memref<10000x16xf32, #tpu.memory_space<hbm>>
        %dma_start3A_38 = arith.constant 9984 : i32
        %dma_start3A_39 = arith.constant 0 : i32
        %dma_start3A_40 = tpu.memref_slice %dma_start3A_37[%dma_start3A_38, %dma_start3A_39] : memref<10000x16xf32, #tpu.memory_space<hbm>> -> memref<16x16xf32, #tpu.memory_space<hbm>>
        %dma_start3A_41 = arith.constant 9984 : i32
        %dma_start3A_42 = arith.constant 0 : i32
        %dma_start3A_43 = tpu.memref_slice %arg8[%dma_start3A_41, %dma_start3A_42] : memref<10000x16xf32, #tpu.memory_space<vmem_shared>> -> memref<16x16xf32, #tpu.memory_space<vmem_shared>>
        tpu.enqueue_dma source(%dma_start3A_43 : memref<16x16xf32, #tpu.memory_space<vmem_shared>>) target(%dma_start3A_40 : memref<16x16xf32, #tpu.memory_space<hbm>>) target_semaphore(%run_scoped3A_34 : memref<!tpu.dma_semaphore, #tpu.memory_space<semaphore_mem>>)
        %dma_wait3A = arith.constant 0 : i32
        %dma_wait3A_44 = arith.constant 0 : i32
        %dma_wait3A_45 = tpu.memref_slice %arg5[%arg0, %dma_wait3A, %dma_wait3A_44] : memref<2x10000x16xf32, #tpu.memory_space<hbm>> -> memref<1x10000x16xf32, #tpu.memory_space<hbm>>
        %dma_wait3A_46 = tpu.memref_squeeze %dma_wait3A_45 : memref<1x10000x16xf32, #tpu.memory_space<hbm>> -> memref<10000x16xf32, #tpu.memory_space<hbm>>
        %dma_wait3A_47 = arith.constant 9984 : i32
        %dma_wait3A_48 = arith.constant 0 : i32
        %dma_wait3A_49 = tpu.memref_slice %dma_wait3A_46[%dma_wait3A_47, %dma_wait3A_48] : memref<10000x16xf32, #tpu.memory_space<hbm>> -> memref<16x16xf32, #tpu.memory_space<hbm>>
        %dma_wait3A_50 = arith.constant 9984 : i32
        %dma_wait3A_51 = arith.constant 0 : i32
        %dma_wait3A_52 = tpu.memref_slice %arg8[%dma_wait3A_50, %dma_wait3A_51] : memref<10000x16xf32, #tpu.memory_space<vmem_shared>> -> memref<16x16xf32, #tpu.memory_space<vmem_shared>>
        tpu.wait_dma2 semaphore(%run_scoped3A_34 : memref<!tpu.dma_semaphore, #tpu.memory_space<semaphore_mem>>) src(%dma_wait3A_52 : memref<16x16xf32, #tpu.memory_space<vmem_shared>>) dst(%dma_wait3A_49 : memref<16x16xf32, #tpu.memory_space<hbm>>)
        tpu.yield
      }) : () -> ()
    } else {
    }
    return
  }
}

#map = affine_map<(d0, d1) -> (0, 0)>
#map1 = affine_map<(d0, d1) -> (0, 0, 0)>
module attributes {stable_mosaic.version = 14 : i64} {
  func.func @_sc_agg_body(%arg0: i32, %arg1: i32, %arg2: memref<2x320000xi32, #tpu.memory_space<hbm>>, %arg3: memref<10000x64xf32, #tpu.memory_space<hbm>>, %arg4: memref<10000x64xf32, #tpu.memory_space<hbm>>, %arg5: memref<2x10000x64xf32, #tpu.memory_space<hbm>>, %arg6: memref<10112xi32, #tpu.memory_space<vmem>>, %arg7: memref<10112xi32, #tpu.memory_space<vmem>>, %arg8: memref<128x64xf32, #tpu.memory_space<vmem>>, %arg9: memref<128x64xf32, #tpu.memory_space<vmem>>, %arg10: memref<128x64xf32, #tpu.memory_space<vmem>>, %arg11: memref<128x64xf32, #tpu.memory_space<vmem>>, %arg12: memref<128x64xf32, #tpu.memory_space<vmem>>, %arg13: memref<128x64xf32, #tpu.memory_space<vmem>>, %arg14: memref<10000x64xf32, #tpu.memory_space<vmem_shared>>, %arg15: memref<!tpu.dma_semaphore, #tpu.memory_space<semaphore_mem>>, %arg16: memref<!tpu.dma_semaphore, #tpu.memory_space<semaphore_mem>>, %arg17: memref<!tpu.dma_semaphore, #tpu.memory_space<semaphore_mem>>, %arg18: memref<!tpu.dma_semaphore, #tpu.memory_space<semaphore_mem>>, %arg19: memref<!tpu.dma_semaphore, #tpu.memory_space<semaphore_mem>>, %arg20: memref<!tpu.dma_semaphore, #tpu.memory_space<semaphore_mem>>) attributes {dimension_semantics = [#tpu.dimension_semantics<core_parallel>, #tpu.dimension_semantics<subcore_parallel>], iteration_bounds = array<i64: 2, 16>, scalar_prefetch = 0 : i64, scratch_operands = 15 : i64, tpu.core_type = #tpu.core_type<sc_vector_subcore>, window_params = [{transform_indices = #map}, {transform_indices = #map}, {transform_indices = #map}, {transform_indices = #map1}]} {
    %mul3A = arith.constant 16 : i32
    %mul3A_0 = arith.muli %arg0, %mul3A : i32
    %add3A = arith.addi %mul3A_0, %arg1 : i32
    %mul3A_1 = arith.constant 624 : i32
    %mul3A_2 = arith.muli %arg1, %mul3A_1 : i32
    %mul3A_3 = arith.constant 624 : i32
    %mul3A_4 = arith.muli %arg1, %mul3A_3 : i32
    "tpu.region"() ({
      %run_scoped3A_71 = tpu.sem_alloc : memref<!tpu.dma_semaphore, #tpu.memory_space<semaphore_mem>>
      %dma_start3A_72 = arith.constant 0 : i32
      %dma_start3A_73 = tpu.memref_slice %arg14[%mul3A_4, %dma_start3A_72] : memref<10000x64xf32, #tpu.memory_space<vmem_shared>> -> memref<624x64xf32, #tpu.memory_space<vmem_shared>>
      %dma_start3A_74 = arith.constant 0 : i32
      %dma_start3A_75 = tpu.memref_slice %arg4[%mul3A_2, %dma_start3A_74] : memref<10000x64xf32, #tpu.memory_space<hbm>> -> memref<624x64xf32, #tpu.memory_space<hbm>>
      tpu.enqueue_dma source(%dma_start3A_75 : memref<624x64xf32, #tpu.memory_space<hbm>>) target(%dma_start3A_73 : memref<624x64xf32, #tpu.memory_space<vmem_shared>>) target_semaphore(%run_scoped3A_71 : memref<!tpu.dma_semaphore, #tpu.memory_space<semaphore_mem>>)
      %dma_wait3A = arith.constant 0 : i32
      %dma_wait3A_76 = tpu.memref_slice %arg14[%mul3A_4, %dma_wait3A] : memref<10000x64xf32, #tpu.memory_space<vmem_shared>> -> memref<624x64xf32, #tpu.memory_space<vmem_shared>>
      %dma_wait3A_77 = arith.constant 0 : i32
      %dma_wait3A_78 = tpu.memref_slice %arg4[%mul3A_2, %dma_wait3A_77] : memref<10000x64xf32, #tpu.memory_space<hbm>> -> memref<624x64xf32, #tpu.memory_space<hbm>>
      tpu.wait_dma2 semaphore(%run_scoped3A_71 : memref<!tpu.dma_semaphore, #tpu.memory_space<semaphore_mem>>) src(%dma_wait3A_78 : memref<624x64xf32, #tpu.memory_space<hbm>>) dst(%dma_wait3A_76 : memref<624x64xf32, #tpu.memory_space<vmem_shared>>)
      tpu.yield
    }) : () -> ()
    %eq3A = arith.constant 15 : i32
    %eq3A_5 = arith.cmpi eq, %arg1, %eq3A : i32
    %convert_element_type3A = arith.extui %eq3A_5 : i1 to i32
    %cond3A = arith.constant 0 : i32
    %cond3A_6 = arith.cmpi ne, %convert_element_type3A, %cond3A : i32
    scf.if %cond3A_6 {
      "tpu.region"() ({
        %run_scoped3A_71 = tpu.sem_alloc : memref<!tpu.dma_semaphore, #tpu.memory_space<semaphore_mem>>
        %dma_start3A_72 = arith.constant 9984 : i32
        %dma_start3A_73 = arith.constant 0 : i32
        %dma_start3A_74 = tpu.memref_slice %arg14[%dma_start3A_72, %dma_start3A_73] : memref<10000x64xf32, #tpu.memory_space<vmem_shared>> -> memref<16x64xf32, #tpu.memory_space<vmem_shared>>
        %dma_start3A_75 = arith.constant 9984 : i32
        %dma_start3A_76 = arith.constant 0 : i32
        %dma_start3A_77 = tpu.memref_slice %arg4[%dma_start3A_75, %dma_start3A_76] : memref<10000x64xf32, #tpu.memory_space<hbm>> -> memref<16x64xf32, #tpu.memory_space<hbm>>
        tpu.enqueue_dma source(%dma_start3A_77 : memref<16x64xf32, #tpu.memory_space<hbm>>) target(%dma_start3A_74 : memref<16x64xf32, #tpu.memory_space<vmem_shared>>) target_semaphore(%run_scoped3A_71 : memref<!tpu.dma_semaphore, #tpu.memory_space<semaphore_mem>>)
        %dma_wait3A = arith.constant 9984 : i32
        %dma_wait3A_78 = arith.constant 0 : i32
        %dma_wait3A_79 = tpu.memref_slice %arg14[%dma_wait3A, %dma_wait3A_78] : memref<10000x64xf32, #tpu.memory_space<vmem_shared>> -> memref<16x64xf32, #tpu.memory_space<vmem_shared>>
        %dma_wait3A_80 = arith.constant 9984 : i32
        %dma_wait3A_81 = arith.constant 0 : i32
        %dma_wait3A_82 = tpu.memref_slice %arg4[%dma_wait3A_80, %dma_wait3A_81] : memref<10000x64xf32, #tpu.memory_space<hbm>> -> memref<16x64xf32, #tpu.memory_space<hbm>>
        tpu.wait_dma2 semaphore(%run_scoped3A_71 : memref<!tpu.dma_semaphore, #tpu.memory_space<semaphore_mem>>) src(%dma_wait3A_82 : memref<16x64xf32, #tpu.memory_space<hbm>>) dst(%dma_wait3A_79 : memref<16x64xf32, #tpu.memory_space<vmem_shared>>)
        tpu.yield
      }) : () -> ()
    } else {
    }
    %barrier3A = arith.constant 0 : index
    tpu.barrier barrier_id(%barrier3A)
    %mul3A_7 = arith.constant 9984 : i32
    %mul3A_8 = arith.muli %add3A, %mul3A_7 : i32
    %run_scoped3A = arith.constant 0 : i32
    "tpu.region"() ({
      %run_scoped3A_71 = tpu.sem_alloc : memref<!tpu.dma_semaphore, #tpu.memory_space<semaphore_mem>>
      %dma_start3A_72 = arith.constant 0 : i32
      %dma_start3A_73 = tpu.memref_slice %arg6[%dma_start3A_72] : memref<10112xi32, #tpu.memory_space<vmem>> -> memref<9984xi32, #tpu.memory_space<vmem>>
      %dma_start3A_74 = tpu.memref_slice %arg2[%run_scoped3A, %mul3A_8] : memref<2x320000xi32, #tpu.memory_space<hbm>> -> memref<1x9984xi32, #tpu.memory_space<hbm>>
      %dma_start3A_75 = tpu.memref_squeeze %dma_start3A_74 : memref<1x9984xi32, #tpu.memory_space<hbm>> -> memref<9984xi32, #tpu.memory_space<hbm>>
      %dma_start3A_76 = arith.constant 0 : i32
      %dma_start3A_77 = tpu.memref_slice %arg6[%dma_start3A_76] : memref<10112xi32, #tpu.memory_space<vmem>> -> memref<9984xi32, #tpu.memory_space<vmem>>
      %dma_start3A_78 = tpu.memref_slice %arg2[%run_scoped3A, %mul3A_8] : memref<2x320000xi32, #tpu.memory_space<hbm>> -> memref<1x9984xi32, #tpu.memory_space<hbm>>
      %dma_start3A_79 = tpu.memref_squeeze %dma_start3A_78 : memref<1x9984xi32, #tpu.memory_space<hbm>> -> memref<9984xi32, #tpu.memory_space<hbm>>
      tpu.enqueue_dma source(%dma_start3A_79 : memref<9984xi32, #tpu.memory_space<hbm>>) target(%dma_start3A_77 : memref<9984xi32, #tpu.memory_space<vmem>>) target_semaphore(%run_scoped3A_71 : memref<!tpu.dma_semaphore, #tpu.memory_space<semaphore_mem>>)
      %dma_wait3A = arith.constant 0 : i32
      %dma_wait3A_80 = tpu.memref_slice %arg6[%dma_wait3A] : memref<10112xi32, #tpu.memory_space<vmem>> -> memref<9984xi32, #tpu.memory_space<vmem>>
      %dma_wait3A_81 = tpu.memref_slice %arg2[%run_scoped3A, %mul3A_8] : memref<2x320000xi32, #tpu.memory_space<hbm>> -> memref<1x9984xi32, #tpu.memory_space<hbm>>
      %dma_wait3A_82 = tpu.memref_squeeze %dma_wait3A_81 : memref<1x9984xi32, #tpu.memory_space<hbm>> -> memref<9984xi32, #tpu.memory_space<hbm>>
      %dma_wait3A_83 = arith.constant 0 : i32
      %dma_wait3A_84 = tpu.memref_slice %arg6[%dma_wait3A_83] : memref<10112xi32, #tpu.memory_space<vmem>> -> memref<9984xi32, #tpu.memory_space<vmem>>
      %dma_wait3A_85 = tpu.memref_slice %arg2[%run_scoped3A, %mul3A_8] : memref<2x320000xi32, #tpu.memory_space<hbm>> -> memref<1x9984xi32, #tpu.memory_space<hbm>>
      %dma_wait3A_86 = tpu.memref_squeeze %dma_wait3A_85 : memref<1x9984xi32, #tpu.memory_space<hbm>> -> memref<9984xi32, #tpu.memory_space<hbm>>
      tpu.wait_dma2 semaphore(%run_scoped3A_71 : memref<!tpu.dma_semaphore, #tpu.memory_space<semaphore_mem>>) src(%dma_wait3A_86 : memref<9984xi32, #tpu.memory_space<hbm>>) dst(%dma_wait3A_84 : memref<9984xi32, #tpu.memory_space<vmem>>)
      tpu.yield
    }) : () -> ()
    %ge3A = arith.constant 28 : i32
    %ge3A_9 = arith.cmpi sge, %add3A, %ge3A : i32
    %convert_element_type3A_10 = arith.extui %ge3A_9 : i1 to i32
    %cond3A_11 = arith.constant 0 : i32
    %cond3A_12 = arith.cmpi ne, %convert_element_type3A_10, %cond3A_11 : i32
    scf.if %cond3A_12 {
      %add3A_71 = arith.constant 2496 : i32
      %add3A_72 = arith.addi %add3A_71, %add3A : i32
      %sub3A = arith.constant 28 : i32
      %sub3A_73 = arith.subi %add3A_72, %sub3A : i32
      %mul3A_74 = arith.constant 128 : i32
      %mul3A_75 = arith.muli %sub3A_73, %mul3A_74 : i32
      %run_scoped3A_76 = arith.constant 0 : i32
      "tpu.region"() ({
        %run_scoped3A_77 = tpu.sem_alloc : memref<!tpu.dma_semaphore, #tpu.memory_space<semaphore_mem>>
        %dma_start3A_78 = arith.constant 9984 : i32
        %dma_start3A_79 = tpu.memref_slice %arg6[%dma_start3A_78] : memref<10112xi32, #tpu.memory_space<vmem>> -> memref<128xi32, #tpu.memory_space<vmem>>
        %dma_start3A_80 = tpu.memref_slice %arg2[%run_scoped3A_76, %mul3A_75] : memref<2x320000xi32, #tpu.memory_space<hbm>> -> memref<1x128xi32, #tpu.memory_space<hbm>>
        %dma_start3A_81 = tpu.memref_squeeze %dma_start3A_80 : memref<1x128xi32, #tpu.memory_space<hbm>> -> memref<128xi32, #tpu.memory_space<hbm>>
        %dma_start3A_82 = arith.constant 9984 : i32
        %dma_start3A_83 = tpu.memref_slice %arg6[%dma_start3A_82] : memref<10112xi32, #tpu.memory_space<vmem>> -> memref<128xi32, #tpu.memory_space<vmem>>
        %dma_start3A_84 = tpu.memref_slice %arg2[%run_scoped3A_76, %mul3A_75] : memref<2x320000xi32, #tpu.memory_space<hbm>> -> memref<1x128xi32, #tpu.memory_space<hbm>>
        %dma_start3A_85 = tpu.memref_squeeze %dma_start3A_84 : memref<1x128xi32, #tpu.memory_space<hbm>> -> memref<128xi32, #tpu.memory_space<hbm>>
        tpu.enqueue_dma source(%dma_start3A_85 : memref<128xi32, #tpu.memory_space<hbm>>) target(%dma_start3A_83 : memref<128xi32, #tpu.memory_space<vmem>>) target_semaphore(%run_scoped3A_77 : memref<!tpu.dma_semaphore, #tpu.memory_space<semaphore_mem>>)
        %dma_wait3A = arith.constant 9984 : i32
        %dma_wait3A_86 = tpu.memref_slice %arg6[%dma_wait3A] : memref<10112xi32, #tpu.memory_space<vmem>> -> memref<128xi32, #tpu.memory_space<vmem>>
        %dma_wait3A_87 = tpu.memref_slice %arg2[%run_scoped3A_76, %mul3A_75] : memref<2x320000xi32, #tpu.memory_space<hbm>> -> memref<1x128xi32, #tpu.memory_space<hbm>>
        %dma_wait3A_88 = tpu.memref_squeeze %dma_wait3A_87 : memref<1x128xi32, #tpu.memory_space<hbm>> -> memref<128xi32, #tpu.memory_space<hbm>>
        %dma_wait3A_89 = arith.constant 9984 : i32
        %dma_wait3A_90 = tpu.memref_slice %arg6[%dma_wait3A_89] : memref<10112xi32, #tpu.memory_space<vmem>> -> memref<128xi32, #tpu.memory_space<vmem>>
        %dma_wait3A_91 = tpu.memref_slice %arg2[%run_scoped3A_76, %mul3A_75] : memref<2x320000xi32, #tpu.memory_space<hbm>> -> memref<1x128xi32, #tpu.memory_space<hbm>>
        %dma_wait3A_92 = tpu.memref_squeeze %dma_wait3A_91 : memref<1x128xi32, #tpu.memory_space<hbm>> -> memref<128xi32, #tpu.memory_space<hbm>>
        tpu.wait_dma2 semaphore(%run_scoped3A_77 : memref<!tpu.dma_semaphore, #tpu.memory_space<semaphore_mem>>) src(%dma_wait3A_92 : memref<128xi32, #tpu.memory_space<hbm>>) dst(%dma_wait3A_90 : memref<128xi32, #tpu.memory_space<vmem>>)
        tpu.yield
      }) : () -> ()
    } else {
    }
    %mul3A_13 = arith.constant 9984 : i32
    %mul3A_14 = arith.muli %add3A, %mul3A_13 : i32
    %run_scoped3A_15 = arith.constant 1 : i32
    "tpu.region"() ({
      %run_scoped3A_71 = tpu.sem_alloc : memref<!tpu.dma_semaphore, #tpu.memory_space<semaphore_mem>>
      %dma_start3A_72 = arith.constant 0 : i32
      %dma_start3A_73 = tpu.memref_slice %arg7[%dma_start3A_72] : memref<10112xi32, #tpu.memory_space<vmem>> -> memref<9984xi32, #tpu.memory_space<vmem>>
      %dma_start3A_74 = tpu.memref_slice %arg2[%run_scoped3A_15, %mul3A_14] : memref<2x320000xi32, #tpu.memory_space<hbm>> -> memref<1x9984xi32, #tpu.memory_space<hbm>>
      %dma_start3A_75 = tpu.memref_squeeze %dma_start3A_74 : memref<1x9984xi32, #tpu.memory_space<hbm>> -> memref<9984xi32, #tpu.memory_space<hbm>>
      %dma_start3A_76 = arith.constant 0 : i32
      %dma_start3A_77 = tpu.memref_slice %arg7[%dma_start3A_76] : memref<10112xi32, #tpu.memory_space<vmem>> -> memref<9984xi32, #tpu.memory_space<vmem>>
      %dma_start3A_78 = tpu.memref_slice %arg2[%run_scoped3A_15, %mul3A_14] : memref<2x320000xi32, #tpu.memory_space<hbm>> -> memref<1x9984xi32, #tpu.memory_space<hbm>>
      %dma_start3A_79 = tpu.memref_squeeze %dma_start3A_78 : memref<1x9984xi32, #tpu.memory_space<hbm>> -> memref<9984xi32, #tpu.memory_space<hbm>>
      tpu.enqueue_dma source(%dma_start3A_79 : memref<9984xi32, #tpu.memory_space<hbm>>) target(%dma_start3A_77 : memref<9984xi32, #tpu.memory_space<vmem>>) target_semaphore(%run_scoped3A_71 : memref<!tpu.dma_semaphore, #tpu.memory_space<semaphore_mem>>)
      %dma_wait3A = arith.constant 0 : i32
      %dma_wait3A_80 = tpu.memref_slice %arg7[%dma_wait3A] : memref<10112xi32, #tpu.memory_space<vmem>> -> memref<9984xi32, #tpu.memory_space<vmem>>
      %dma_wait3A_81 = tpu.memref_slice %arg2[%run_scoped3A_15, %mul3A_14] : memref<2x320000xi32, #tpu.memory_space<hbm>> -> memref<1x9984xi32, #tpu.memory_space<hbm>>
      %dma_wait3A_82 = tpu.memref_squeeze %dma_wait3A_81 : memref<1x9984xi32, #tpu.memory_space<hbm>> -> memref<9984xi32, #tpu.memory_space<hbm>>
      %dma_wait3A_83 = arith.constant 0 : i32
      %dma_wait3A_84 = tpu.memref_slice %arg7[%dma_wait3A_83] : memref<10112xi32, #tpu.memory_space<vmem>> -> memref<9984xi32, #tpu.memory_space<vmem>>
      %dma_wait3A_85 = tpu.memref_slice %arg2[%run_scoped3A_15, %mul3A_14] : memref<2x320000xi32, #tpu.memory_space<hbm>> -> memref<1x9984xi32, #tpu.memory_space<hbm>>
      %dma_wait3A_86 = tpu.memref_squeeze %dma_wait3A_85 : memref<1x9984xi32, #tpu.memory_space<hbm>> -> memref<9984xi32, #tpu.memory_space<hbm>>
      tpu.wait_dma2 semaphore(%run_scoped3A_71 : memref<!tpu.dma_semaphore, #tpu.memory_space<semaphore_mem>>) src(%dma_wait3A_86 : memref<9984xi32, #tpu.memory_space<hbm>>) dst(%dma_wait3A_84 : memref<9984xi32, #tpu.memory_space<vmem>>)
      tpu.yield
    }) : () -> ()
    %ge3A_16 = arith.constant 28 : i32
    %ge3A_17 = arith.cmpi sge, %add3A, %ge3A_16 : i32
    %convert_element_type3A_18 = arith.extui %ge3A_17 : i1 to i32
    %cond3A_19 = arith.constant 0 : i32
    %cond3A_20 = arith.cmpi ne, %convert_element_type3A_18, %cond3A_19 : i32
    scf.if %cond3A_20 {
      %add3A_71 = arith.constant 2496 : i32
      %add3A_72 = arith.addi %add3A_71, %add3A : i32
      %sub3A = arith.constant 28 : i32
      %sub3A_73 = arith.subi %add3A_72, %sub3A : i32
      %mul3A_74 = arith.constant 128 : i32
      %mul3A_75 = arith.muli %sub3A_73, %mul3A_74 : i32
      %run_scoped3A_76 = arith.constant 1 : i32
      "tpu.region"() ({
        %run_scoped3A_77 = tpu.sem_alloc : memref<!tpu.dma_semaphore, #tpu.memory_space<semaphore_mem>>
        %dma_start3A_78 = arith.constant 9984 : i32
        %dma_start3A_79 = tpu.memref_slice %arg7[%dma_start3A_78] : memref<10112xi32, #tpu.memory_space<vmem>> -> memref<128xi32, #tpu.memory_space<vmem>>
        %dma_start3A_80 = tpu.memref_slice %arg2[%run_scoped3A_76, %mul3A_75] : memref<2x320000xi32, #tpu.memory_space<hbm>> -> memref<1x128xi32, #tpu.memory_space<hbm>>
        %dma_start3A_81 = tpu.memref_squeeze %dma_start3A_80 : memref<1x128xi32, #tpu.memory_space<hbm>> -> memref<128xi32, #tpu.memory_space<hbm>>
        %dma_start3A_82 = arith.constant 9984 : i32
        %dma_start3A_83 = tpu.memref_slice %arg7[%dma_start3A_82] : memref<10112xi32, #tpu.memory_space<vmem>> -> memref<128xi32, #tpu.memory_space<vmem>>
        %dma_start3A_84 = tpu.memref_slice %arg2[%run_scoped3A_76, %mul3A_75] : memref<2x320000xi32, #tpu.memory_space<hbm>> -> memref<1x128xi32, #tpu.memory_space<hbm>>
        %dma_start3A_85 = tpu.memref_squeeze %dma_start3A_84 : memref<1x128xi32, #tpu.memory_space<hbm>> -> memref<128xi32, #tpu.memory_space<hbm>>
        tpu.enqueue_dma source(%dma_start3A_85 : memref<128xi32, #tpu.memory_space<hbm>>) target(%dma_start3A_83 : memref<128xi32, #tpu.memory_space<vmem>>) target_semaphore(%run_scoped3A_77 : memref<!tpu.dma_semaphore, #tpu.memory_space<semaphore_mem>>)
        %dma_wait3A = arith.constant 9984 : i32
        %dma_wait3A_86 = tpu.memref_slice %arg7[%dma_wait3A] : memref<10112xi32, #tpu.memory_space<vmem>> -> memref<128xi32, #tpu.memory_space<vmem>>
        %dma_wait3A_87 = tpu.memref_slice %arg2[%run_scoped3A_76, %mul3A_75] : memref<2x320000xi32, #tpu.memory_space<hbm>> -> memref<1x128xi32, #tpu.memory_space<hbm>>
        %dma_wait3A_88 = tpu.memref_squeeze %dma_wait3A_87 : memref<1x128xi32, #tpu.memory_space<hbm>> -> memref<128xi32, #tpu.memory_space<hbm>>
        %dma_wait3A_89 = arith.constant 9984 : i32
        %dma_wait3A_90 = tpu.memref_slice %arg7[%dma_wait3A_89] : memref<10112xi32, #tpu.memory_space<vmem>> -> memref<128xi32, #tpu.memory_space<vmem>>
        %dma_wait3A_91 = tpu.memref_slice %arg2[%run_scoped3A_76, %mul3A_75] : memref<2x320000xi32, #tpu.memory_space<hbm>> -> memref<1x128xi32, #tpu.memory_space<hbm>>
        %dma_wait3A_92 = tpu.memref_squeeze %dma_wait3A_91 : memref<1x128xi32, #tpu.memory_space<hbm>> -> memref<128xi32, #tpu.memory_space<hbm>>
        tpu.wait_dma2 semaphore(%run_scoped3A_77 : memref<!tpu.dma_semaphore, #tpu.memory_space<semaphore_mem>>) src(%dma_wait3A_92 : memref<128xi32, #tpu.memory_space<hbm>>) dst(%dma_wait3A_90 : memref<128xi32, #tpu.memory_space<vmem>>)
        tpu.yield
      }) : () -> ()
    } else {
    }
    %dma_start3A = arith.constant 0 : i32
    %dma_start3A_21 = tpu.memref_slice %arg6[%dma_start3A] : memref<10112xi32, #tpu.memory_space<vmem>> -> memref<128xi32, #tpu.memory_space<vmem>>
    %dma_start3A_22 = arith.constant 0 : i32
    %dma_start3A_23 = arith.constant 0 : i32
    %dma_start3A_24 = tpu.memref_slice %arg3[%dma_start3A_22, %dma_start3A_23] : memref<10000x64xf32, #tpu.memory_space<hbm>> -> memref<10000x64xf32, #tpu.memory_space<hbm>>
    tpu.enqueue_indirect_dma source(%dma_start3A_24 : memref<10000x64xf32, #tpu.memory_space<hbm>>) target(%arg8 : memref<128x64xf32, #tpu.memory_space<vmem>>) offsets(%dma_start3A_21 : memref<128xi32, #tpu.memory_space<vmem>>) semaphore(%arg15 : memref<!tpu.dma_semaphore, #tpu.memory_space<semaphore_mem>>)
    %dma_start3A_25 = arith.constant 128 : i32
    %dma_start3A_26 = tpu.memref_slice %arg6[%dma_start3A_25] : memref<10112xi32, #tpu.memory_space<vmem>> -> memref<128xi32, #tpu.memory_space<vmem>>
    %dma_start3A_27 = arith.constant 0 : i32
    %dma_start3A_28 = arith.constant 0 : i32
    %dma_start3A_29 = tpu.memref_slice %arg3[%dma_start3A_27, %dma_start3A_28] : memref<10000x64xf32, #tpu.memory_space<hbm>> -> memref<10000x64xf32, #tpu.memory_space<hbm>>
    tpu.enqueue_indirect_dma source(%dma_start3A_29 : memref<10000x64xf32, #tpu.memory_space<hbm>>) target(%arg9 : memref<128x64xf32, #tpu.memory_space<vmem>>) offsets(%dma_start3A_26 : memref<128xi32, #tpu.memory_space<vmem>>) semaphore(%arg16 : memref<!tpu.dma_semaphore, #tpu.memory_space<semaphore_mem>>)
    %dma_start3A_30 = arith.constant 256 : i32
    %dma_start3A_31 = tpu.memref_slice %arg6[%dma_start3A_30] : memref<10112xi32, #tpu.memory_space<vmem>> -> memref<128xi32, #tpu.memory_space<vmem>>
    %dma_start3A_32 = arith.constant 0 : i32
    %dma_start3A_33 = arith.constant 0 : i32
    %dma_start3A_34 = tpu.memref_slice %arg3[%dma_start3A_32, %dma_start3A_33] : memref<10000x64xf32, #tpu.memory_space<hbm>> -> memref<10000x64xf32, #tpu.memory_space<hbm>>
    tpu.enqueue_indirect_dma source(%dma_start3A_34 : memref<10000x64xf32, #tpu.memory_space<hbm>>) target(%arg10 : memref<128x64xf32, #tpu.memory_space<vmem>>) offsets(%dma_start3A_31 : memref<128xi32, #tpu.memory_space<vmem>>) semaphore(%arg17 : memref<!tpu.dma_semaphore, #tpu.memory_space<semaphore_mem>>)
    %dma_start3A_35 = arith.constant 384 : i32
    %dma_start3A_36 = tpu.memref_slice %arg6[%dma_start3A_35] : memref<10112xi32, #tpu.memory_space<vmem>> -> memref<128xi32, #tpu.memory_space<vmem>>
    %dma_start3A_37 = arith.constant 0 : i32
    %dma_start3A_38 = arith.constant 0 : i32
    %dma_start3A_39 = tpu.memref_slice %arg3[%dma_start3A_37, %dma_start3A_38] : memref<10000x64xf32, #tpu.memory_space<hbm>> -> memref<10000x64xf32, #tpu.memory_space<hbm>>
    tpu.enqueue_indirect_dma source(%dma_start3A_39 : memref<10000x64xf32, #tpu.memory_space<hbm>>) target(%arg11 : memref<128x64xf32, #tpu.memory_space<vmem>>) offsets(%dma_start3A_36 : memref<128xi32, #tpu.memory_space<vmem>>) semaphore(%arg18 : memref<!tpu.dma_semaphore, #tpu.memory_space<semaphore_mem>>)
    %dma_start3A_40 = arith.constant 512 : i32
    %dma_start3A_41 = tpu.memref_slice %arg6[%dma_start3A_40] : memref<10112xi32, #tpu.memory_space<vmem>> -> memref<128xi32, #tpu.memory_space<vmem>>
    %dma_start3A_42 = arith.constant 0 : i32
    %dma_start3A_43 = arith.constant 0 : i32
    %dma_start3A_44 = tpu.memref_slice %arg3[%dma_start3A_42, %dma_start3A_43] : memref<10000x64xf32, #tpu.memory_space<hbm>> -> memref<10000x64xf32, #tpu.memory_space<hbm>>
    tpu.enqueue_indirect_dma source(%dma_start3A_44 : memref<10000x64xf32, #tpu.memory_space<hbm>>) target(%arg12 : memref<128x64xf32, #tpu.memory_space<vmem>>) offsets(%dma_start3A_41 : memref<128xi32, #tpu.memory_space<vmem>>) semaphore(%arg19 : memref<!tpu.dma_semaphore, #tpu.memory_space<semaphore_mem>>)
    %dma_start3A_45 = arith.constant 640 : i32
    %dma_start3A_46 = tpu.memref_slice %arg6[%dma_start3A_45] : memref<10112xi32, #tpu.memory_space<vmem>> -> memref<128xi32, #tpu.memory_space<vmem>>
    %dma_start3A_47 = arith.constant 0 : i32
    %dma_start3A_48 = arith.constant 0 : i32
    %dma_start3A_49 = tpu.memref_slice %arg3[%dma_start3A_47, %dma_start3A_48] : memref<10000x64xf32, #tpu.memory_space<hbm>> -> memref<10000x64xf32, #tpu.memory_space<hbm>>
    tpu.enqueue_indirect_dma source(%dma_start3A_49 : memref<10000x64xf32, #tpu.memory_space<hbm>>) target(%arg13 : memref<128x64xf32, #tpu.memory_space<vmem>>) offsets(%dma_start3A_46 : memref<128xi32, #tpu.memory_space<vmem>>) semaphore(%arg20 : memref<!tpu.dma_semaphore, #tpu.memory_space<semaphore_mem>>)
    %scan3A = arith.constant 0 : i32
    %scan3A_50 = arith.constant 0 : i32
    %scan3A_51 = arith.constant 13 : i32
    %scan3A_52 = arith.addi %scan3A_50, %scan3A_51 : i32
    %scan3A_53 = arith.constant 1 : i32
    %scan3A_54 = scf.for %scan3A_71 = %scan3A_50 to %scan3A_52 step %scan3A_53 iter_args(%scan3A_72 = %scan3A) -> (i32)  : i32 {
      %mul3A_73 = arith.constant 6 : i32
      %mul3A_74 = arith.muli %scan3A_71, %mul3A_73 : i32
      %add3A_75 = arith.constant 0 : i32
      %add3A_76 = arith.addi %mul3A_74, %add3A_75 : i32
      %mul3A_77 = arith.constant 128 : i32
      %mul3A_78 = arith.muli %add3A_76, %mul3A_77 : i32
      %dma_wait3A = tpu.memref_slice %arg6[%mul3A_78] : memref<10112xi32, #tpu.memory_space<vmem>> -> memref<128xi32, #tpu.memory_space<vmem>>
      %dma_wait3A_79 = arith.constant 0 : i32
      %dma_wait3A_80 = arith.constant 0 : i32
      %dma_wait3A_81 = tpu.memref_slice %arg3[%dma_wait3A_79, %dma_wait3A_80] : memref<10000x64xf32, #tpu.memory_space<hbm>> -> memref<10000x64xf32, #tpu.memory_space<hbm>>
      tpu.wait_indirect_dma semaphore(%arg15 : memref<!tpu.dma_semaphore, #tpu.memory_space<semaphore_mem>>) src(%dma_wait3A_81 : memref<10000x64xf32, #tpu.memory_space<hbm>>) dst(%arg8 : memref<128x64xf32, #tpu.memory_space<vmem>>)
      %mul3A_82 = arith.constant 128 : i32
      %mul3A_83 = arith.muli %add3A_76, %mul3A_82 : i32
      "tpu.region"() ({
        %run_scoped3A_176 = tpu.sem_alloc : memref<!tpu.dma_semaphore, #tpu.memory_space<semaphore_mem>>
        %dma_start3A_177 = tpu.memref_slice %arg7[%mul3A_83] : memref<10112xi32, #tpu.memory_space<vmem>> -> memref<128xi32, #tpu.memory_space<vmem>>
        %dma_start3A_178 = arith.constant 0 : i32
        %dma_start3A_179 = arith.constant 0 : i32
        %dma_start3A_180 = tpu.memref_slice %arg14[%dma_start3A_178, %dma_start3A_179] : memref<10000x64xf32, #tpu.memory_space<vmem_shared>> -> memref<10000x64xf32, #tpu.memory_space<vmem_shared>>
        tpu.enqueue_indirect_dma source(%arg8 : memref<128x64xf32, #tpu.memory_space<vmem>>) target(%dma_start3A_180 : memref<10000x64xf32, #tpu.memory_space<vmem_shared>>) offsets(%dma_start3A_177 : memref<128xi32, #tpu.memory_space<vmem>>) semaphore(%run_scoped3A_176 : memref<!tpu.dma_semaphore, #tpu.memory_space<semaphore_mem>>) {add = true}
        %dma_wait3A_181 = tpu.memref_slice %arg7[%mul3A_83] : memref<10112xi32, #tpu.memory_space<vmem>> -> memref<128xi32, #tpu.memory_space<vmem>>
        %dma_wait3A_182 = arith.constant 0 : i32
        %dma_wait3A_183 = arith.constant 0 : i32
        %dma_wait3A_184 = tpu.memref_slice %arg14[%dma_wait3A_182, %dma_wait3A_183] : memref<10000x64xf32, #tpu.memory_space<vmem_shared>> -> memref<10000x64xf32, #tpu.memory_space<vmem_shared>>
        tpu.wait_indirect_dma semaphore(%run_scoped3A_176 : memref<!tpu.dma_semaphore, #tpu.memory_space<semaphore_mem>>) src(%arg8 : memref<128x64xf32, #tpu.memory_space<vmem>>) dst(%dma_wait3A_184 : memref<10000x64xf32, #tpu.memory_space<vmem_shared>>)
        tpu.yield
      }) : () -> ()
      %add3A_84 = arith.constant 6 : i32
      %add3A_85 = arith.addi %add3A_76, %add3A_84 : i32
      %lt3A = arith.constant 78 : i32
      %lt3A_86 = arith.cmpi slt, %add3A_85, %lt3A : i32
      %convert_element_type3A_87 = arith.extui %lt3A_86 : i1 to i32
      %cond3A_88 = arith.constant 0 : i32
      %cond3A_89 = arith.cmpi ne, %convert_element_type3A_87, %cond3A_88 : i32
      scf.if %cond3A_89 {
        %add3A_176 = arith.constant 6 : i32
        %add3A_177 = arith.addi %add3A_76, %add3A_176 : i32
        %mul3A_178 = arith.constant 128 : i32
        %mul3A_179 = arith.muli %add3A_177, %mul3A_178 : i32
        %dma_start3A_180 = tpu.memref_slice %arg6[%mul3A_179] : memref<10112xi32, #tpu.memory_space<vmem>> -> memref<128xi32, #tpu.memory_space<vmem>>
        %dma_start3A_181 = arith.constant 0 : i32
        %dma_start3A_182 = arith.constant 0 : i32
        %dma_start3A_183 = tpu.memref_slice %arg3[%dma_start3A_181, %dma_start3A_182] : memref<10000x64xf32, #tpu.memory_space<hbm>> -> memref<10000x64xf32, #tpu.memory_space<hbm>>
        tpu.enqueue_indirect_dma source(%dma_start3A_183 : memref<10000x64xf32, #tpu.memory_space<hbm>>) target(%arg8 : memref<128x64xf32, #tpu.memory_space<vmem>>) offsets(%dma_start3A_180 : memref<128xi32, #tpu.memory_space<vmem>>) semaphore(%arg15 : memref<!tpu.dma_semaphore, #tpu.memory_space<semaphore_mem>>)
      } else {
      }
      %add3A_90 = arith.constant 1 : i32
      %add3A_91 = arith.addi %mul3A_74, %add3A_90 : i32
      %mul3A_92 = arith.constant 128 : i32
      %mul3A_93 = arith.muli %add3A_91, %mul3A_92 : i32
      %dma_wait3A_94 = tpu.memref_slice %arg6[%mul3A_93] : memref<10112xi32, #tpu.memory_space<vmem>> -> memref<128xi32, #tpu.memory_space<vmem>>
      %dma_wait3A_95 = arith.constant 0 : i32
      %dma_wait3A_96 = arith.constant 0 : i32
      %dma_wait3A_97 = tpu.memref_slice %arg3[%dma_wait3A_95, %dma_wait3A_96] : memref<10000x64xf32, #tpu.memory_space<hbm>> -> memref<10000x64xf32, #tpu.memory_space<hbm>>
      tpu.wait_indirect_dma semaphore(%arg16 : memref<!tpu.dma_semaphore, #tpu.memory_space<semaphore_mem>>) src(%dma_wait3A_97 : memref<10000x64xf32, #tpu.memory_space<hbm>>) dst(%arg9 : memref<128x64xf32, #tpu.memory_space<vmem>>)
      %mul3A_98 = arith.constant 128 : i32
      %mul3A_99 = arith.muli %add3A_91, %mul3A_98 : i32
      "tpu.region"() ({
        %run_scoped3A_176 = tpu.sem_alloc : memref<!tpu.dma_semaphore, #tpu.memory_space<semaphore_mem>>
        %dma_start3A_177 = tpu.memref_slice %arg7[%mul3A_99] : memref<10112xi32, #tpu.memory_space<vmem>> -> memref<128xi32, #tpu.memory_space<vmem>>
        %dma_start3A_178 = arith.constant 0 : i32
        %dma_start3A_179 = arith.constant 0 : i32
        %dma_start3A_180 = tpu.memref_slice %arg14[%dma_start3A_178, %dma_start3A_179] : memref<10000x64xf32, #tpu.memory_space<vmem_shared>> -> memref<10000x64xf32, #tpu.memory_space<vmem_shared>>
        tpu.enqueue_indirect_dma source(%arg9 : memref<128x64xf32, #tpu.memory_space<vmem>>) target(%dma_start3A_180 : memref<10000x64xf32, #tpu.memory_space<vmem_shared>>) offsets(%dma_start3A_177 : memref<128xi32, #tpu.memory_space<vmem>>) semaphore(%run_scoped3A_176 : memref<!tpu.dma_semaphore, #tpu.memory_space<semaphore_mem>>) {add = true}
        %dma_wait3A_181 = tpu.memref_slice %arg7[%mul3A_99] : memref<10112xi32, #tpu.memory_space<vmem>> -> memref<128xi32, #tpu.memory_space<vmem>>
        %dma_wait3A_182 = arith.constant 0 : i32
        %dma_wait3A_183 = arith.constant 0 : i32
        %dma_wait3A_184 = tpu.memref_slice %arg14[%dma_wait3A_182, %dma_wait3A_183] : memref<10000x64xf32, #tpu.memory_space<vmem_shared>> -> memref<10000x64xf32, #tpu.memory_space<vmem_shared>>
        tpu.wait_indirect_dma semaphore(%run_scoped3A_176 : memref<!tpu.dma_semaphore, #tpu.memory_space<semaphore_mem>>) src(%arg9 : memref<128x64xf32, #tpu.memory_space<vmem>>) dst(%dma_wait3A_184 : memref<10000x64xf32, #tpu.memory_space<vmem_shared>>)
        tpu.yield
      }) : () -> ()
      %add3A_100 = arith.constant 6 : i32
      %add3A_101 = arith.addi %add3A_91, %add3A_100 : i32
      %lt3A_102 = arith.constant 78 : i32
      %lt3A_103 = arith.cmpi slt, %add3A_101, %lt3A_102 : i32
      %convert_element_type3A_104 = arith.extui %lt3A_103 : i1 to i32
      %cond3A_105 = arith.constant 0 : i32
      %cond3A_106 = arith.cmpi ne, %convert_element_type3A_104, %cond3A_105 : i32
      scf.if %cond3A_106 {
        %add3A_176 = arith.constant 6 : i32
        %add3A_177 = arith.addi %add3A_91, %add3A_176 : i32
        %mul3A_178 = arith.constant 128 : i32
        %mul3A_179 = arith.muli %add3A_177, %mul3A_178 : i32
        %dma_start3A_180 = tpu.memref_slice %arg6[%mul3A_179] : memref<10112xi32, #tpu.memory_space<vmem>> -> memref<128xi32, #tpu.memory_space<vmem>>
        %dma_start3A_181 = arith.constant 0 : i32
        %dma_start3A_182 = arith.constant 0 : i32
        %dma_start3A_183 = tpu.memref_slice %arg3[%dma_start3A_181, %dma_start3A_182] : memref<10000x64xf32, #tpu.memory_space<hbm>> -> memref<10000x64xf32, #tpu.memory_space<hbm>>
        tpu.enqueue_indirect_dma source(%dma_start3A_183 : memref<10000x64xf32, #tpu.memory_space<hbm>>) target(%arg9 : memref<128x64xf32, #tpu.memory_space<vmem>>) offsets(%dma_start3A_180 : memref<128xi32, #tpu.memory_space<vmem>>) semaphore(%arg16 : memref<!tpu.dma_semaphore, #tpu.memory_space<semaphore_mem>>)
      } else {
      }
      %add3A_107 = arith.constant 2 : i32
      %add3A_108 = arith.addi %mul3A_74, %add3A_107 : i32
      %mul3A_109 = arith.constant 128 : i32
      %mul3A_110 = arith.muli %add3A_108, %mul3A_109 : i32
      %dma_wait3A_111 = tpu.memref_slice %arg6[%mul3A_110] : memref<10112xi32, #tpu.memory_space<vmem>> -> memref<128xi32, #tpu.memory_space<vmem>>
      %dma_wait3A_112 = arith.constant 0 : i32
      %dma_wait3A_113 = arith.constant 0 : i32
      %dma_wait3A_114 = tpu.memref_slice %arg3[%dma_wait3A_112, %dma_wait3A_113] : memref<10000x64xf32, #tpu.memory_space<hbm>> -> memref<10000x64xf32, #tpu.memory_space<hbm>>
      tpu.wait_indirect_dma semaphore(%arg17 : memref<!tpu.dma_semaphore, #tpu.memory_space<semaphore_mem>>) src(%dma_wait3A_114 : memref<10000x64xf32, #tpu.memory_space<hbm>>) dst(%arg10 : memref<128x64xf32, #tpu.memory_space<vmem>>)
      %mul3A_115 = arith.constant 128 : i32
      %mul3A_116 = arith.muli %add3A_108, %mul3A_115 : i32
      "tpu.region"() ({
        %run_scoped3A_176 = tpu.sem_alloc : memref<!tpu.dma_semaphore, #tpu.memory_space<semaphore_mem>>
        %dma_start3A_177 = tpu.memref_slice %arg7[%mul3A_116] : memref<10112xi32, #tpu.memory_space<vmem>> -> memref<128xi32, #tpu.memory_space<vmem>>
        %dma_start3A_178 = arith.constant 0 : i32
        %dma_start3A_179 = arith.constant 0 : i32
        %dma_start3A_180 = tpu.memref_slice %arg14[%dma_start3A_178, %dma_start3A_179] : memref<10000x64xf32, #tpu.memory_space<vmem_shared>> -> memref<10000x64xf32, #tpu.memory_space<vmem_shared>>
        tpu.enqueue_indirect_dma source(%arg10 : memref<128x64xf32, #tpu.memory_space<vmem>>) target(%dma_start3A_180 : memref<10000x64xf32, #tpu.memory_space<vmem_shared>>) offsets(%dma_start3A_177 : memref<128xi32, #tpu.memory_space<vmem>>) semaphore(%run_scoped3A_176 : memref<!tpu.dma_semaphore, #tpu.memory_space<semaphore_mem>>) {add = true}
        %dma_wait3A_181 = tpu.memref_slice %arg7[%mul3A_116] : memref<10112xi32, #tpu.memory_space<vmem>> -> memref<128xi32, #tpu.memory_space<vmem>>
        %dma_wait3A_182 = arith.constant 0 : i32
        %dma_wait3A_183 = arith.constant 0 : i32
        %dma_wait3A_184 = tpu.memref_slice %arg14[%dma_wait3A_182, %dma_wait3A_183] : memref<10000x64xf32, #tpu.memory_space<vmem_shared>> -> memref<10000x64xf32, #tpu.memory_space<vmem_shared>>
        tpu.wait_indirect_dma semaphore(%run_scoped3A_176 : memref<!tpu.dma_semaphore, #tpu.memory_space<semaphore_mem>>) src(%arg10 : memref<128x64xf32, #tpu.memory_space<vmem>>) dst(%dma_wait3A_184 : memref<10000x64xf32, #tpu.memory_space<vmem_shared>>)
        tpu.yield
      }) : () -> ()
      %add3A_117 = arith.constant 6 : i32
      %add3A_118 = arith.addi %add3A_108, %add3A_117 : i32
      %lt3A_119 = arith.constant 78 : i32
      %lt3A_120 = arith.cmpi slt, %add3A_118, %lt3A_119 : i32
      %convert_element_type3A_121 = arith.extui %lt3A_120 : i1 to i32
      %cond3A_122 = arith.constant 0 : i32
      %cond3A_123 = arith.cmpi ne, %convert_element_type3A_121, %cond3A_122 : i32
      scf.if %cond3A_123 {
        %add3A_176 = arith.constant 6 : i32
        %add3A_177 = arith.addi %add3A_108, %add3A_176 : i32
        %mul3A_178 = arith.constant 128 : i32
        %mul3A_179 = arith.muli %add3A_177, %mul3A_178 : i32
        %dma_start3A_180 = tpu.memref_slice %arg6[%mul3A_179] : memref<10112xi32, #tpu.memory_space<vmem>> -> memref<128xi32, #tpu.memory_space<vmem>>
        %dma_start3A_181 = arith.constant 0 : i32
        %dma_start3A_182 = arith.constant 0 : i32
        %dma_start3A_183 = tpu.memref_slice %arg3[%dma_start3A_181, %dma_start3A_182] : memref<10000x64xf32, #tpu.memory_space<hbm>> -> memref<10000x64xf32, #tpu.memory_space<hbm>>
        tpu.enqueue_indirect_dma source(%dma_start3A_183 : memref<10000x64xf32, #tpu.memory_space<hbm>>) target(%arg10 : memref<128x64xf32, #tpu.memory_space<vmem>>) offsets(%dma_start3A_180 : memref<128xi32, #tpu.memory_space<vmem>>) semaphore(%arg17 : memref<!tpu.dma_semaphore, #tpu.memory_space<semaphore_mem>>)
      } else {
      }
      %add3A_124 = arith.constant 3 : i32
      %add3A_125 = arith.addi %mul3A_74, %add3A_124 : i32
      %mul3A_126 = arith.constant 128 : i32
      %mul3A_127 = arith.muli %add3A_125, %mul3A_126 : i32
      %dma_wait3A_128 = tpu.memref_slice %arg6[%mul3A_127] : memref<10112xi32, #tpu.memory_space<vmem>> -> memref<128xi32, #tpu.memory_space<vmem>>
      %dma_wait3A_129 = arith.constant 0 : i32
      %dma_wait3A_130 = arith.constant 0 : i32
      %dma_wait3A_131 = tpu.memref_slice %arg3[%dma_wait3A_129, %dma_wait3A_130] : memref<10000x64xf32, #tpu.memory_space<hbm>> -> memref<10000x64xf32, #tpu.memory_space<hbm>>
      tpu.wait_indirect_dma semaphore(%arg18 : memref<!tpu.dma_semaphore, #tpu.memory_space<semaphore_mem>>) src(%dma_wait3A_131 : memref<10000x64xf32, #tpu.memory_space<hbm>>) dst(%arg11 : memref<128x64xf32, #tpu.memory_space<vmem>>)
      %mul3A_132 = arith.constant 128 : i32
      %mul3A_133 = arith.muli %add3A_125, %mul3A_132 : i32
      "tpu.region"() ({
        %run_scoped3A_176 = tpu.sem_alloc : memref<!tpu.dma_semaphore, #tpu.memory_space<semaphore_mem>>
        %dma_start3A_177 = tpu.memref_slice %arg7[%mul3A_133] : memref<10112xi32, #tpu.memory_space<vmem>> -> memref<128xi32, #tpu.memory_space<vmem>>
        %dma_start3A_178 = arith.constant 0 : i32
        %dma_start3A_179 = arith.constant 0 : i32
        %dma_start3A_180 = tpu.memref_slice %arg14[%dma_start3A_178, %dma_start3A_179] : memref<10000x64xf32, #tpu.memory_space<vmem_shared>> -> memref<10000x64xf32, #tpu.memory_space<vmem_shared>>
        tpu.enqueue_indirect_dma source(%arg11 : memref<128x64xf32, #tpu.memory_space<vmem>>) target(%dma_start3A_180 : memref<10000x64xf32, #tpu.memory_space<vmem_shared>>) offsets(%dma_start3A_177 : memref<128xi32, #tpu.memory_space<vmem>>) semaphore(%run_scoped3A_176 : memref<!tpu.dma_semaphore, #tpu.memory_space<semaphore_mem>>) {add = true}
        %dma_wait3A_181 = tpu.memref_slice %arg7[%mul3A_133] : memref<10112xi32, #tpu.memory_space<vmem>> -> memref<128xi32, #tpu.memory_space<vmem>>
        %dma_wait3A_182 = arith.constant 0 : i32
        %dma_wait3A_183 = arith.constant 0 : i32
        %dma_wait3A_184 = tpu.memref_slice %arg14[%dma_wait3A_182, %dma_wait3A_183] : memref<10000x64xf32, #tpu.memory_space<vmem_shared>> -> memref<10000x64xf32, #tpu.memory_space<vmem_shared>>
        tpu.wait_indirect_dma semaphore(%run_scoped3A_176 : memref<!tpu.dma_semaphore, #tpu.memory_space<semaphore_mem>>) src(%arg11 : memref<128x64xf32, #tpu.memory_space<vmem>>) dst(%dma_wait3A_184 : memref<10000x64xf32, #tpu.memory_space<vmem_shared>>)
        tpu.yield
      }) : () -> ()
      %add3A_134 = arith.constant 6 : i32
      %add3A_135 = arith.addi %add3A_125, %add3A_134 : i32
      %lt3A_136 = arith.constant 78 : i32
      %lt3A_137 = arith.cmpi slt, %add3A_135, %lt3A_136 : i32
      %convert_element_type3A_138 = arith.extui %lt3A_137 : i1 to i32
      %cond3A_139 = arith.constant 0 : i32
      %cond3A_140 = arith.cmpi ne, %convert_element_type3A_138, %cond3A_139 : i32
      scf.if %cond3A_140 {
        %add3A_176 = arith.constant 6 : i32
        %add3A_177 = arith.addi %add3A_125, %add3A_176 : i32
        %mul3A_178 = arith.constant 128 : i32
        %mul3A_179 = arith.muli %add3A_177, %mul3A_178 : i32
        %dma_start3A_180 = tpu.memref_slice %arg6[%mul3A_179] : memref<10112xi32, #tpu.memory_space<vmem>> -> memref<128xi32, #tpu.memory_space<vmem>>
        %dma_start3A_181 = arith.constant 0 : i32
        %dma_start3A_182 = arith.constant 0 : i32
        %dma_start3A_183 = tpu.memref_slice %arg3[%dma_start3A_181, %dma_start3A_182] : memref<10000x64xf32, #tpu.memory_space<hbm>> -> memref<10000x64xf32, #tpu.memory_space<hbm>>
        tpu.enqueue_indirect_dma source(%dma_start3A_183 : memref<10000x64xf32, #tpu.memory_space<hbm>>) target(%arg11 : memref<128x64xf32, #tpu.memory_space<vmem>>) offsets(%dma_start3A_180 : memref<128xi32, #tpu.memory_space<vmem>>) semaphore(%arg18 : memref<!tpu.dma_semaphore, #tpu.memory_space<semaphore_mem>>)
      } else {
      }
      %add3A_141 = arith.constant 4 : i32
      %add3A_142 = arith.addi %mul3A_74, %add3A_141 : i32
      %mul3A_143 = arith.constant 128 : i32
      %mul3A_144 = arith.muli %add3A_142, %mul3A_143 : i32
      %dma_wait3A_145 = tpu.memref_slice %arg6[%mul3A_144] : memref<10112xi32, #tpu.memory_space<vmem>> -> memref<128xi32, #tpu.memory_space<vmem>>
      %dma_wait3A_146 = arith.constant 0 : i32
      %dma_wait3A_147 = arith.constant 0 : i32
      %dma_wait3A_148 = tpu.memref_slice %arg3[%dma_wait3A_146, %dma_wait3A_147] : memref<10000x64xf32, #tpu.memory_space<hbm>> -> memref<10000x64xf32, #tpu.memory_space<hbm>>
      tpu.wait_indirect_dma semaphore(%arg19 : memref<!tpu.dma_semaphore, #tpu.memory_space<semaphore_mem>>) src(%dma_wait3A_148 : memref<10000x64xf32, #tpu.memory_space<hbm>>) dst(%arg12 : memref<128x64xf32, #tpu.memory_space<vmem>>)
      %mul3A_149 = arith.constant 128 : i32
      %mul3A_150 = arith.muli %add3A_142, %mul3A_149 : i32
      "tpu.region"() ({
        %run_scoped3A_176 = tpu.sem_alloc : memref<!tpu.dma_semaphore, #tpu.memory_space<semaphore_mem>>
        %dma_start3A_177 = tpu.memref_slice %arg7[%mul3A_150] : memref<10112xi32, #tpu.memory_space<vmem>> -> memref<128xi32, #tpu.memory_space<vmem>>
        %dma_start3A_178 = arith.constant 0 : i32
        %dma_start3A_179 = arith.constant 0 : i32
        %dma_start3A_180 = tpu.memref_slice %arg14[%dma_start3A_178, %dma_start3A_179] : memref<10000x64xf32, #tpu.memory_space<vmem_shared>> -> memref<10000x64xf32, #tpu.memory_space<vmem_shared>>
        tpu.enqueue_indirect_dma source(%arg12 : memref<128x64xf32, #tpu.memory_space<vmem>>) target(%dma_start3A_180 : memref<10000x64xf32, #tpu.memory_space<vmem_shared>>) offsets(%dma_start3A_177 : memref<128xi32, #tpu.memory_space<vmem>>) semaphore(%run_scoped3A_176 : memref<!tpu.dma_semaphore, #tpu.memory_space<semaphore_mem>>) {add = true}
        %dma_wait3A_181 = tpu.memref_slice %arg7[%mul3A_150] : memref<10112xi32, #tpu.memory_space<vmem>> -> memref<128xi32, #tpu.memory_space<vmem>>
        %dma_wait3A_182 = arith.constant 0 : i32
        %dma_wait3A_183 = arith.constant 0 : i32
        %dma_wait3A_184 = tpu.memref_slice %arg14[%dma_wait3A_182, %dma_wait3A_183] : memref<10000x64xf32, #tpu.memory_space<vmem_shared>> -> memref<10000x64xf32, #tpu.memory_space<vmem_shared>>
        tpu.wait_indirect_dma semaphore(%run_scoped3A_176 : memref<!tpu.dma_semaphore, #tpu.memory_space<semaphore_mem>>) src(%arg12 : memref<128x64xf32, #tpu.memory_space<vmem>>) dst(%dma_wait3A_184 : memref<10000x64xf32, #tpu.memory_space<vmem_shared>>)
        tpu.yield
      }) : () -> ()
      %add3A_151 = arith.constant 6 : i32
      %add3A_152 = arith.addi %add3A_142, %add3A_151 : i32
      %lt3A_153 = arith.constant 78 : i32
      %lt3A_154 = arith.cmpi slt, %add3A_152, %lt3A_153 : i32
      %convert_element_type3A_155 = arith.extui %lt3A_154 : i1 to i32
      %cond3A_156 = arith.constant 0 : i32
      %cond3A_157 = arith.cmpi ne, %convert_element_type3A_155, %cond3A_156 : i32
      scf.if %cond3A_157 {
        %add3A_176 = arith.constant 6 : i32
        %add3A_177 = arith.addi %add3A_142, %add3A_176 : i32
        %mul3A_178 = arith.constant 128 : i32
        %mul3A_179 = arith.muli %add3A_177, %mul3A_178 : i32
        %dma_start3A_180 = tpu.memref_slice %arg6[%mul3A_179] : memref<10112xi32, #tpu.memory_space<vmem>> -> memref<128xi32, #tpu.memory_space<vmem>>
        %dma_start3A_181 = arith.constant 0 : i32
        %dma_start3A_182 = arith.constant 0 : i32
        %dma_start3A_183 = tpu.memref_slice %arg3[%dma_start3A_181, %dma_start3A_182] : memref<10000x64xf32, #tpu.memory_space<hbm>> -> memref<10000x64xf32, #tpu.memory_space<hbm>>
        tpu.enqueue_indirect_dma source(%dma_start3A_183 : memref<10000x64xf32, #tpu.memory_space<hbm>>) target(%arg12 : memref<128x64xf32, #tpu.memory_space<vmem>>) offsets(%dma_start3A_180 : memref<128xi32, #tpu.memory_space<vmem>>) semaphore(%arg19 : memref<!tpu.dma_semaphore, #tpu.memory_space<semaphore_mem>>)
      } else {
      }
      %add3A_158 = arith.constant 5 : i32
      %add3A_159 = arith.addi %mul3A_74, %add3A_158 : i32
      %mul3A_160 = arith.constant 128 : i32
      %mul3A_161 = arith.muli %add3A_159, %mul3A_160 : i32
      %dma_wait3A_162 = tpu.memref_slice %arg6[%mul3A_161] : memref<10112xi32, #tpu.memory_space<vmem>> -> memref<128xi32, #tpu.memory_space<vmem>>
      %dma_wait3A_163 = arith.constant 0 : i32
      %dma_wait3A_164 = arith.constant 0 : i32
      %dma_wait3A_165 = tpu.memref_slice %arg3[%dma_wait3A_163, %dma_wait3A_164] : memref<10000x64xf32, #tpu.memory_space<hbm>> -> memref<10000x64xf32, #tpu.memory_space<hbm>>
      tpu.wait_indirect_dma semaphore(%arg20 : memref<!tpu.dma_semaphore, #tpu.memory_space<semaphore_mem>>) src(%dma_wait3A_165 : memref<10000x64xf32, #tpu.memory_space<hbm>>) dst(%arg13 : memref<128x64xf32, #tpu.memory_space<vmem>>)
      %mul3A_166 = arith.constant 128 : i32
      %mul3A_167 = arith.muli %add3A_159, %mul3A_166 : i32
      "tpu.region"() ({
        %run_scoped3A_176 = tpu.sem_alloc : memref<!tpu.dma_semaphore, #tpu.memory_space<semaphore_mem>>
        %dma_start3A_177 = tpu.memref_slice %arg7[%mul3A_167] : memref<10112xi32, #tpu.memory_space<vmem>> -> memref<128xi32, #tpu.memory_space<vmem>>
        %dma_start3A_178 = arith.constant 0 : i32
        %dma_start3A_179 = arith.constant 0 : i32
        %dma_start3A_180 = tpu.memref_slice %arg14[%dma_start3A_178, %dma_start3A_179] : memref<10000x64xf32, #tpu.memory_space<vmem_shared>> -> memref<10000x64xf32, #tpu.memory_space<vmem_shared>>
        tpu.enqueue_indirect_dma source(%arg13 : memref<128x64xf32, #tpu.memory_space<vmem>>) target(%dma_start3A_180 : memref<10000x64xf32, #tpu.memory_space<vmem_shared>>) offsets(%dma_start3A_177 : memref<128xi32, #tpu.memory_space<vmem>>) semaphore(%run_scoped3A_176 : memref<!tpu.dma_semaphore, #tpu.memory_space<semaphore_mem>>) {add = true}
        %dma_wait3A_181 = tpu.memref_slice %arg7[%mul3A_167] : memref<10112xi32, #tpu.memory_space<vmem>> -> memref<128xi32, #tpu.memory_space<vmem>>
        %dma_wait3A_182 = arith.constant 0 : i32
        %dma_wait3A_183 = arith.constant 0 : i32
        %dma_wait3A_184 = tpu.memref_slice %arg14[%dma_wait3A_182, %dma_wait3A_183] : memref<10000x64xf32, #tpu.memory_space<vmem_shared>> -> memref<10000x64xf32, #tpu.memory_space<vmem_shared>>
        tpu.wait_indirect_dma semaphore(%run_scoped3A_176 : memref<!tpu.dma_semaphore, #tpu.memory_space<semaphore_mem>>) src(%arg13 : memref<128x64xf32, #tpu.memory_space<vmem>>) dst(%dma_wait3A_184 : memref<10000x64xf32, #tpu.memory_space<vmem_shared>>)
        tpu.yield
      }) : () -> ()
      %add3A_168 = arith.constant 6 : i32
      %add3A_169 = arith.addi %add3A_159, %add3A_168 : i32
      %lt3A_170 = arith.constant 78 : i32
      %lt3A_171 = arith.cmpi slt, %add3A_169, %lt3A_170 : i32
      %convert_element_type3A_172 = arith.extui %lt3A_171 : i1 to i32
      %cond3A_173 = arith.constant 0 : i32
      %cond3A_174 = arith.cmpi ne, %convert_element_type3A_172, %cond3A_173 : i32
      scf.if %cond3A_174 {
        %add3A_176 = arith.constant 6 : i32
        %add3A_177 = arith.addi %add3A_159, %add3A_176 : i32
        %mul3A_178 = arith.constant 128 : i32
        %mul3A_179 = arith.muli %add3A_177, %mul3A_178 : i32
        %dma_start3A_180 = tpu.memref_slice %arg6[%mul3A_179] : memref<10112xi32, #tpu.memory_space<vmem>> -> memref<128xi32, #tpu.memory_space<vmem>>
        %dma_start3A_181 = arith.constant 0 : i32
        %dma_start3A_182 = arith.constant 0 : i32
        %dma_start3A_183 = tpu.memref_slice %arg3[%dma_start3A_181, %dma_start3A_182] : memref<10000x64xf32, #tpu.memory_space<hbm>> -> memref<10000x64xf32, #tpu.memory_space<hbm>>
        tpu.enqueue_indirect_dma source(%dma_start3A_183 : memref<10000x64xf32, #tpu.memory_space<hbm>>) target(%arg13 : memref<128x64xf32, #tpu.memory_space<vmem>>) offsets(%dma_start3A_180 : memref<128xi32, #tpu.memory_space<vmem>>) semaphore(%arg20 : memref<!tpu.dma_semaphore, #tpu.memory_space<semaphore_mem>>)
      } else {
      }
      %scan3A_175 = arith.constant 0 : i32
      scf.yield %scan3A_175 : i32
    }
    %scan3A_55 = arith.constant 13 : i32
    %ge3A_56 = arith.constant 28 : i32
    %ge3A_57 = arith.cmpi sge, %add3A, %ge3A_56 : i32
    %convert_element_type3A_58 = arith.extui %ge3A_57 : i1 to i32
    %cond3A_59 = arith.constant 0 : i32
    %cond3A_60 = arith.cmpi ne, %convert_element_type3A_58, %cond3A_59 : i32
    scf.if %cond3A_60 {
      %dma_start3A_71 = arith.constant 9984 : i32
      %dma_start3A_72 = tpu.memref_slice %arg6[%dma_start3A_71] : memref<10112xi32, #tpu.memory_space<vmem>> -> memref<128xi32, #tpu.memory_space<vmem>>
      %dma_start3A_73 = arith.constant 0 : i32
      %dma_start3A_74 = arith.constant 0 : i32
      %dma_start3A_75 = tpu.memref_slice %arg3[%dma_start3A_73, %dma_start3A_74] : memref<10000x64xf32, #tpu.memory_space<hbm>> -> memref<10000x64xf32, #tpu.memory_space<hbm>>
      tpu.enqueue_indirect_dma source(%dma_start3A_75 : memref<10000x64xf32, #tpu.memory_space<hbm>>) target(%arg8 : memref<128x64xf32, #tpu.memory_space<vmem>>) offsets(%dma_start3A_72 : memref<128xi32, #tpu.memory_space<vmem>>) semaphore(%arg15 : memref<!tpu.dma_semaphore, #tpu.memory_space<semaphore_mem>>)
      %dma_wait3A = arith.constant 9984 : i32
      %dma_wait3A_76 = tpu.memref_slice %arg6[%dma_wait3A] : memref<10112xi32, #tpu.memory_space<vmem>> -> memref<128xi32, #tpu.memory_space<vmem>>
      %dma_wait3A_77 = arith.constant 0 : i32
      %dma_wait3A_78 = arith.constant 0 : i32
      %dma_wait3A_79 = tpu.memref_slice %arg3[%dma_wait3A_77, %dma_wait3A_78] : memref<10000x64xf32, #tpu.memory_space<hbm>> -> memref<10000x64xf32, #tpu.memory_space<hbm>>
      tpu.wait_indirect_dma semaphore(%arg15 : memref<!tpu.dma_semaphore, #tpu.memory_space<semaphore_mem>>) src(%dma_wait3A_79 : memref<10000x64xf32, #tpu.memory_space<hbm>>) dst(%arg8 : memref<128x64xf32, #tpu.memory_space<vmem>>)
      "tpu.region"() ({
        %run_scoped3A_80 = tpu.sem_alloc : memref<!tpu.dma_semaphore, #tpu.memory_space<semaphore_mem>>
        %dma_start3A_81 = arith.constant 9984 : i32
        %dma_start3A_82 = tpu.memref_slice %arg7[%dma_start3A_81] : memref<10112xi32, #tpu.memory_space<vmem>> -> memref<128xi32, #tpu.memory_space<vmem>>
        %dma_start3A_83 = arith.constant 0 : i32
        %dma_start3A_84 = arith.constant 0 : i32
        %dma_start3A_85 = tpu.memref_slice %arg14[%dma_start3A_83, %dma_start3A_84] : memref<10000x64xf32, #tpu.memory_space<vmem_shared>> -> memref<10000x64xf32, #tpu.memory_space<vmem_shared>>
        tpu.enqueue_indirect_dma source(%arg8 : memref<128x64xf32, #tpu.memory_space<vmem>>) target(%dma_start3A_85 : memref<10000x64xf32, #tpu.memory_space<vmem_shared>>) offsets(%dma_start3A_82 : memref<128xi32, #tpu.memory_space<vmem>>) semaphore(%run_scoped3A_80 : memref<!tpu.dma_semaphore, #tpu.memory_space<semaphore_mem>>) {add = true}
        %dma_wait3A_86 = arith.constant 9984 : i32
        %dma_wait3A_87 = tpu.memref_slice %arg7[%dma_wait3A_86] : memref<10112xi32, #tpu.memory_space<vmem>> -> memref<128xi32, #tpu.memory_space<vmem>>
        %dma_wait3A_88 = arith.constant 0 : i32
        %dma_wait3A_89 = arith.constant 0 : i32
        %dma_wait3A_90 = tpu.memref_slice %arg14[%dma_wait3A_88, %dma_wait3A_89] : memref<10000x64xf32, #tpu.memory_space<vmem_shared>> -> memref<10000x64xf32, #tpu.memory_space<vmem_shared>>
        tpu.wait_indirect_dma semaphore(%run_scoped3A_80 : memref<!tpu.dma_semaphore, #tpu.memory_space<semaphore_mem>>) src(%arg8 : memref<128x64xf32, #tpu.memory_space<vmem>>) dst(%dma_wait3A_90 : memref<10000x64xf32, #tpu.memory_space<vmem_shared>>)
        tpu.yield
      }) : () -> ()
    } else {
    }
    %barrier3A_61 = arith.constant 0 : index
    tpu.barrier barrier_id(%barrier3A_61)
    %mul3A_62 = arith.constant 624 : i32
    %mul3A_63 = arith.muli %arg1, %mul3A_62 : i32
    %mul3A_64 = arith.constant 624 : i32
    %mul3A_65 = arith.muli %arg1, %mul3A_64 : i32
    "tpu.region"() ({
      %run_scoped3A_71 = tpu.sem_alloc : memref<!tpu.dma_semaphore, #tpu.memory_space<semaphore_mem>>
      %dma_start3A_72 = arith.constant 0 : i32
      %dma_start3A_73 = arith.constant 0 : i32
      %dma_start3A_74 = tpu.memref_slice %arg5[%arg0, %dma_start3A_72, %dma_start3A_73] : memref<2x10000x64xf32, #tpu.memory_space<hbm>> -> memref<1x10000x64xf32, #tpu.memory_space<hbm>>
      %dma_start3A_75 = tpu.memref_squeeze %dma_start3A_74 : memref<1x10000x64xf32, #tpu.memory_space<hbm>> -> memref<10000x64xf32, #tpu.memory_space<hbm>>
      %dma_start3A_76 = arith.constant 0 : i32
      %dma_start3A_77 = tpu.memref_slice %dma_start3A_75[%mul3A_65, %dma_start3A_76] : memref<10000x64xf32, #tpu.memory_space<hbm>> -> memref<624x64xf32, #tpu.memory_space<hbm>>
      %dma_start3A_78 = arith.constant 0 : i32
      %dma_start3A_79 = tpu.memref_slice %arg14[%mul3A_63, %dma_start3A_78] : memref<10000x64xf32, #tpu.memory_space<vmem_shared>> -> memref<624x64xf32, #tpu.memory_space<vmem_shared>>
      tpu.enqueue_dma source(%dma_start3A_79 : memref<624x64xf32, #tpu.memory_space<vmem_shared>>) target(%dma_start3A_77 : memref<624x64xf32, #tpu.memory_space<hbm>>) target_semaphore(%run_scoped3A_71 : memref<!tpu.dma_semaphore, #tpu.memory_space<semaphore_mem>>)
      %dma_wait3A = arith.constant 0 : i32
      %dma_wait3A_80 = arith.constant 0 : i32
      %dma_wait3A_81 = tpu.memref_slice %arg5[%arg0, %dma_wait3A, %dma_wait3A_80] : memref<2x10000x64xf32, #tpu.memory_space<hbm>> -> memref<1x10000x64xf32, #tpu.memory_space<hbm>>
      %dma_wait3A_82 = tpu.memref_squeeze %dma_wait3A_81 : memref<1x10000x64xf32, #tpu.memory_space<hbm>> -> memref<10000x64xf32, #tpu.memory_space<hbm>>
      %dma_wait3A_83 = arith.constant 0 : i32
      %dma_wait3A_84 = tpu.memref_slice %dma_wait3A_82[%mul3A_65, %dma_wait3A_83] : memref<10000x64xf32, #tpu.memory_space<hbm>> -> memref<624x64xf32, #tpu.memory_space<hbm>>
      %dma_wait3A_85 = arith.constant 0 : i32
      %dma_wait3A_86 = tpu.memref_slice %arg14[%mul3A_63, %dma_wait3A_85] : memref<10000x64xf32, #tpu.memory_space<vmem_shared>> -> memref<624x64xf32, #tpu.memory_space<vmem_shared>>
      tpu.wait_dma2 semaphore(%run_scoped3A_71 : memref<!tpu.dma_semaphore, #tpu.memory_space<semaphore_mem>>) src(%dma_wait3A_86 : memref<624x64xf32, #tpu.memory_space<vmem_shared>>) dst(%dma_wait3A_84 : memref<624x64xf32, #tpu.memory_space<hbm>>)
      tpu.yield
    }) : () -> ()
    %eq3A_66 = arith.constant 15 : i32
    %eq3A_67 = arith.cmpi eq, %arg1, %eq3A_66 : i32
    %convert_element_type3A_68 = arith.extui %eq3A_67 : i1 to i32
    %cond3A_69 = arith.constant 0 : i32
    %cond3A_70 = arith.cmpi ne, %convert_element_type3A_68, %cond3A_69 : i32
    scf.if %cond3A_70 {
      "tpu.region"() ({
        %run_scoped3A_71 = tpu.sem_alloc : memref<!tpu.dma_semaphore, #tpu.memory_space<semaphore_mem>>
        %dma_start3A_72 = arith.constant 0 : i32
        %dma_start3A_73 = arith.constant 0 : i32
        %dma_start3A_74 = tpu.memref_slice %arg5[%arg0, %dma_start3A_72, %dma_start3A_73] : memref<2x10000x64xf32, #tpu.memory_space<hbm>> -> memref<1x10000x64xf32, #tpu.memory_space<hbm>>
        %dma_start3A_75 = tpu.memref_squeeze %dma_start3A_74 : memref<1x10000x64xf32, #tpu.memory_space<hbm>> -> memref<10000x64xf32, #tpu.memory_space<hbm>>
        %dma_start3A_76 = arith.constant 9984 : i32
        %dma_start3A_77 = arith.constant 0 : i32
        %dma_start3A_78 = tpu.memref_slice %dma_start3A_75[%dma_start3A_76, %dma_start3A_77] : memref<10000x64xf32, #tpu.memory_space<hbm>> -> memref<16x64xf32, #tpu.memory_space<hbm>>
        %dma_start3A_79 = arith.constant 9984 : i32
        %dma_start3A_80 = arith.constant 0 : i32
        %dma_start3A_81 = tpu.memref_slice %arg14[%dma_start3A_79, %dma_start3A_80] : memref<10000x64xf32, #tpu.memory_space<vmem_shared>> -> memref<16x64xf32, #tpu.memory_space<vmem_shared>>
        tpu.enqueue_dma source(%dma_start3A_81 : memref<16x64xf32, #tpu.memory_space<vmem_shared>>) target(%dma_start3A_78 : memref<16x64xf32, #tpu.memory_space<hbm>>) target_semaphore(%run_scoped3A_71 : memref<!tpu.dma_semaphore, #tpu.memory_space<semaphore_mem>>)
        %dma_wait3A = arith.constant 0 : i32
        %dma_wait3A_82 = arith.constant 0 : i32
        %dma_wait3A_83 = tpu.memref_slice %arg5[%arg0, %dma_wait3A, %dma_wait3A_82] : memref<2x10000x64xf32, #tpu.memory_space<hbm>> -> memref<1x10000x64xf32, #tpu.memory_space<hbm>>
        %dma_wait3A_84 = tpu.memref_squeeze %dma_wait3A_83 : memref<1x10000x64xf32, #tpu.memory_space<hbm>> -> memref<10000x64xf32, #tpu.memory_space<hbm>>
        %dma_wait3A_85 = arith.constant 9984 : i32
        %dma_wait3A_86 = arith.constant 0 : i32
        %dma_wait3A_87 = tpu.memref_slice %dma_wait3A_84[%dma_wait3A_85, %dma_wait3A_86] : memref<10000x64xf32, #tpu.memory_space<hbm>> -> memref<16x64xf32, #tpu.memory_space<hbm>>
        %dma_wait3A_88 = arith.constant 9984 : i32
        %dma_wait3A_89 = arith.constant 0 : i32
        %dma_wait3A_90 = tpu.memref_slice %arg14[%dma_wait3A_88, %dma_wait3A_89] : memref<10000x64xf32, #tpu.memory_space<vmem_shared>> -> memref<16x64xf32, #tpu.memory_space<vmem_shared>>
        tpu.wait_dma2 semaphore(%run_scoped3A_71 : memref<!tpu.dma_semaphore, #tpu.memory_space<semaphore_mem>>) src(%dma_wait3A_90 : memref<16x64xf32, #tpu.memory_space<vmem_shared>>) dst(%dma_wait3A_87 : memref<16x64xf32, #tpu.memory_space<hbm>>)
        tpu.yield
      }) : () -> ()
    } else {
    }
    return
  }
}

#map = affine_map<(d0, d1) -> (0, 0)>
#map1 = affine_map<(d0, d1) -> (0, 0, 0)>
module attributes {stable_mosaic.version = 14 : i64} {
  func.func @_sc_agg_body(%arg0: i32, %arg1: i32, %arg2: memref<2x320000xi32, #tpu.memory_space<hbm>>, %arg3: memref<10000x48xf32, #tpu.memory_space<hbm>>, %arg4: memref<10000x48xf32, #tpu.memory_space<hbm>>, %arg5: memref<2x10000x48xf32, #tpu.memory_space<hbm>>, %arg6: memref<10112xi32, #tpu.memory_space<vmem>>, %arg7: memref<10112xi32, #tpu.memory_space<vmem>>, %arg8: memref<128x48xf32, #tpu.memory_space<vmem>>, %arg9: memref<128x48xf32, #tpu.memory_space<vmem>>, %arg10: memref<128x48xf32, #tpu.memory_space<vmem>>, %arg11: memref<128x48xf32, #tpu.memory_space<vmem>>, %arg12: memref<128x48xf32, #tpu.memory_space<vmem>>, %arg13: memref<128x48xf32, #tpu.memory_space<vmem>>, %arg14: memref<10000x48xf32, #tpu.memory_space<vmem_shared>>, %arg15: memref<!tpu.dma_semaphore, #tpu.memory_space<semaphore_mem>>, %arg16: memref<!tpu.dma_semaphore, #tpu.memory_space<semaphore_mem>>, %arg17: memref<!tpu.dma_semaphore, #tpu.memory_space<semaphore_mem>>, %arg18: memref<!tpu.dma_semaphore, #tpu.memory_space<semaphore_mem>>, %arg19: memref<!tpu.dma_semaphore, #tpu.memory_space<semaphore_mem>>, %arg20: memref<!tpu.dma_semaphore, #tpu.memory_space<semaphore_mem>>) attributes {dimension_semantics = [#tpu.dimension_semantics<core_parallel>, #tpu.dimension_semantics<subcore_parallel>], iteration_bounds = array<i64: 2, 16>, scalar_prefetch = 0 : i64, scratch_operands = 15 : i64, tpu.core_type = #tpu.core_type<sc_vector_subcore>, window_params = [{transform_indices = #map}, {transform_indices = #map}, {transform_indices = #map}, {transform_indices = #map1}]} {
    %mul3A = arith.constant 16 : i32
    %mul3A_0 = arith.muli %arg0, %mul3A : i32
    %add3A = arith.addi %mul3A_0, %arg1 : i32
    %mul3A_1 = arith.constant 624 : i32
    %mul3A_2 = arith.muli %arg1, %mul3A_1 : i32
    %mul3A_3 = arith.constant 624 : i32
    %mul3A_4 = arith.muli %arg1, %mul3A_3 : i32
    "tpu.region"() ({
      %run_scoped3A_71 = tpu.sem_alloc : memref<!tpu.dma_semaphore, #tpu.memory_space<semaphore_mem>>
      %dma_start3A_72 = arith.constant 0 : i32
      %dma_start3A_73 = tpu.memref_slice %arg14[%mul3A_4, %dma_start3A_72] : memref<10000x48xf32, #tpu.memory_space<vmem_shared>> -> memref<624x48xf32, #tpu.memory_space<vmem_shared>>
      %dma_start3A_74 = arith.constant 0 : i32
      %dma_start3A_75 = tpu.memref_slice %arg4[%mul3A_2, %dma_start3A_74] : memref<10000x48xf32, #tpu.memory_space<hbm>> -> memref<624x48xf32, #tpu.memory_space<hbm>>
      tpu.enqueue_dma source(%dma_start3A_75 : memref<624x48xf32, #tpu.memory_space<hbm>>) target(%dma_start3A_73 : memref<624x48xf32, #tpu.memory_space<vmem_shared>>) target_semaphore(%run_scoped3A_71 : memref<!tpu.dma_semaphore, #tpu.memory_space<semaphore_mem>>)
      %dma_wait3A = arith.constant 0 : i32
      %dma_wait3A_76 = tpu.memref_slice %arg14[%mul3A_4, %dma_wait3A] : memref<10000x48xf32, #tpu.memory_space<vmem_shared>> -> memref<624x48xf32, #tpu.memory_space<vmem_shared>>
      %dma_wait3A_77 = arith.constant 0 : i32
      %dma_wait3A_78 = tpu.memref_slice %arg4[%mul3A_2, %dma_wait3A_77] : memref<10000x48xf32, #tpu.memory_space<hbm>> -> memref<624x48xf32, #tpu.memory_space<hbm>>
      tpu.wait_dma2 semaphore(%run_scoped3A_71 : memref<!tpu.dma_semaphore, #tpu.memory_space<semaphore_mem>>) src(%dma_wait3A_78 : memref<624x48xf32, #tpu.memory_space<hbm>>) dst(%dma_wait3A_76 : memref<624x48xf32, #tpu.memory_space<vmem_shared>>)
      tpu.yield
    }) : () -> ()
    %eq3A = arith.constant 15 : i32
    %eq3A_5 = arith.cmpi eq, %arg1, %eq3A : i32
    %convert_element_type3A = arith.extui %eq3A_5 : i1 to i32
    %cond3A = arith.constant 0 : i32
    %cond3A_6 = arith.cmpi ne, %convert_element_type3A, %cond3A : i32
    scf.if %cond3A_6 {
      "tpu.region"() ({
        %run_scoped3A_71 = tpu.sem_alloc : memref<!tpu.dma_semaphore, #tpu.memory_space<semaphore_mem>>
        %dma_start3A_72 = arith.constant 9984 : i32
        %dma_start3A_73 = arith.constant 0 : i32
        %dma_start3A_74 = tpu.memref_slice %arg14[%dma_start3A_72, %dma_start3A_73] : memref<10000x48xf32, #tpu.memory_space<vmem_shared>> -> memref<16x48xf32, #tpu.memory_space<vmem_shared>>
        %dma_start3A_75 = arith.constant 9984 : i32
        %dma_start3A_76 = arith.constant 0 : i32
        %dma_start3A_77 = tpu.memref_slice %arg4[%dma_start3A_75, %dma_start3A_76] : memref<10000x48xf32, #tpu.memory_space<hbm>> -> memref<16x48xf32, #tpu.memory_space<hbm>>
        tpu.enqueue_dma source(%dma_start3A_77 : memref<16x48xf32, #tpu.memory_space<hbm>>) target(%dma_start3A_74 : memref<16x48xf32, #tpu.memory_space<vmem_shared>>) target_semaphore(%run_scoped3A_71 : memref<!tpu.dma_semaphore, #tpu.memory_space<semaphore_mem>>)
        %dma_wait3A = arith.constant 9984 : i32
        %dma_wait3A_78 = arith.constant 0 : i32
        %dma_wait3A_79 = tpu.memref_slice %arg14[%dma_wait3A, %dma_wait3A_78] : memref<10000x48xf32, #tpu.memory_space<vmem_shared>> -> memref<16x48xf32, #tpu.memory_space<vmem_shared>>
        %dma_wait3A_80 = arith.constant 9984 : i32
        %dma_wait3A_81 = arith.constant 0 : i32
        %dma_wait3A_82 = tpu.memref_slice %arg4[%dma_wait3A_80, %dma_wait3A_81] : memref<10000x48xf32, #tpu.memory_space<hbm>> -> memref<16x48xf32, #tpu.memory_space<hbm>>
        tpu.wait_dma2 semaphore(%run_scoped3A_71 : memref<!tpu.dma_semaphore, #tpu.memory_space<semaphore_mem>>) src(%dma_wait3A_82 : memref<16x48xf32, #tpu.memory_space<hbm>>) dst(%dma_wait3A_79 : memref<16x48xf32, #tpu.memory_space<vmem_shared>>)
        tpu.yield
      }) : () -> ()
    } else {
    }
    %barrier3A = arith.constant 0 : index
    tpu.barrier barrier_id(%barrier3A)
    %mul3A_7 = arith.constant 9984 : i32
    %mul3A_8 = arith.muli %add3A, %mul3A_7 : i32
    %run_scoped3A = arith.constant 0 : i32
    "tpu.region"() ({
      %run_scoped3A_71 = tpu.sem_alloc : memref<!tpu.dma_semaphore, #tpu.memory_space<semaphore_mem>>
      %dma_start3A_72 = arith.constant 0 : i32
      %dma_start3A_73 = tpu.memref_slice %arg6[%dma_start3A_72] : memref<10112xi32, #tpu.memory_space<vmem>> -> memref<9984xi32, #tpu.memory_space<vmem>>
      %dma_start3A_74 = tpu.memref_slice %arg2[%run_scoped3A, %mul3A_8] : memref<2x320000xi32, #tpu.memory_space<hbm>> -> memref<1x9984xi32, #tpu.memory_space<hbm>>
      %dma_start3A_75 = tpu.memref_squeeze %dma_start3A_74 : memref<1x9984xi32, #tpu.memory_space<hbm>> -> memref<9984xi32, #tpu.memory_space<hbm>>
      %dma_start3A_76 = arith.constant 0 : i32
      %dma_start3A_77 = tpu.memref_slice %arg6[%dma_start3A_76] : memref<10112xi32, #tpu.memory_space<vmem>> -> memref<9984xi32, #tpu.memory_space<vmem>>
      %dma_start3A_78 = tpu.memref_slice %arg2[%run_scoped3A, %mul3A_8] : memref<2x320000xi32, #tpu.memory_space<hbm>> -> memref<1x9984xi32, #tpu.memory_space<hbm>>
      %dma_start3A_79 = tpu.memref_squeeze %dma_start3A_78 : memref<1x9984xi32, #tpu.memory_space<hbm>> -> memref<9984xi32, #tpu.memory_space<hbm>>
      tpu.enqueue_dma source(%dma_start3A_79 : memref<9984xi32, #tpu.memory_space<hbm>>) target(%dma_start3A_77 : memref<9984xi32, #tpu.memory_space<vmem>>) target_semaphore(%run_scoped3A_71 : memref<!tpu.dma_semaphore, #tpu.memory_space<semaphore_mem>>)
      %dma_wait3A = arith.constant 0 : i32
      %dma_wait3A_80 = tpu.memref_slice %arg6[%dma_wait3A] : memref<10112xi32, #tpu.memory_space<vmem>> -> memref<9984xi32, #tpu.memory_space<vmem>>
      %dma_wait3A_81 = tpu.memref_slice %arg2[%run_scoped3A, %mul3A_8] : memref<2x320000xi32, #tpu.memory_space<hbm>> -> memref<1x9984xi32, #tpu.memory_space<hbm>>
      %dma_wait3A_82 = tpu.memref_squeeze %dma_wait3A_81 : memref<1x9984xi32, #tpu.memory_space<hbm>> -> memref<9984xi32, #tpu.memory_space<hbm>>
      %dma_wait3A_83 = arith.constant 0 : i32
      %dma_wait3A_84 = tpu.memref_slice %arg6[%dma_wait3A_83] : memref<10112xi32, #tpu.memory_space<vmem>> -> memref<9984xi32, #tpu.memory_space<vmem>>
      %dma_wait3A_85 = tpu.memref_slice %arg2[%run_scoped3A, %mul3A_8] : memref<2x320000xi32, #tpu.memory_space<hbm>> -> memref<1x9984xi32, #tpu.memory_space<hbm>>
      %dma_wait3A_86 = tpu.memref_squeeze %dma_wait3A_85 : memref<1x9984xi32, #tpu.memory_space<hbm>> -> memref<9984xi32, #tpu.memory_space<hbm>>
      tpu.wait_dma2 semaphore(%run_scoped3A_71 : memref<!tpu.dma_semaphore, #tpu.memory_space<semaphore_mem>>) src(%dma_wait3A_86 : memref<9984xi32, #tpu.memory_space<hbm>>) dst(%dma_wait3A_84 : memref<9984xi32, #tpu.memory_space<vmem>>)
      tpu.yield
    }) : () -> ()
    %ge3A = arith.constant 28 : i32
    %ge3A_9 = arith.cmpi sge, %add3A, %ge3A : i32
    %convert_element_type3A_10 = arith.extui %ge3A_9 : i1 to i32
    %cond3A_11 = arith.constant 0 : i32
    %cond3A_12 = arith.cmpi ne, %convert_element_type3A_10, %cond3A_11 : i32
    scf.if %cond3A_12 {
      %add3A_71 = arith.constant 2496 : i32
      %add3A_72 = arith.addi %add3A_71, %add3A : i32
      %sub3A = arith.constant 28 : i32
      %sub3A_73 = arith.subi %add3A_72, %sub3A : i32
      %mul3A_74 = arith.constant 128 : i32
      %mul3A_75 = arith.muli %sub3A_73, %mul3A_74 : i32
      %run_scoped3A_76 = arith.constant 0 : i32
      "tpu.region"() ({
        %run_scoped3A_77 = tpu.sem_alloc : memref<!tpu.dma_semaphore, #tpu.memory_space<semaphore_mem>>
        %dma_start3A_78 = arith.constant 9984 : i32
        %dma_start3A_79 = tpu.memref_slice %arg6[%dma_start3A_78] : memref<10112xi32, #tpu.memory_space<vmem>> -> memref<128xi32, #tpu.memory_space<vmem>>
        %dma_start3A_80 = tpu.memref_slice %arg2[%run_scoped3A_76, %mul3A_75] : memref<2x320000xi32, #tpu.memory_space<hbm>> -> memref<1x128xi32, #tpu.memory_space<hbm>>
        %dma_start3A_81 = tpu.memref_squeeze %dma_start3A_80 : memref<1x128xi32, #tpu.memory_space<hbm>> -> memref<128xi32, #tpu.memory_space<hbm>>
        %dma_start3A_82 = arith.constant 9984 : i32
        %dma_start3A_83 = tpu.memref_slice %arg6[%dma_start3A_82] : memref<10112xi32, #tpu.memory_space<vmem>> -> memref<128xi32, #tpu.memory_space<vmem>>
        %dma_start3A_84 = tpu.memref_slice %arg2[%run_scoped3A_76, %mul3A_75] : memref<2x320000xi32, #tpu.memory_space<hbm>> -> memref<1x128xi32, #tpu.memory_space<hbm>>
        %dma_start3A_85 = tpu.memref_squeeze %dma_start3A_84 : memref<1x128xi32, #tpu.memory_space<hbm>> -> memref<128xi32, #tpu.memory_space<hbm>>
        tpu.enqueue_dma source(%dma_start3A_85 : memref<128xi32, #tpu.memory_space<hbm>>) target(%dma_start3A_83 : memref<128xi32, #tpu.memory_space<vmem>>) target_semaphore(%run_scoped3A_77 : memref<!tpu.dma_semaphore, #tpu.memory_space<semaphore_mem>>)
        %dma_wait3A = arith.constant 9984 : i32
        %dma_wait3A_86 = tpu.memref_slice %arg6[%dma_wait3A] : memref<10112xi32, #tpu.memory_space<vmem>> -> memref<128xi32, #tpu.memory_space<vmem>>
        %dma_wait3A_87 = tpu.memref_slice %arg2[%run_scoped3A_76, %mul3A_75] : memref<2x320000xi32, #tpu.memory_space<hbm>> -> memref<1x128xi32, #tpu.memory_space<hbm>>
        %dma_wait3A_88 = tpu.memref_squeeze %dma_wait3A_87 : memref<1x128xi32, #tpu.memory_space<hbm>> -> memref<128xi32, #tpu.memory_space<hbm>>
        %dma_wait3A_89 = arith.constant 9984 : i32
        %dma_wait3A_90 = tpu.memref_slice %arg6[%dma_wait3A_89] : memref<10112xi32, #tpu.memory_space<vmem>> -> memref<128xi32, #tpu.memory_space<vmem>>
        %dma_wait3A_91 = tpu.memref_slice %arg2[%run_scoped3A_76, %mul3A_75] : memref<2x320000xi32, #tpu.memory_space<hbm>> -> memref<1x128xi32, #tpu.memory_space<hbm>>
        %dma_wait3A_92 = tpu.memref_squeeze %dma_wait3A_91 : memref<1x128xi32, #tpu.memory_space<hbm>> -> memref<128xi32, #tpu.memory_space<hbm>>
        tpu.wait_dma2 semaphore(%run_scoped3A_77 : memref<!tpu.dma_semaphore, #tpu.memory_space<semaphore_mem>>) src(%dma_wait3A_92 : memref<128xi32, #tpu.memory_space<hbm>>) dst(%dma_wait3A_90 : memref<128xi32, #tpu.memory_space<vmem>>)
        tpu.yield
      }) : () -> ()
    } else {
    }
    %mul3A_13 = arith.constant 9984 : i32
    %mul3A_14 = arith.muli %add3A, %mul3A_13 : i32
    %run_scoped3A_15 = arith.constant 1 : i32
    "tpu.region"() ({
      %run_scoped3A_71 = tpu.sem_alloc : memref<!tpu.dma_semaphore, #tpu.memory_space<semaphore_mem>>
      %dma_start3A_72 = arith.constant 0 : i32
      %dma_start3A_73 = tpu.memref_slice %arg7[%dma_start3A_72] : memref<10112xi32, #tpu.memory_space<vmem>> -> memref<9984xi32, #tpu.memory_space<vmem>>
      %dma_start3A_74 = tpu.memref_slice %arg2[%run_scoped3A_15, %mul3A_14] : memref<2x320000xi32, #tpu.memory_space<hbm>> -> memref<1x9984xi32, #tpu.memory_space<hbm>>
      %dma_start3A_75 = tpu.memref_squeeze %dma_start3A_74 : memref<1x9984xi32, #tpu.memory_space<hbm>> -> memref<9984xi32, #tpu.memory_space<hbm>>
      %dma_start3A_76 = arith.constant 0 : i32
      %dma_start3A_77 = tpu.memref_slice %arg7[%dma_start3A_76] : memref<10112xi32, #tpu.memory_space<vmem>> -> memref<9984xi32, #tpu.memory_space<vmem>>
      %dma_start3A_78 = tpu.memref_slice %arg2[%run_scoped3A_15, %mul3A_14] : memref<2x320000xi32, #tpu.memory_space<hbm>> -> memref<1x9984xi32, #tpu.memory_space<hbm>>
      %dma_start3A_79 = tpu.memref_squeeze %dma_start3A_78 : memref<1x9984xi32, #tpu.memory_space<hbm>> -> memref<9984xi32, #tpu.memory_space<hbm>>
      tpu.enqueue_dma source(%dma_start3A_79 : memref<9984xi32, #tpu.memory_space<hbm>>) target(%dma_start3A_77 : memref<9984xi32, #tpu.memory_space<vmem>>) target_semaphore(%run_scoped3A_71 : memref<!tpu.dma_semaphore, #tpu.memory_space<semaphore_mem>>)
      %dma_wait3A = arith.constant 0 : i32
      %dma_wait3A_80 = tpu.memref_slice %arg7[%dma_wait3A] : memref<10112xi32, #tpu.memory_space<vmem>> -> memref<9984xi32, #tpu.memory_space<vmem>>
      %dma_wait3A_81 = tpu.memref_slice %arg2[%run_scoped3A_15, %mul3A_14] : memref<2x320000xi32, #tpu.memory_space<hbm>> -> memref<1x9984xi32, #tpu.memory_space<hbm>>
      %dma_wait3A_82 = tpu.memref_squeeze %dma_wait3A_81 : memref<1x9984xi32, #tpu.memory_space<hbm>> -> memref<9984xi32, #tpu.memory_space<hbm>>
      %dma_wait3A_83 = arith.constant 0 : i32
      %dma_wait3A_84 = tpu.memref_slice %arg7[%dma_wait3A_83] : memref<10112xi32, #tpu.memory_space<vmem>> -> memref<9984xi32, #tpu.memory_space<vmem>>
      %dma_wait3A_85 = tpu.memref_slice %arg2[%run_scoped3A_15, %mul3A_14] : memref<2x320000xi32, #tpu.memory_space<hbm>> -> memref<1x9984xi32, #tpu.memory_space<hbm>>
      %dma_wait3A_86 = tpu.memref_squeeze %dma_wait3A_85 : memref<1x9984xi32, #tpu.memory_space<hbm>> -> memref<9984xi32, #tpu.memory_space<hbm>>
      tpu.wait_dma2 semaphore(%run_scoped3A_71 : memref<!tpu.dma_semaphore, #tpu.memory_space<semaphore_mem>>) src(%dma_wait3A_86 : memref<9984xi32, #tpu.memory_space<hbm>>) dst(%dma_wait3A_84 : memref<9984xi32, #tpu.memory_space<vmem>>)
      tpu.yield
    }) : () -> ()
    %ge3A_16 = arith.constant 28 : i32
    %ge3A_17 = arith.cmpi sge, %add3A, %ge3A_16 : i32
    %convert_element_type3A_18 = arith.extui %ge3A_17 : i1 to i32
    %cond3A_19 = arith.constant 0 : i32
    %cond3A_20 = arith.cmpi ne, %convert_element_type3A_18, %cond3A_19 : i32
    scf.if %cond3A_20 {
      %add3A_71 = arith.constant 2496 : i32
      %add3A_72 = arith.addi %add3A_71, %add3A : i32
      %sub3A = arith.constant 28 : i32
      %sub3A_73 = arith.subi %add3A_72, %sub3A : i32
      %mul3A_74 = arith.constant 128 : i32
      %mul3A_75 = arith.muli %sub3A_73, %mul3A_74 : i32
      %run_scoped3A_76 = arith.constant 1 : i32
      "tpu.region"() ({
        %run_scoped3A_77 = tpu.sem_alloc : memref<!tpu.dma_semaphore, #tpu.memory_space<semaphore_mem>>
        %dma_start3A_78 = arith.constant 9984 : i32
        %dma_start3A_79 = tpu.memref_slice %arg7[%dma_start3A_78] : memref<10112xi32, #tpu.memory_space<vmem>> -> memref<128xi32, #tpu.memory_space<vmem>>
        %dma_start3A_80 = tpu.memref_slice %arg2[%run_scoped3A_76, %mul3A_75] : memref<2x320000xi32, #tpu.memory_space<hbm>> -> memref<1x128xi32, #tpu.memory_space<hbm>>
        %dma_start3A_81 = tpu.memref_squeeze %dma_start3A_80 : memref<1x128xi32, #tpu.memory_space<hbm>> -> memref<128xi32, #tpu.memory_space<hbm>>
        %dma_start3A_82 = arith.constant 9984 : i32
        %dma_start3A_83 = tpu.memref_slice %arg7[%dma_start3A_82] : memref<10112xi32, #tpu.memory_space<vmem>> -> memref<128xi32, #tpu.memory_space<vmem>>
        %dma_start3A_84 = tpu.memref_slice %arg2[%run_scoped3A_76, %mul3A_75] : memref<2x320000xi32, #tpu.memory_space<hbm>> -> memref<1x128xi32, #tpu.memory_space<hbm>>
        %dma_start3A_85 = tpu.memref_squeeze %dma_start3A_84 : memref<1x128xi32, #tpu.memory_space<hbm>> -> memref<128xi32, #tpu.memory_space<hbm>>
        tpu.enqueue_dma source(%dma_start3A_85 : memref<128xi32, #tpu.memory_space<hbm>>) target(%dma_start3A_83 : memref<128xi32, #tpu.memory_space<vmem>>) target_semaphore(%run_scoped3A_77 : memref<!tpu.dma_semaphore, #tpu.memory_space<semaphore_mem>>)
        %dma_wait3A = arith.constant 9984 : i32
        %dma_wait3A_86 = tpu.memref_slice %arg7[%dma_wait3A] : memref<10112xi32, #tpu.memory_space<vmem>> -> memref<128xi32, #tpu.memory_space<vmem>>
        %dma_wait3A_87 = tpu.memref_slice %arg2[%run_scoped3A_76, %mul3A_75] : memref<2x320000xi32, #tpu.memory_space<hbm>> -> memref<1x128xi32, #tpu.memory_space<hbm>>
        %dma_wait3A_88 = tpu.memref_squeeze %dma_wait3A_87 : memref<1x128xi32, #tpu.memory_space<hbm>> -> memref<128xi32, #tpu.memory_space<hbm>>
        %dma_wait3A_89 = arith.constant 9984 : i32
        %dma_wait3A_90 = tpu.memref_slice %arg7[%dma_wait3A_89] : memref<10112xi32, #tpu.memory_space<vmem>> -> memref<128xi32, #tpu.memory_space<vmem>>
        %dma_wait3A_91 = tpu.memref_slice %arg2[%run_scoped3A_76, %mul3A_75] : memref<2x320000xi32, #tpu.memory_space<hbm>> -> memref<1x128xi32, #tpu.memory_space<hbm>>
        %dma_wait3A_92 = tpu.memref_squeeze %dma_wait3A_91 : memref<1x128xi32, #tpu.memory_space<hbm>> -> memref<128xi32, #tpu.memory_space<hbm>>
        tpu.wait_dma2 semaphore(%run_scoped3A_77 : memref<!tpu.dma_semaphore, #tpu.memory_space<semaphore_mem>>) src(%dma_wait3A_92 : memref<128xi32, #tpu.memory_space<hbm>>) dst(%dma_wait3A_90 : memref<128xi32, #tpu.memory_space<vmem>>)
        tpu.yield
      }) : () -> ()
    } else {
    }
    %dma_start3A = arith.constant 0 : i32
    %dma_start3A_21 = tpu.memref_slice %arg6[%dma_start3A] : memref<10112xi32, #tpu.memory_space<vmem>> -> memref<128xi32, #tpu.memory_space<vmem>>
    %dma_start3A_22 = arith.constant 0 : i32
    %dma_start3A_23 = arith.constant 0 : i32
    %dma_start3A_24 = tpu.memref_slice %arg3[%dma_start3A_22, %dma_start3A_23] : memref<10000x48xf32, #tpu.memory_space<hbm>> -> memref<10000x48xf32, #tpu.memory_space<hbm>>
    tpu.enqueue_indirect_dma source(%dma_start3A_24 : memref<10000x48xf32, #tpu.memory_space<hbm>>) target(%arg8 : memref<128x48xf32, #tpu.memory_space<vmem>>) offsets(%dma_start3A_21 : memref<128xi32, #tpu.memory_space<vmem>>) semaphore(%arg15 : memref<!tpu.dma_semaphore, #tpu.memory_space<semaphore_mem>>)
    %dma_start3A_25 = arith.constant 128 : i32
    %dma_start3A_26 = tpu.memref_slice %arg6[%dma_start3A_25] : memref<10112xi32, #tpu.memory_space<vmem>> -> memref<128xi32, #tpu.memory_space<vmem>>
    %dma_start3A_27 = arith.constant 0 : i32
    %dma_start3A_28 = arith.constant 0 : i32
    %dma_start3A_29 = tpu.memref_slice %arg3[%dma_start3A_27, %dma_start3A_28] : memref<10000x48xf32, #tpu.memory_space<hbm>> -> memref<10000x48xf32, #tpu.memory_space<hbm>>
    tpu.enqueue_indirect_dma source(%dma_start3A_29 : memref<10000x48xf32, #tpu.memory_space<hbm>>) target(%arg9 : memref<128x48xf32, #tpu.memory_space<vmem>>) offsets(%dma_start3A_26 : memref<128xi32, #tpu.memory_space<vmem>>) semaphore(%arg16 : memref<!tpu.dma_semaphore, #tpu.memory_space<semaphore_mem>>)
    %dma_start3A_30 = arith.constant 256 : i32
    %dma_start3A_31 = tpu.memref_slice %arg6[%dma_start3A_30] : memref<10112xi32, #tpu.memory_space<vmem>> -> memref<128xi32, #tpu.memory_space<vmem>>
    %dma_start3A_32 = arith.constant 0 : i32
    %dma_start3A_33 = arith.constant 0 : i32
    %dma_start3A_34 = tpu.memref_slice %arg3[%dma_start3A_32, %dma_start3A_33] : memref<10000x48xf32, #tpu.memory_space<hbm>> -> memref<10000x48xf32, #tpu.memory_space<hbm>>
    tpu.enqueue_indirect_dma source(%dma_start3A_34 : memref<10000x48xf32, #tpu.memory_space<hbm>>) target(%arg10 : memref<128x48xf32, #tpu.memory_space<vmem>>) offsets(%dma_start3A_31 : memref<128xi32, #tpu.memory_space<vmem>>) semaphore(%arg17 : memref<!tpu.dma_semaphore, #tpu.memory_space<semaphore_mem>>)
    %dma_start3A_35 = arith.constant 384 : i32
    %dma_start3A_36 = tpu.memref_slice %arg6[%dma_start3A_35] : memref<10112xi32, #tpu.memory_space<vmem>> -> memref<128xi32, #tpu.memory_space<vmem>>
    %dma_start3A_37 = arith.constant 0 : i32
    %dma_start3A_38 = arith.constant 0 : i32
    %dma_start3A_39 = tpu.memref_slice %arg3[%dma_start3A_37, %dma_start3A_38] : memref<10000x48xf32, #tpu.memory_space<hbm>> -> memref<10000x48xf32, #tpu.memory_space<hbm>>
    tpu.enqueue_indirect_dma source(%dma_start3A_39 : memref<10000x48xf32, #tpu.memory_space<hbm>>) target(%arg11 : memref<128x48xf32, #tpu.memory_space<vmem>>) offsets(%dma_start3A_36 : memref<128xi32, #tpu.memory_space<vmem>>) semaphore(%arg18 : memref<!tpu.dma_semaphore, #tpu.memory_space<semaphore_mem>>)
    %dma_start3A_40 = arith.constant 512 : i32
    %dma_start3A_41 = tpu.memref_slice %arg6[%dma_start3A_40] : memref<10112xi32, #tpu.memory_space<vmem>> -> memref<128xi32, #tpu.memory_space<vmem>>
    %dma_start3A_42 = arith.constant 0 : i32
    %dma_start3A_43 = arith.constant 0 : i32
    %dma_start3A_44 = tpu.memref_slice %arg3[%dma_start3A_42, %dma_start3A_43] : memref<10000x48xf32, #tpu.memory_space<hbm>> -> memref<10000x48xf32, #tpu.memory_space<hbm>>
    tpu.enqueue_indirect_dma source(%dma_start3A_44 : memref<10000x48xf32, #tpu.memory_space<hbm>>) target(%arg12 : memref<128x48xf32, #tpu.memory_space<vmem>>) offsets(%dma_start3A_41 : memref<128xi32, #tpu.memory_space<vmem>>) semaphore(%arg19 : memref<!tpu.dma_semaphore, #tpu.memory_space<semaphore_mem>>)
    %dma_start3A_45 = arith.constant 640 : i32
    %dma_start3A_46 = tpu.memref_slice %arg6[%dma_start3A_45] : memref<10112xi32, #tpu.memory_space<vmem>> -> memref<128xi32, #tpu.memory_space<vmem>>
    %dma_start3A_47 = arith.constant 0 : i32
    %dma_start3A_48 = arith.constant 0 : i32
    %dma_start3A_49 = tpu.memref_slice %arg3[%dma_start3A_47, %dma_start3A_48] : memref<10000x48xf32, #tpu.memory_space<hbm>> -> memref<10000x48xf32, #tpu.memory_space<hbm>>
    tpu.enqueue_indirect_dma source(%dma_start3A_49 : memref<10000x48xf32, #tpu.memory_space<hbm>>) target(%arg13 : memref<128x48xf32, #tpu.memory_space<vmem>>) offsets(%dma_start3A_46 : memref<128xi32, #tpu.memory_space<vmem>>) semaphore(%arg20 : memref<!tpu.dma_semaphore, #tpu.memory_space<semaphore_mem>>)
    %scan3A = arith.constant 0 : i32
    %scan3A_50 = arith.constant 0 : i32
    %scan3A_51 = arith.constant 13 : i32
    %scan3A_52 = arith.addi %scan3A_50, %scan3A_51 : i32
    %scan3A_53 = arith.constant 1 : i32
    %scan3A_54 = scf.for %scan3A_71 = %scan3A_50 to %scan3A_52 step %scan3A_53 iter_args(%scan3A_72 = %scan3A) -> (i32)  : i32 {
      %mul3A_73 = arith.constant 6 : i32
      %mul3A_74 = arith.muli %scan3A_71, %mul3A_73 : i32
      %add3A_75 = arith.constant 0 : i32
      %add3A_76 = arith.addi %mul3A_74, %add3A_75 : i32
      %mul3A_77 = arith.constant 128 : i32
      %mul3A_78 = arith.muli %add3A_76, %mul3A_77 : i32
      %dma_wait3A = tpu.memref_slice %arg6[%mul3A_78] : memref<10112xi32, #tpu.memory_space<vmem>> -> memref<128xi32, #tpu.memory_space<vmem>>
      %dma_wait3A_79 = arith.constant 0 : i32
      %dma_wait3A_80 = arith.constant 0 : i32
      %dma_wait3A_81 = tpu.memref_slice %arg3[%dma_wait3A_79, %dma_wait3A_80] : memref<10000x48xf32, #tpu.memory_space<hbm>> -> memref<10000x48xf32, #tpu.memory_space<hbm>>
      tpu.wait_indirect_dma semaphore(%arg15 : memref<!tpu.dma_semaphore, #tpu.memory_space<semaphore_mem>>) src(%dma_wait3A_81 : memref<10000x48xf32, #tpu.memory_space<hbm>>) dst(%arg8 : memref<128x48xf32, #tpu.memory_space<vmem>>)
      %mul3A_82 = arith.constant 128 : i32
      %mul3A_83 = arith.muli %add3A_76, %mul3A_82 : i32
      "tpu.region"() ({
        %run_scoped3A_176 = tpu.sem_alloc : memref<!tpu.dma_semaphore, #tpu.memory_space<semaphore_mem>>
        %dma_start3A_177 = tpu.memref_slice %arg7[%mul3A_83] : memref<10112xi32, #tpu.memory_space<vmem>> -> memref<128xi32, #tpu.memory_space<vmem>>
        %dma_start3A_178 = arith.constant 0 : i32
        %dma_start3A_179 = arith.constant 0 : i32
        %dma_start3A_180 = tpu.memref_slice %arg14[%dma_start3A_178, %dma_start3A_179] : memref<10000x48xf32, #tpu.memory_space<vmem_shared>> -> memref<10000x48xf32, #tpu.memory_space<vmem_shared>>
        tpu.enqueue_indirect_dma source(%arg8 : memref<128x48xf32, #tpu.memory_space<vmem>>) target(%dma_start3A_180 : memref<10000x48xf32, #tpu.memory_space<vmem_shared>>) offsets(%dma_start3A_177 : memref<128xi32, #tpu.memory_space<vmem>>) semaphore(%run_scoped3A_176 : memref<!tpu.dma_semaphore, #tpu.memory_space<semaphore_mem>>) {add = true}
        %dma_wait3A_181 = tpu.memref_slice %arg7[%mul3A_83] : memref<10112xi32, #tpu.memory_space<vmem>> -> memref<128xi32, #tpu.memory_space<vmem>>
        %dma_wait3A_182 = arith.constant 0 : i32
        %dma_wait3A_183 = arith.constant 0 : i32
        %dma_wait3A_184 = tpu.memref_slice %arg14[%dma_wait3A_182, %dma_wait3A_183] : memref<10000x48xf32, #tpu.memory_space<vmem_shared>> -> memref<10000x48xf32, #tpu.memory_space<vmem_shared>>
        tpu.wait_indirect_dma semaphore(%run_scoped3A_176 : memref<!tpu.dma_semaphore, #tpu.memory_space<semaphore_mem>>) src(%arg8 : memref<128x48xf32, #tpu.memory_space<vmem>>) dst(%dma_wait3A_184 : memref<10000x48xf32, #tpu.memory_space<vmem_shared>>)
        tpu.yield
      }) : () -> ()
      %add3A_84 = arith.constant 6 : i32
      %add3A_85 = arith.addi %add3A_76, %add3A_84 : i32
      %lt3A = arith.constant 78 : i32
      %lt3A_86 = arith.cmpi slt, %add3A_85, %lt3A : i32
      %convert_element_type3A_87 = arith.extui %lt3A_86 : i1 to i32
      %cond3A_88 = arith.constant 0 : i32
      %cond3A_89 = arith.cmpi ne, %convert_element_type3A_87, %cond3A_88 : i32
      scf.if %cond3A_89 {
        %add3A_176 = arith.constant 6 : i32
        %add3A_177 = arith.addi %add3A_76, %add3A_176 : i32
        %mul3A_178 = arith.constant 128 : i32
        %mul3A_179 = arith.muli %add3A_177, %mul3A_178 : i32
        %dma_start3A_180 = tpu.memref_slice %arg6[%mul3A_179] : memref<10112xi32, #tpu.memory_space<vmem>> -> memref<128xi32, #tpu.memory_space<vmem>>
        %dma_start3A_181 = arith.constant 0 : i32
        %dma_start3A_182 = arith.constant 0 : i32
        %dma_start3A_183 = tpu.memref_slice %arg3[%dma_start3A_181, %dma_start3A_182] : memref<10000x48xf32, #tpu.memory_space<hbm>> -> memref<10000x48xf32, #tpu.memory_space<hbm>>
        tpu.enqueue_indirect_dma source(%dma_start3A_183 : memref<10000x48xf32, #tpu.memory_space<hbm>>) target(%arg8 : memref<128x48xf32, #tpu.memory_space<vmem>>) offsets(%dma_start3A_180 : memref<128xi32, #tpu.memory_space<vmem>>) semaphore(%arg15 : memref<!tpu.dma_semaphore, #tpu.memory_space<semaphore_mem>>)
      } else {
      }
      %add3A_90 = arith.constant 1 : i32
      %add3A_91 = arith.addi %mul3A_74, %add3A_90 : i32
      %mul3A_92 = arith.constant 128 : i32
      %mul3A_93 = arith.muli %add3A_91, %mul3A_92 : i32
      %dma_wait3A_94 = tpu.memref_slice %arg6[%mul3A_93] : memref<10112xi32, #tpu.memory_space<vmem>> -> memref<128xi32, #tpu.memory_space<vmem>>
      %dma_wait3A_95 = arith.constant 0 : i32
      %dma_wait3A_96 = arith.constant 0 : i32
      %dma_wait3A_97 = tpu.memref_slice %arg3[%dma_wait3A_95, %dma_wait3A_96] : memref<10000x48xf32, #tpu.memory_space<hbm>> -> memref<10000x48xf32, #tpu.memory_space<hbm>>
      tpu.wait_indirect_dma semaphore(%arg16 : memref<!tpu.dma_semaphore, #tpu.memory_space<semaphore_mem>>) src(%dma_wait3A_97 : memref<10000x48xf32, #tpu.memory_space<hbm>>) dst(%arg9 : memref<128x48xf32, #tpu.memory_space<vmem>>)
      %mul3A_98 = arith.constant 128 : i32
      %mul3A_99 = arith.muli %add3A_91, %mul3A_98 : i32
      "tpu.region"() ({
        %run_scoped3A_176 = tpu.sem_alloc : memref<!tpu.dma_semaphore, #tpu.memory_space<semaphore_mem>>
        %dma_start3A_177 = tpu.memref_slice %arg7[%mul3A_99] : memref<10112xi32, #tpu.memory_space<vmem>> -> memref<128xi32, #tpu.memory_space<vmem>>
        %dma_start3A_178 = arith.constant 0 : i32
        %dma_start3A_179 = arith.constant 0 : i32
        %dma_start3A_180 = tpu.memref_slice %arg14[%dma_start3A_178, %dma_start3A_179] : memref<10000x48xf32, #tpu.memory_space<vmem_shared>> -> memref<10000x48xf32, #tpu.memory_space<vmem_shared>>
        tpu.enqueue_indirect_dma source(%arg9 : memref<128x48xf32, #tpu.memory_space<vmem>>) target(%dma_start3A_180 : memref<10000x48xf32, #tpu.memory_space<vmem_shared>>) offsets(%dma_start3A_177 : memref<128xi32, #tpu.memory_space<vmem>>) semaphore(%run_scoped3A_176 : memref<!tpu.dma_semaphore, #tpu.memory_space<semaphore_mem>>) {add = true}
        %dma_wait3A_181 = tpu.memref_slice %arg7[%mul3A_99] : memref<10112xi32, #tpu.memory_space<vmem>> -> memref<128xi32, #tpu.memory_space<vmem>>
        %dma_wait3A_182 = arith.constant 0 : i32
        %dma_wait3A_183 = arith.constant 0 : i32
        %dma_wait3A_184 = tpu.memref_slice %arg14[%dma_wait3A_182, %dma_wait3A_183] : memref<10000x48xf32, #tpu.memory_space<vmem_shared>> -> memref<10000x48xf32, #tpu.memory_space<vmem_shared>>
        tpu.wait_indirect_dma semaphore(%run_scoped3A_176 : memref<!tpu.dma_semaphore, #tpu.memory_space<semaphore_mem>>) src(%arg9 : memref<128x48xf32, #tpu.memory_space<vmem>>) dst(%dma_wait3A_184 : memref<10000x48xf32, #tpu.memory_space<vmem_shared>>)
        tpu.yield
      }) : () -> ()
      %add3A_100 = arith.constant 6 : i32
      %add3A_101 = arith.addi %add3A_91, %add3A_100 : i32
      %lt3A_102 = arith.constant 78 : i32
      %lt3A_103 = arith.cmpi slt, %add3A_101, %lt3A_102 : i32
      %convert_element_type3A_104 = arith.extui %lt3A_103 : i1 to i32
      %cond3A_105 = arith.constant 0 : i32
      %cond3A_106 = arith.cmpi ne, %convert_element_type3A_104, %cond3A_105 : i32
      scf.if %cond3A_106 {
        %add3A_176 = arith.constant 6 : i32
        %add3A_177 = arith.addi %add3A_91, %add3A_176 : i32
        %mul3A_178 = arith.constant 128 : i32
        %mul3A_179 = arith.muli %add3A_177, %mul3A_178 : i32
        %dma_start3A_180 = tpu.memref_slice %arg6[%mul3A_179] : memref<10112xi32, #tpu.memory_space<vmem>> -> memref<128xi32, #tpu.memory_space<vmem>>
        %dma_start3A_181 = arith.constant 0 : i32
        %dma_start3A_182 = arith.constant 0 : i32
        %dma_start3A_183 = tpu.memref_slice %arg3[%dma_start3A_181, %dma_start3A_182] : memref<10000x48xf32, #tpu.memory_space<hbm>> -> memref<10000x48xf32, #tpu.memory_space<hbm>>
        tpu.enqueue_indirect_dma source(%dma_start3A_183 : memref<10000x48xf32, #tpu.memory_space<hbm>>) target(%arg9 : memref<128x48xf32, #tpu.memory_space<vmem>>) offsets(%dma_start3A_180 : memref<128xi32, #tpu.memory_space<vmem>>) semaphore(%arg16 : memref<!tpu.dma_semaphore, #tpu.memory_space<semaphore_mem>>)
      } else {
      }
      %add3A_107 = arith.constant 2 : i32
      %add3A_108 = arith.addi %mul3A_74, %add3A_107 : i32
      %mul3A_109 = arith.constant 128 : i32
      %mul3A_110 = arith.muli %add3A_108, %mul3A_109 : i32
      %dma_wait3A_111 = tpu.memref_slice %arg6[%mul3A_110] : memref<10112xi32, #tpu.memory_space<vmem>> -> memref<128xi32, #tpu.memory_space<vmem>>
      %dma_wait3A_112 = arith.constant 0 : i32
      %dma_wait3A_113 = arith.constant 0 : i32
      %dma_wait3A_114 = tpu.memref_slice %arg3[%dma_wait3A_112, %dma_wait3A_113] : memref<10000x48xf32, #tpu.memory_space<hbm>> -> memref<10000x48xf32, #tpu.memory_space<hbm>>
      tpu.wait_indirect_dma semaphore(%arg17 : memref<!tpu.dma_semaphore, #tpu.memory_space<semaphore_mem>>) src(%dma_wait3A_114 : memref<10000x48xf32, #tpu.memory_space<hbm>>) dst(%arg10 : memref<128x48xf32, #tpu.memory_space<vmem>>)
      %mul3A_115 = arith.constant 128 : i32
      %mul3A_116 = arith.muli %add3A_108, %mul3A_115 : i32
      "tpu.region"() ({
        %run_scoped3A_176 = tpu.sem_alloc : memref<!tpu.dma_semaphore, #tpu.memory_space<semaphore_mem>>
        %dma_start3A_177 = tpu.memref_slice %arg7[%mul3A_116] : memref<10112xi32, #tpu.memory_space<vmem>> -> memref<128xi32, #tpu.memory_space<vmem>>
        %dma_start3A_178 = arith.constant 0 : i32
        %dma_start3A_179 = arith.constant 0 : i32
        %dma_start3A_180 = tpu.memref_slice %arg14[%dma_start3A_178, %dma_start3A_179] : memref<10000x48xf32, #tpu.memory_space<vmem_shared>> -> memref<10000x48xf32, #tpu.memory_space<vmem_shared>>
        tpu.enqueue_indirect_dma source(%arg10 : memref<128x48xf32, #tpu.memory_space<vmem>>) target(%dma_start3A_180 : memref<10000x48xf32, #tpu.memory_space<vmem_shared>>) offsets(%dma_start3A_177 : memref<128xi32, #tpu.memory_space<vmem>>) semaphore(%run_scoped3A_176 : memref<!tpu.dma_semaphore, #tpu.memory_space<semaphore_mem>>) {add = true}
        %dma_wait3A_181 = tpu.memref_slice %arg7[%mul3A_116] : memref<10112xi32, #tpu.memory_space<vmem>> -> memref<128xi32, #tpu.memory_space<vmem>>
        %dma_wait3A_182 = arith.constant 0 : i32
        %dma_wait3A_183 = arith.constant 0 : i32
        %dma_wait3A_184 = tpu.memref_slice %arg14[%dma_wait3A_182, %dma_wait3A_183] : memref<10000x48xf32, #tpu.memory_space<vmem_shared>> -> memref<10000x48xf32, #tpu.memory_space<vmem_shared>>
        tpu.wait_indirect_dma semaphore(%run_scoped3A_176 : memref<!tpu.dma_semaphore, #tpu.memory_space<semaphore_mem>>) src(%arg10 : memref<128x48xf32, #tpu.memory_space<vmem>>) dst(%dma_wait3A_184 : memref<10000x48xf32, #tpu.memory_space<vmem_shared>>)
        tpu.yield
      }) : () -> ()
      %add3A_117 = arith.constant 6 : i32
      %add3A_118 = arith.addi %add3A_108, %add3A_117 : i32
      %lt3A_119 = arith.constant 78 : i32
      %lt3A_120 = arith.cmpi slt, %add3A_118, %lt3A_119 : i32
      %convert_element_type3A_121 = arith.extui %lt3A_120 : i1 to i32
      %cond3A_122 = arith.constant 0 : i32
      %cond3A_123 = arith.cmpi ne, %convert_element_type3A_121, %cond3A_122 : i32
      scf.if %cond3A_123 {
        %add3A_176 = arith.constant 6 : i32
        %add3A_177 = arith.addi %add3A_108, %add3A_176 : i32
        %mul3A_178 = arith.constant 128 : i32
        %mul3A_179 = arith.muli %add3A_177, %mul3A_178 : i32
        %dma_start3A_180 = tpu.memref_slice %arg6[%mul3A_179] : memref<10112xi32, #tpu.memory_space<vmem>> -> memref<128xi32, #tpu.memory_space<vmem>>
        %dma_start3A_181 = arith.constant 0 : i32
        %dma_start3A_182 = arith.constant 0 : i32
        %dma_start3A_183 = tpu.memref_slice %arg3[%dma_start3A_181, %dma_start3A_182] : memref<10000x48xf32, #tpu.memory_space<hbm>> -> memref<10000x48xf32, #tpu.memory_space<hbm>>
        tpu.enqueue_indirect_dma source(%dma_start3A_183 : memref<10000x48xf32, #tpu.memory_space<hbm>>) target(%arg10 : memref<128x48xf32, #tpu.memory_space<vmem>>) offsets(%dma_start3A_180 : memref<128xi32, #tpu.memory_space<vmem>>) semaphore(%arg17 : memref<!tpu.dma_semaphore, #tpu.memory_space<semaphore_mem>>)
      } else {
      }
      %add3A_124 = arith.constant 3 : i32
      %add3A_125 = arith.addi %mul3A_74, %add3A_124 : i32
      %mul3A_126 = arith.constant 128 : i32
      %mul3A_127 = arith.muli %add3A_125, %mul3A_126 : i32
      %dma_wait3A_128 = tpu.memref_slice %arg6[%mul3A_127] : memref<10112xi32, #tpu.memory_space<vmem>> -> memref<128xi32, #tpu.memory_space<vmem>>
      %dma_wait3A_129 = arith.constant 0 : i32
      %dma_wait3A_130 = arith.constant 0 : i32
      %dma_wait3A_131 = tpu.memref_slice %arg3[%dma_wait3A_129, %dma_wait3A_130] : memref<10000x48xf32, #tpu.memory_space<hbm>> -> memref<10000x48xf32, #tpu.memory_space<hbm>>
      tpu.wait_indirect_dma semaphore(%arg18 : memref<!tpu.dma_semaphore, #tpu.memory_space<semaphore_mem>>) src(%dma_wait3A_131 : memref<10000x48xf32, #tpu.memory_space<hbm>>) dst(%arg11 : memref<128x48xf32, #tpu.memory_space<vmem>>)
      %mul3A_132 = arith.constant 128 : i32
      %mul3A_133 = arith.muli %add3A_125, %mul3A_132 : i32
      "tpu.region"() ({
        %run_scoped3A_176 = tpu.sem_alloc : memref<!tpu.dma_semaphore, #tpu.memory_space<semaphore_mem>>
        %dma_start3A_177 = tpu.memref_slice %arg7[%mul3A_133] : memref<10112xi32, #tpu.memory_space<vmem>> -> memref<128xi32, #tpu.memory_space<vmem>>
        %dma_start3A_178 = arith.constant 0 : i32
        %dma_start3A_179 = arith.constant 0 : i32
        %dma_start3A_180 = tpu.memref_slice %arg14[%dma_start3A_178, %dma_start3A_179] : memref<10000x48xf32, #tpu.memory_space<vmem_shared>> -> memref<10000x48xf32, #tpu.memory_space<vmem_shared>>
        tpu.enqueue_indirect_dma source(%arg11 : memref<128x48xf32, #tpu.memory_space<vmem>>) target(%dma_start3A_180 : memref<10000x48xf32, #tpu.memory_space<vmem_shared>>) offsets(%dma_start3A_177 : memref<128xi32, #tpu.memory_space<vmem>>) semaphore(%run_scoped3A_176 : memref<!tpu.dma_semaphore, #tpu.memory_space<semaphore_mem>>) {add = true}
        %dma_wait3A_181 = tpu.memref_slice %arg7[%mul3A_133] : memref<10112xi32, #tpu.memory_space<vmem>> -> memref<128xi32, #tpu.memory_space<vmem>>
        %dma_wait3A_182 = arith.constant 0 : i32
        %dma_wait3A_183 = arith.constant 0 : i32
        %dma_wait3A_184 = tpu.memref_slice %arg14[%dma_wait3A_182, %dma_wait3A_183] : memref<10000x48xf32, #tpu.memory_space<vmem_shared>> -> memref<10000x48xf32, #tpu.memory_space<vmem_shared>>
        tpu.wait_indirect_dma semaphore(%run_scoped3A_176 : memref<!tpu.dma_semaphore, #tpu.memory_space<semaphore_mem>>) src(%arg11 : memref<128x48xf32, #tpu.memory_space<vmem>>) dst(%dma_wait3A_184 : memref<10000x48xf32, #tpu.memory_space<vmem_shared>>)
        tpu.yield
      }) : () -> ()
      %add3A_134 = arith.constant 6 : i32
      %add3A_135 = arith.addi %add3A_125, %add3A_134 : i32
      %lt3A_136 = arith.constant 78 : i32
      %lt3A_137 = arith.cmpi slt, %add3A_135, %lt3A_136 : i32
      %convert_element_type3A_138 = arith.extui %lt3A_137 : i1 to i32
      %cond3A_139 = arith.constant 0 : i32
      %cond3A_140 = arith.cmpi ne, %convert_element_type3A_138, %cond3A_139 : i32
      scf.if %cond3A_140 {
        %add3A_176 = arith.constant 6 : i32
        %add3A_177 = arith.addi %add3A_125, %add3A_176 : i32
        %mul3A_178 = arith.constant 128 : i32
        %mul3A_179 = arith.muli %add3A_177, %mul3A_178 : i32
        %dma_start3A_180 = tpu.memref_slice %arg6[%mul3A_179] : memref<10112xi32, #tpu.memory_space<vmem>> -> memref<128xi32, #tpu.memory_space<vmem>>
        %dma_start3A_181 = arith.constant 0 : i32
        %dma_start3A_182 = arith.constant 0 : i32
        %dma_start3A_183 = tpu.memref_slice %arg3[%dma_start3A_181, %dma_start3A_182] : memref<10000x48xf32, #tpu.memory_space<hbm>> -> memref<10000x48xf32, #tpu.memory_space<hbm>>
        tpu.enqueue_indirect_dma source(%dma_start3A_183 : memref<10000x48xf32, #tpu.memory_space<hbm>>) target(%arg11 : memref<128x48xf32, #tpu.memory_space<vmem>>) offsets(%dma_start3A_180 : memref<128xi32, #tpu.memory_space<vmem>>) semaphore(%arg18 : memref<!tpu.dma_semaphore, #tpu.memory_space<semaphore_mem>>)
      } else {
      }
      %add3A_141 = arith.constant 4 : i32
      %add3A_142 = arith.addi %mul3A_74, %add3A_141 : i32
      %mul3A_143 = arith.constant 128 : i32
      %mul3A_144 = arith.muli %add3A_142, %mul3A_143 : i32
      %dma_wait3A_145 = tpu.memref_slice %arg6[%mul3A_144] : memref<10112xi32, #tpu.memory_space<vmem>> -> memref<128xi32, #tpu.memory_space<vmem>>
      %dma_wait3A_146 = arith.constant 0 : i32
      %dma_wait3A_147 = arith.constant 0 : i32
      %dma_wait3A_148 = tpu.memref_slice %arg3[%dma_wait3A_146, %dma_wait3A_147] : memref<10000x48xf32, #tpu.memory_space<hbm>> -> memref<10000x48xf32, #tpu.memory_space<hbm>>
      tpu.wait_indirect_dma semaphore(%arg19 : memref<!tpu.dma_semaphore, #tpu.memory_space<semaphore_mem>>) src(%dma_wait3A_148 : memref<10000x48xf32, #tpu.memory_space<hbm>>) dst(%arg12 : memref<128x48xf32, #tpu.memory_space<vmem>>)
      %mul3A_149 = arith.constant 128 : i32
      %mul3A_150 = arith.muli %add3A_142, %mul3A_149 : i32
      "tpu.region"() ({
        %run_scoped3A_176 = tpu.sem_alloc : memref<!tpu.dma_semaphore, #tpu.memory_space<semaphore_mem>>
        %dma_start3A_177 = tpu.memref_slice %arg7[%mul3A_150] : memref<10112xi32, #tpu.memory_space<vmem>> -> memref<128xi32, #tpu.memory_space<vmem>>
        %dma_start3A_178 = arith.constant 0 : i32
        %dma_start3A_179 = arith.constant 0 : i32
        %dma_start3A_180 = tpu.memref_slice %arg14[%dma_start3A_178, %dma_start3A_179] : memref<10000x48xf32, #tpu.memory_space<vmem_shared>> -> memref<10000x48xf32, #tpu.memory_space<vmem_shared>>
        tpu.enqueue_indirect_dma source(%arg12 : memref<128x48xf32, #tpu.memory_space<vmem>>) target(%dma_start3A_180 : memref<10000x48xf32, #tpu.memory_space<vmem_shared>>) offsets(%dma_start3A_177 : memref<128xi32, #tpu.memory_space<vmem>>) semaphore(%run_scoped3A_176 : memref<!tpu.dma_semaphore, #tpu.memory_space<semaphore_mem>>) {add = true}
        %dma_wait3A_181 = tpu.memref_slice %arg7[%mul3A_150] : memref<10112xi32, #tpu.memory_space<vmem>> -> memref<128xi32, #tpu.memory_space<vmem>>
        %dma_wait3A_182 = arith.constant 0 : i32
        %dma_wait3A_183 = arith.constant 0 : i32
        %dma_wait3A_184 = tpu.memref_slice %arg14[%dma_wait3A_182, %dma_wait3A_183] : memref<10000x48xf32, #tpu.memory_space<vmem_shared>> -> memref<10000x48xf32, #tpu.memory_space<vmem_shared>>
        tpu.wait_indirect_dma semaphore(%run_scoped3A_176 : memref<!tpu.dma_semaphore, #tpu.memory_space<semaphore_mem>>) src(%arg12 : memref<128x48xf32, #tpu.memory_space<vmem>>) dst(%dma_wait3A_184 : memref<10000x48xf32, #tpu.memory_space<vmem_shared>>)
        tpu.yield
      }) : () -> ()
      %add3A_151 = arith.constant 6 : i32
      %add3A_152 = arith.addi %add3A_142, %add3A_151 : i32
      %lt3A_153 = arith.constant 78 : i32
      %lt3A_154 = arith.cmpi slt, %add3A_152, %lt3A_153 : i32
      %convert_element_type3A_155 = arith.extui %lt3A_154 : i1 to i32
      %cond3A_156 = arith.constant 0 : i32
      %cond3A_157 = arith.cmpi ne, %convert_element_type3A_155, %cond3A_156 : i32
      scf.if %cond3A_157 {
        %add3A_176 = arith.constant 6 : i32
        %add3A_177 = arith.addi %add3A_142, %add3A_176 : i32
        %mul3A_178 = arith.constant 128 : i32
        %mul3A_179 = arith.muli %add3A_177, %mul3A_178 : i32
        %dma_start3A_180 = tpu.memref_slice %arg6[%mul3A_179] : memref<10112xi32, #tpu.memory_space<vmem>> -> memref<128xi32, #tpu.memory_space<vmem>>
        %dma_start3A_181 = arith.constant 0 : i32
        %dma_start3A_182 = arith.constant 0 : i32
        %dma_start3A_183 = tpu.memref_slice %arg3[%dma_start3A_181, %dma_start3A_182] : memref<10000x48xf32, #tpu.memory_space<hbm>> -> memref<10000x48xf32, #tpu.memory_space<hbm>>
        tpu.enqueue_indirect_dma source(%dma_start3A_183 : memref<10000x48xf32, #tpu.memory_space<hbm>>) target(%arg12 : memref<128x48xf32, #tpu.memory_space<vmem>>) offsets(%dma_start3A_180 : memref<128xi32, #tpu.memory_space<vmem>>) semaphore(%arg19 : memref<!tpu.dma_semaphore, #tpu.memory_space<semaphore_mem>>)
      } else {
      }
      %add3A_158 = arith.constant 5 : i32
      %add3A_159 = arith.addi %mul3A_74, %add3A_158 : i32
      %mul3A_160 = arith.constant 128 : i32
      %mul3A_161 = arith.muli %add3A_159, %mul3A_160 : i32
      %dma_wait3A_162 = tpu.memref_slice %arg6[%mul3A_161] : memref<10112xi32, #tpu.memory_space<vmem>> -> memref<128xi32, #tpu.memory_space<vmem>>
      %dma_wait3A_163 = arith.constant 0 : i32
      %dma_wait3A_164 = arith.constant 0 : i32
      %dma_wait3A_165 = tpu.memref_slice %arg3[%dma_wait3A_163, %dma_wait3A_164] : memref<10000x48xf32, #tpu.memory_space<hbm>> -> memref<10000x48xf32, #tpu.memory_space<hbm>>
      tpu.wait_indirect_dma semaphore(%arg20 : memref<!tpu.dma_semaphore, #tpu.memory_space<semaphore_mem>>) src(%dma_wait3A_165 : memref<10000x48xf32, #tpu.memory_space<hbm>>) dst(%arg13 : memref<128x48xf32, #tpu.memory_space<vmem>>)
      %mul3A_166 = arith.constant 128 : i32
      %mul3A_167 = arith.muli %add3A_159, %mul3A_166 : i32
      "tpu.region"() ({
        %run_scoped3A_176 = tpu.sem_alloc : memref<!tpu.dma_semaphore, #tpu.memory_space<semaphore_mem>>
        %dma_start3A_177 = tpu.memref_slice %arg7[%mul3A_167] : memref<10112xi32, #tpu.memory_space<vmem>> -> memref<128xi32, #tpu.memory_space<vmem>>
        %dma_start3A_178 = arith.constant 0 : i32
        %dma_start3A_179 = arith.constant 0 : i32
        %dma_start3A_180 = tpu.memref_slice %arg14[%dma_start3A_178, %dma_start3A_179] : memref<10000x48xf32, #tpu.memory_space<vmem_shared>> -> memref<10000x48xf32, #tpu.memory_space<vmem_shared>>
        tpu.enqueue_indirect_dma source(%arg13 : memref<128x48xf32, #tpu.memory_space<vmem>>) target(%dma_start3A_180 : memref<10000x48xf32, #tpu.memory_space<vmem_shared>>) offsets(%dma_start3A_177 : memref<128xi32, #tpu.memory_space<vmem>>) semaphore(%run_scoped3A_176 : memref<!tpu.dma_semaphore, #tpu.memory_space<semaphore_mem>>) {add = true}
        %dma_wait3A_181 = tpu.memref_slice %arg7[%mul3A_167] : memref<10112xi32, #tpu.memory_space<vmem>> -> memref<128xi32, #tpu.memory_space<vmem>>
        %dma_wait3A_182 = arith.constant 0 : i32
        %dma_wait3A_183 = arith.constant 0 : i32
        %dma_wait3A_184 = tpu.memref_slice %arg14[%dma_wait3A_182, %dma_wait3A_183] : memref<10000x48xf32, #tpu.memory_space<vmem_shared>> -> memref<10000x48xf32, #tpu.memory_space<vmem_shared>>
        tpu.wait_indirect_dma semaphore(%run_scoped3A_176 : memref<!tpu.dma_semaphore, #tpu.memory_space<semaphore_mem>>) src(%arg13 : memref<128x48xf32, #tpu.memory_space<vmem>>) dst(%dma_wait3A_184 : memref<10000x48xf32, #tpu.memory_space<vmem_shared>>)
        tpu.yield
      }) : () -> ()
      %add3A_168 = arith.constant 6 : i32
      %add3A_169 = arith.addi %add3A_159, %add3A_168 : i32
      %lt3A_170 = arith.constant 78 : i32
      %lt3A_171 = arith.cmpi slt, %add3A_169, %lt3A_170 : i32
      %convert_element_type3A_172 = arith.extui %lt3A_171 : i1 to i32
      %cond3A_173 = arith.constant 0 : i32
      %cond3A_174 = arith.cmpi ne, %convert_element_type3A_172, %cond3A_173 : i32
      scf.if %cond3A_174 {
        %add3A_176 = arith.constant 6 : i32
        %add3A_177 = arith.addi %add3A_159, %add3A_176 : i32
        %mul3A_178 = arith.constant 128 : i32
        %mul3A_179 = arith.muli %add3A_177, %mul3A_178 : i32
        %dma_start3A_180 = tpu.memref_slice %arg6[%mul3A_179] : memref<10112xi32, #tpu.memory_space<vmem>> -> memref<128xi32, #tpu.memory_space<vmem>>
        %dma_start3A_181 = arith.constant 0 : i32
        %dma_start3A_182 = arith.constant 0 : i32
        %dma_start3A_183 = tpu.memref_slice %arg3[%dma_start3A_181, %dma_start3A_182] : memref<10000x48xf32, #tpu.memory_space<hbm>> -> memref<10000x48xf32, #tpu.memory_space<hbm>>
        tpu.enqueue_indirect_dma source(%dma_start3A_183 : memref<10000x48xf32, #tpu.memory_space<hbm>>) target(%arg13 : memref<128x48xf32, #tpu.memory_space<vmem>>) offsets(%dma_start3A_180 : memref<128xi32, #tpu.memory_space<vmem>>) semaphore(%arg20 : memref<!tpu.dma_semaphore, #tpu.memory_space<semaphore_mem>>)
      } else {
      }
      %scan3A_175 = arith.constant 0 : i32
      scf.yield %scan3A_175 : i32
    }
    %scan3A_55 = arith.constant 13 : i32
    %ge3A_56 = arith.constant 28 : i32
    %ge3A_57 = arith.cmpi sge, %add3A, %ge3A_56 : i32
    %convert_element_type3A_58 = arith.extui %ge3A_57 : i1 to i32
    %cond3A_59 = arith.constant 0 : i32
    %cond3A_60 = arith.cmpi ne, %convert_element_type3A_58, %cond3A_59 : i32
    scf.if %cond3A_60 {
      %dma_start3A_71 = arith.constant 9984 : i32
      %dma_start3A_72 = tpu.memref_slice %arg6[%dma_start3A_71] : memref<10112xi32, #tpu.memory_space<vmem>> -> memref<128xi32, #tpu.memory_space<vmem>>
      %dma_start3A_73 = arith.constant 0 : i32
      %dma_start3A_74 = arith.constant 0 : i32
      %dma_start3A_75 = tpu.memref_slice %arg3[%dma_start3A_73, %dma_start3A_74] : memref<10000x48xf32, #tpu.memory_space<hbm>> -> memref<10000x48xf32, #tpu.memory_space<hbm>>
      tpu.enqueue_indirect_dma source(%dma_start3A_75 : memref<10000x48xf32, #tpu.memory_space<hbm>>) target(%arg8 : memref<128x48xf32, #tpu.memory_space<vmem>>) offsets(%dma_start3A_72 : memref<128xi32, #tpu.memory_space<vmem>>) semaphore(%arg15 : memref<!tpu.dma_semaphore, #tpu.memory_space<semaphore_mem>>)
      %dma_wait3A = arith.constant 9984 : i32
      %dma_wait3A_76 = tpu.memref_slice %arg6[%dma_wait3A] : memref<10112xi32, #tpu.memory_space<vmem>> -> memref<128xi32, #tpu.memory_space<vmem>>
      %dma_wait3A_77 = arith.constant 0 : i32
      %dma_wait3A_78 = arith.constant 0 : i32
      %dma_wait3A_79 = tpu.memref_slice %arg3[%dma_wait3A_77, %dma_wait3A_78] : memref<10000x48xf32, #tpu.memory_space<hbm>> -> memref<10000x48xf32, #tpu.memory_space<hbm>>
      tpu.wait_indirect_dma semaphore(%arg15 : memref<!tpu.dma_semaphore, #tpu.memory_space<semaphore_mem>>) src(%dma_wait3A_79 : memref<10000x48xf32, #tpu.memory_space<hbm>>) dst(%arg8 : memref<128x48xf32, #tpu.memory_space<vmem>>)
      "tpu.region"() ({
        %run_scoped3A_80 = tpu.sem_alloc : memref<!tpu.dma_semaphore, #tpu.memory_space<semaphore_mem>>
        %dma_start3A_81 = arith.constant 9984 : i32
        %dma_start3A_82 = tpu.memref_slice %arg7[%dma_start3A_81] : memref<10112xi32, #tpu.memory_space<vmem>> -> memref<128xi32, #tpu.memory_space<vmem>>
        %dma_start3A_83 = arith.constant 0 : i32
        %dma_start3A_84 = arith.constant 0 : i32
        %dma_start3A_85 = tpu.memref_slice %arg14[%dma_start3A_83, %dma_start3A_84] : memref<10000x48xf32, #tpu.memory_space<vmem_shared>> -> memref<10000x48xf32, #tpu.memory_space<vmem_shared>>
        tpu.enqueue_indirect_dma source(%arg8 : memref<128x48xf32, #tpu.memory_space<vmem>>) target(%dma_start3A_85 : memref<10000x48xf32, #tpu.memory_space<vmem_shared>>) offsets(%dma_start3A_82 : memref<128xi32, #tpu.memory_space<vmem>>) semaphore(%run_scoped3A_80 : memref<!tpu.dma_semaphore, #tpu.memory_space<semaphore_mem>>) {add = true}
        %dma_wait3A_86 = arith.constant 9984 : i32
        %dma_wait3A_87 = tpu.memref_slice %arg7[%dma_wait3A_86] : memref<10112xi32, #tpu.memory_space<vmem>> -> memref<128xi32, #tpu.memory_space<vmem>>
        %dma_wait3A_88 = arith.constant 0 : i32
        %dma_wait3A_89 = arith.constant 0 : i32
        %dma_wait3A_90 = tpu.memref_slice %arg14[%dma_wait3A_88, %dma_wait3A_89] : memref<10000x48xf32, #tpu.memory_space<vmem_shared>> -> memref<10000x48xf32, #tpu.memory_space<vmem_shared>>
        tpu.wait_indirect_dma semaphore(%run_scoped3A_80 : memref<!tpu.dma_semaphore, #tpu.memory_space<semaphore_mem>>) src(%arg8 : memref<128x48xf32, #tpu.memory_space<vmem>>) dst(%dma_wait3A_90 : memref<10000x48xf32, #tpu.memory_space<vmem_shared>>)
        tpu.yield
      }) : () -> ()
    } else {
    }
    %barrier3A_61 = arith.constant 0 : index
    tpu.barrier barrier_id(%barrier3A_61)
    %mul3A_62 = arith.constant 624 : i32
    %mul3A_63 = arith.muli %arg1, %mul3A_62 : i32
    %mul3A_64 = arith.constant 624 : i32
    %mul3A_65 = arith.muli %arg1, %mul3A_64 : i32
    "tpu.region"() ({
      %run_scoped3A_71 = tpu.sem_alloc : memref<!tpu.dma_semaphore, #tpu.memory_space<semaphore_mem>>
      %dma_start3A_72 = arith.constant 0 : i32
      %dma_start3A_73 = arith.constant 0 : i32
      %dma_start3A_74 = tpu.memref_slice %arg5[%arg0, %dma_start3A_72, %dma_start3A_73] : memref<2x10000x48xf32, #tpu.memory_space<hbm>> -> memref<1x10000x48xf32, #tpu.memory_space<hbm>>
      %dma_start3A_75 = tpu.memref_squeeze %dma_start3A_74 : memref<1x10000x48xf32, #tpu.memory_space<hbm>> -> memref<10000x48xf32, #tpu.memory_space<hbm>>
      %dma_start3A_76 = arith.constant 0 : i32
      %dma_start3A_77 = tpu.memref_slice %dma_start3A_75[%mul3A_65, %dma_start3A_76] : memref<10000x48xf32, #tpu.memory_space<hbm>> -> memref<624x48xf32, #tpu.memory_space<hbm>>
      %dma_start3A_78 = arith.constant 0 : i32
      %dma_start3A_79 = tpu.memref_slice %arg14[%mul3A_63, %dma_start3A_78] : memref<10000x48xf32, #tpu.memory_space<vmem_shared>> -> memref<624x48xf32, #tpu.memory_space<vmem_shared>>
      tpu.enqueue_dma source(%dma_start3A_79 : memref<624x48xf32, #tpu.memory_space<vmem_shared>>) target(%dma_start3A_77 : memref<624x48xf32, #tpu.memory_space<hbm>>) target_semaphore(%run_scoped3A_71 : memref<!tpu.dma_semaphore, #tpu.memory_space<semaphore_mem>>)
      %dma_wait3A = arith.constant 0 : i32
      %dma_wait3A_80 = arith.constant 0 : i32
      %dma_wait3A_81 = tpu.memref_slice %arg5[%arg0, %dma_wait3A, %dma_wait3A_80] : memref<2x10000x48xf32, #tpu.memory_space<hbm>> -> memref<1x10000x48xf32, #tpu.memory_space<hbm>>
      %dma_wait3A_82 = tpu.memref_squeeze %dma_wait3A_81 : memref<1x10000x48xf32, #tpu.memory_space<hbm>> -> memref<10000x48xf32, #tpu.memory_space<hbm>>
      %dma_wait3A_83 = arith.constant 0 : i32
      %dma_wait3A_84 = tpu.memref_slice %dma_wait3A_82[%mul3A_65, %dma_wait3A_83] : memref<10000x48xf32, #tpu.memory_space<hbm>> -> memref<624x48xf32, #tpu.memory_space<hbm>>
      %dma_wait3A_85 = arith.constant 0 : i32
      %dma_wait3A_86 = tpu.memref_slice %arg14[%mul3A_63, %dma_wait3A_85] : memref<10000x48xf32, #tpu.memory_space<vmem_shared>> -> memref<624x48xf32, #tpu.memory_space<vmem_shared>>
      tpu.wait_dma2 semaphore(%run_scoped3A_71 : memref<!tpu.dma_semaphore, #tpu.memory_space<semaphore_mem>>) src(%dma_wait3A_86 : memref<624x48xf32, #tpu.memory_space<vmem_shared>>) dst(%dma_wait3A_84 : memref<624x48xf32, #tpu.memory_space<hbm>>)
      tpu.yield
    }) : () -> ()
    %eq3A_66 = arith.constant 15 : i32
    %eq3A_67 = arith.cmpi eq, %arg1, %eq3A_66 : i32
    %convert_element_type3A_68 = arith.extui %eq3A_67 : i1 to i32
    %cond3A_69 = arith.constant 0 : i32
    %cond3A_70 = arith.cmpi ne, %convert_element_type3A_68, %cond3A_69 : i32
    scf.if %cond3A_70 {
      "tpu.region"() ({
        %run_scoped3A_71 = tpu.sem_alloc : memref<!tpu.dma_semaphore, #tpu.memory_space<semaphore_mem>>
        %dma_start3A_72 = arith.constant 0 : i32
        %dma_start3A_73 = arith.constant 0 : i32
        %dma_start3A_74 = tpu.memref_slice %arg5[%arg0, %dma_start3A_72, %dma_start3A_73] : memref<2x10000x48xf32, #tpu.memory_space<hbm>> -> memref<1x10000x48xf32, #tpu.memory_space<hbm>>
        %dma_start3A_75 = tpu.memref_squeeze %dma_start3A_74 : memref<1x10000x48xf32, #tpu.memory_space<hbm>> -> memref<10000x48xf32, #tpu.memory_space<hbm>>
        %dma_start3A_76 = arith.constant 9984 : i32
        %dma_start3A_77 = arith.constant 0 : i32
        %dma_start3A_78 = tpu.memref_slice %dma_start3A_75[%dma_start3A_76, %dma_start3A_77] : memref<10000x48xf32, #tpu.memory_space<hbm>> -> memref<16x48xf32, #tpu.memory_space<hbm>>
        %dma_start3A_79 = arith.constant 9984 : i32
        %dma_start3A_80 = arith.constant 0 : i32
        %dma_start3A_81 = tpu.memref_slice %arg14[%dma_start3A_79, %dma_start3A_80] : memref<10000x48xf32, #tpu.memory_space<vmem_shared>> -> memref<16x48xf32, #tpu.memory_space<vmem_shared>>
        tpu.enqueue_dma source(%dma_start3A_81 : memref<16x48xf32, #tpu.memory_space<vmem_shared>>) target(%dma_start3A_78 : memref<16x48xf32, #tpu.memory_space<hbm>>) target_semaphore(%run_scoped3A_71 : memref<!tpu.dma_semaphore, #tpu.memory_space<semaphore_mem>>)
        %dma_wait3A = arith.constant 0 : i32
        %dma_wait3A_82 = arith.constant 0 : i32
        %dma_wait3A_83 = tpu.memref_slice %arg5[%arg0, %dma_wait3A, %dma_wait3A_82] : memref<2x10000x48xf32, #tpu.memory_space<hbm>> -> memref<1x10000x48xf32, #tpu.memory_space<hbm>>
        %dma_wait3A_84 = tpu.memref_squeeze %dma_wait3A_83 : memref<1x10000x48xf32, #tpu.memory_space<hbm>> -> memref<10000x48xf32, #tpu.memory_space<hbm>>
        %dma_wait3A_85 = arith.constant 9984 : i32
        %dma_wait3A_86 = arith.constant 0 : i32
        %dma_wait3A_87 = tpu.memref_slice %dma_wait3A_84[%dma_wait3A_85, %dma_wait3A_86] : memref<10000x48xf32, #tpu.memory_space<hbm>> -> memref<16x48xf32, #tpu.memory_space<hbm>>
        %dma_wait3A_88 = arith.constant 9984 : i32
        %dma_wait3A_89 = arith.constant 0 : i32
        %dma_wait3A_90 = tpu.memref_slice %arg14[%dma_wait3A_88, %dma_wait3A_89] : memref<10000x48xf32, #tpu.memory_space<vmem_shared>> -> memref<16x48xf32, #tpu.memory_space<vmem_shared>>
        tpu.wait_dma2 semaphore(%run_scoped3A_71 : memref<!tpu.dma_semaphore, #tpu.memory_space<semaphore_mem>>) src(%dma_wait3A_90 : memref<16x48xf32, #tpu.memory_space<vmem_shared>>) dst(%dma_wait3A_87 : memref<16x48xf32, #tpu.memory_space<hbm>>)
        tpu.yield
      }) : () -> ()
    } else {
    }
    return
  }
}

module attributes {stable_mosaic.version = 14 : i64} {
  func.func @_tc1_body(%arg0: memref<2x10000x16xf32, #tpu.memory_space<vmem>>, %arg1: memref<10000x128xf32, #tpu.memory_space<vmem>>, %arg2: memref<128x48xf32, #tpu.memory_space<vmem>>, %arg3: memref<10000x48xf32, #tpu.memory_space<vmem>>, %arg4: memref<10000x1xf32, #tpu.memory_space<vmem>>) attributes {dimension_semantics = [], scalar_prefetch = 0 : i64, scratch_operands = 0 : i64, tpu.core_type = #tpu.core_type<tc>} {
    %get3A = arith.constant 0 : index
    %get3A_0 = arith.constant 0 : index
    %get3A_1 = arith.constant 0 : index
    %get3A_2 = vector.load %arg0[%get3A, %get3A_0, %get3A_1] : memref<2x10000x16xf32, #tpu.memory_space<vmem>>, vector<2x10000x16xf32>
    %slice3A = vector.extract_strided_slice %get3A_2 {offsets = [0, 0, 0], sizes = [1, 10000, 1], strides = [1, 1, 1]} : vector<2x10000x16xf32> to vector<1x10000x1xf32>
    %squeeze3A = vector.shape_cast %slice3A : vector<1x10000x1xf32> to vector<10000x1xf32>
    %slice3A_3 = vector.extract_strided_slice %get3A_2 {offsets = [1, 0, 0], sizes = [1, 10000, 1], strides = [1, 1, 1]} : vector<2x10000x16xf32> to vector<1x10000x1xf32>
    %squeeze3A_4 = vector.shape_cast %slice3A_3 : vector<1x10000x1xf32> to vector<10000x1xf32>
    %add3A = arith.addf %squeeze3A, %squeeze3A_4 : vector<10000x1xf32>
    %add3A_5 = arith.constant 1.000000e+00 : f32
    %add3A_6 = vector.broadcast %add3A_5 : f32 to vector<10000x1xf32>
    %add3A_7 = arith.addf %add3A, %add3A_6 : vector<10000x1xf32>
    %rsqrt3A = math.rsqrt %add3A_7 : vector<10000x1xf32>
    %get3A_8 = arith.constant 0 : index
    %get3A_9 = arith.constant 0 : index
    %get3A_10 = vector.load %arg1[%get3A_8, %get3A_9] : memref<10000x128xf32, #tpu.memory_space<vmem>>, vector<10000x128xf32>
    %get3A_11 = arith.constant 0 : index
    %get3A_12 = arith.constant 0 : index
    %get3A_13 = vector.load %arg2[%get3A_11, %get3A_12] : memref<128x48xf32, #tpu.memory_space<vmem>>, vector<128x48xf32>
    %dot_general3A = arith.constant dense<0.000000e+00> : vector<10000x48xf32>
    %dot_general3A_14 = tpu.matmul %get3A_10, %get3A_13, %dot_general3A {dimension_numbers = #tpu.dot_dimension_numbers<[1], [0], [0], [1], [0, 0, 1, 1], [], []>, transpose_lhs_hint = false} : vector<10000x128xf32>, vector<128x48xf32>, vector<10000x48xf32> -> vector<10000x48xf32>
    %mul3A = vector.broadcast %rsqrt3A : vector<10000x1xf32> to vector<10000x48xf32>
    %mul3A_15 = arith.mulf %dot_general3A_14, %mul3A : vector<10000x48xf32>
    %swap3A = arith.constant 0 : index
    %swap3A_16 = arith.constant 0 : index
    %swap3A_17 = vector.load %arg3[%swap3A, %swap3A_16] : memref<10000x48xf32, #tpu.memory_space<vmem>>, vector<10000x48xf32>
    tpu.vector_store %arg3[%swap3A, %swap3A_16], %mul3A_15 {strides = array<i32>} : memref<10000x48xf32, #tpu.memory_space<vmem>>, vector<10000x48xf32>,
    %swap3A_18 = arith.constant 0 : index
    %swap3A_19 = arith.constant 0 : index
    %swap3A_20 = vector.load %arg4[%swap3A_18, %swap3A_19] : memref<10000x1xf32, #tpu.memory_space<vmem>>, vector<10000x1xf32>
    tpu.vector_store %arg4[%swap3A_18, %swap3A_19], %rsqrt3A {strides = array<i32>} : memref<10000x1xf32, #tpu.memory_space<vmem>>, vector<10000x1xf32>,
    return
  }
}

module attributes {stable_mosaic.version = 14 : i64} {
  func.func @_tc2_body(%arg0: memref<2x10000x48xf32, #tpu.memory_space<vmem>>, %arg1: memref<10000x48xf32, #tpu.memory_space<vmem>>, %arg2: memref<10000x1xf32, #tpu.memory_space<vmem>>, %arg3: memref<48xf32, #tpu.memory_space<vmem>>, %arg4: memref<48x64xf32, #tpu.memory_space<vmem>>, %arg5: memref<10000x64xf32, #tpu.memory_space<vmem>>) attributes {dimension_semantics = [], scalar_prefetch = 0 : i64, scratch_operands = 0 : i64, tpu.core_type = #tpu.core_type<tc>} {
    %get3A = arith.constant 0 : index
    %get3A_0 = arith.constant 0 : index
    %get3A_1 = arith.constant 0 : index
    %get3A_2 = vector.load %arg0[%get3A, %get3A_0, %get3A_1] : memref<2x10000x48xf32, #tpu.memory_space<vmem>>, vector<2x10000x48xf32>
    %get3A_3 = arith.constant 0 : index
    %get3A_4 = arith.constant 0 : index
    %get3A_5 = vector.load %arg1[%get3A_3, %get3A_4] : memref<10000x48xf32, #tpu.memory_space<vmem>>, vector<10000x48xf32>
    %get3A_6 = arith.constant 0 : index
    %get3A_7 = arith.constant 0 : index
    %get3A_8 = vector.load %arg2[%get3A_6, %get3A_7] : memref<10000x1xf32, #tpu.memory_space<vmem>>, vector<10000x1xf32>
    %slice3A = vector.extract_strided_slice %get3A_2 {offsets = [0, 0, 0], sizes = [1, 10000, 48], strides = [1, 1, 1]} : vector<2x10000x48xf32> to vector<1x10000x48xf32>
    %squeeze3A = vector.shape_cast %slice3A : vector<1x10000x48xf32> to vector<10000x48xf32>
    %slice3A_9 = vector.extract_strided_slice %get3A_2 {offsets = [1, 0, 0], sizes = [1, 10000, 48], strides = [1, 1, 1]} : vector<2x10000x48xf32> to vector<1x10000x48xf32>
    %squeeze3A_10 = vector.shape_cast %slice3A_9 : vector<1x10000x48xf32> to vector<10000x48xf32>
    %add3A = arith.addf %squeeze3A, %squeeze3A_10 : vector<10000x48xf32>
    %add3A_11 = arith.addf %add3A, %get3A_5 : vector<10000x48xf32>
    %mul3A = vector.broadcast %get3A_8 : vector<10000x1xf32> to vector<10000x48xf32>
    %mul3A_12 = arith.mulf %add3A_11, %mul3A : vector<10000x48xf32>
    %get3A_13 = arith.constant 0 : index
    %get3A_14 = vector.load %arg3[%get3A_13] : memref<48xf32, #tpu.memory_space<vmem>>, vector<48xf32>
    %broadcast_in_dim3A = vector.shape_cast %get3A_14 : vector<48xf32> to vector<1x48xf32>
    %add3A_15 = vector.broadcast %broadcast_in_dim3A : vector<1x48xf32> to vector<10000x48xf32>
    %add3A_16 = arith.addf %mul3A_12, %add3A_15 : vector<10000x48xf32>
    %max3A = arith.constant 0.000000e+00 : f32
    %max3A_17 = vector.broadcast %max3A : f32 to vector<10000x48xf32>
    %max3A_18 = arith.maximumf %add3A_16, %max3A_17 : vector<10000x48xf32>
    %get3A_19 = arith.constant 0 : index
    %get3A_20 = arith.constant 0 : index
    %get3A_21 = vector.load %arg4[%get3A_19, %get3A_20] : memref<48x64xf32, #tpu.memory_space<vmem>>, vector<48x64xf32>
    %dot_general3A = arith.constant dense<0.000000e+00> : vector<10000x64xf32>
    %dot_general3A_22 = tpu.matmul %max3A_18, %get3A_21, %dot_general3A {dimension_numbers = #tpu.dot_dimension_numbers<[1], [0], [0], [1], [0, 0, 1, 1], [], []>, transpose_lhs_hint = false} : vector<10000x48xf32>, vector<48x64xf32>, vector<10000x64xf32> -> vector<10000x64xf32>
    %mul3A_23 = vector.broadcast %get3A_8 : vector<10000x1xf32> to vector<10000x64xf32>
    %mul3A_24 = arith.mulf %dot_general3A_22, %mul3A_23 : vector<10000x64xf32>
    %swap3A = arith.constant 0 : index
    %swap3A_25 = arith.constant 0 : index
    %swap3A_26 = vector.load %arg5[%swap3A, %swap3A_25] : memref<10000x64xf32, #tpu.memory_space<vmem>>, vector<10000x64xf32>
    tpu.vector_store %arg5[%swap3A, %swap3A_25], %mul3A_24 {strides = array<i32>} : memref<10000x64xf32, #tpu.memory_space<vmem>>, vector<10000x64xf32>,
    return
  }
}

module attributes {stable_mosaic.version = 14 : i64} {
  func.func @_tc3_body(%arg0: memref<2x10000x64xf32, #tpu.memory_space<vmem>>, %arg1: memref<10000x64xf32, #tpu.memory_space<vmem>>, %arg2: memref<10000x1xf32, #tpu.memory_space<vmem>>, %arg3: memref<64xf32, #tpu.memory_space<vmem>>, %arg4: memref<10000x64xf32, #tpu.memory_space<vmem>>) attributes {dimension_semantics = [], scalar_prefetch = 0 : i64, scratch_operands = 0 : i64, tpu.core_type = #tpu.core_type<tc>} {
    %get3A = arith.constant 0 : index
    %get3A_0 = arith.constant 0 : index
    %get3A_1 = arith.constant 0 : index
    %get3A_2 = vector.load %arg0[%get3A, %get3A_0, %get3A_1] : memref<2x10000x64xf32, #tpu.memory_space<vmem>>, vector<2x10000x64xf32>
    %slice3A = vector.extract_strided_slice %get3A_2 {offsets = [0, 0, 0], sizes = [1, 10000, 64], strides = [1, 1, 1]} : vector<2x10000x64xf32> to vector<1x10000x64xf32>
    %squeeze3A = vector.shape_cast %slice3A : vector<1x10000x64xf32> to vector<10000x64xf32>
    %slice3A_3 = vector.extract_strided_slice %get3A_2 {offsets = [1, 0, 0], sizes = [1, 10000, 64], strides = [1, 1, 1]} : vector<2x10000x64xf32> to vector<1x10000x64xf32>
    %squeeze3A_4 = vector.shape_cast %slice3A_3 : vector<1x10000x64xf32> to vector<10000x64xf32>
    %add3A = arith.addf %squeeze3A, %squeeze3A_4 : vector<10000x64xf32>
    %get3A_5 = arith.constant 0 : index
    %get3A_6 = arith.constant 0 : index
    %get3A_7 = vector.load %arg1[%get3A_5, %get3A_6] : memref<10000x64xf32, #tpu.memory_space<vmem>>, vector<10000x64xf32>
    %add3A_8 = arith.addf %add3A, %get3A_7 : vector<10000x64xf32>
    %get3A_9 = arith.constant 0 : index
    %get3A_10 = arith.constant 0 : index
    %get3A_11 = vector.load %arg2[%get3A_9, %get3A_10] : memref<10000x1xf32, #tpu.memory_space<vmem>>, vector<10000x1xf32>
    %mul3A = vector.broadcast %get3A_11 : vector<10000x1xf32> to vector<10000x64xf32>
    %mul3A_12 = arith.mulf %add3A_8, %mul3A : vector<10000x64xf32>
    %get3A_13 = arith.constant 0 : index
    %get3A_14 = vector.load %arg3[%get3A_13] : memref<64xf32, #tpu.memory_space<vmem>>, vector<64xf32>
    %broadcast_in_dim3A = vector.shape_cast %get3A_14 : vector<64xf32> to vector<1x64xf32>
    %add3A_15 = vector.broadcast %broadcast_in_dim3A : vector<1x64xf32> to vector<10000x64xf32>
    %add3A_16 = arith.addf %mul3A_12, %add3A_15 : vector<10000x64xf32>
    %max3A = arith.constant 0.000000e+00 : f32
    %max3A_17 = vector.broadcast %max3A : f32 to vector<10000x64xf32>
    %max3A_18 = arith.maximumf %add3A_16, %max3A_17 : vector<10000x64xf32>
    %reduce_max3A = arith.constant dense<0xFF800000> : vector<10000xf32>
    %reduce_max3A_19 = vector.multi_reduction <maximumf>, %max3A_18, %reduce_max3A [1] : vector<10000x64xf32> to vector<10000xf32>
    %broadcast_in_dim3A_20 = vector.shape_cast %reduce_max3A_19 : vector<10000xf32> to vector<10000x1xf32>
    %sub3A = vector.broadcast %broadcast_in_dim3A_20 : vector<10000x1xf32> to vector<10000x64xf32>
    %sub3A_21 = arith.subf %max3A_18, %sub3A : vector<10000x64xf32>
    %exp3A = math.exp %sub3A_21 : vector<10000x64xf32>
    %reduce_sum3A = arith.constant dense<0.000000e+00> : vector<10000xf32>
    %reduce_sum3A_22 = vector.multi_reduction <add>, %exp3A, %reduce_sum3A [1] : vector<10000x64xf32> to vector<10000xf32>
    %broadcast_in_dim3A_23 = vector.shape_cast %reduce_sum3A_22 : vector<10000xf32> to vector<10000x1xf32>
    %div3A = vector.broadcast %broadcast_in_dim3A_23 : vector<10000x1xf32> to vector<10000x64xf32>
    %div3A_24 = arith.divf %exp3A, %div3A : vector<10000x64xf32>
    %swap3A = arith.constant 0 : index
    %swap3A_25 = arith.constant 0 : index
    %swap3A_26 = vector.load %arg4[%swap3A, %swap3A_25] : memref<10000x64xf32, #tpu.memory_space<vmem>>, vector<10000x64xf32>
    tpu.vector_store %arg4[%swap3A, %swap3A_25], %div3A_24 {strides = array<i32>} : memref<10000x64xf32, #tpu.memory_space<vmem>>, vector<10000x64xf32>,
    return
  }
}

</mosaic_0001>

<sc_bundles>
// kernel: kernel.11.cloned.1.call-start
scs
__scs_entry_jumppad:
0x0: {  	(pc) =	sbr.rel $0x88, $3  }
0x1: {  	(tag) =	ssettag $0x0;
	lr =	simm.s32 $0x1  }
0x2: {  	[smem:$0x3F9B] =	sst lr;
	_ =	strace $0xD0000000  }
0x3: {  	_ = 	snop  }
0x4: {  	_ = 	snop  }
0x5: {  	_ = 	snop  }
0x6: {  	_ = 	snop  }
0x7: {  	_ = 	snop  }
__scs_overlays_trampoline_lowered:
0x8: {  	[smem:$0x3FAA] =	sst s0  }
0x9: {  	[smem:$0x3FAB] =	sst s1  }
0xa: {  	[smem:$0x3FAC] =	sst s2  }
0xb: {  	[smem:$0x3FAD] =	sst s3  }
0xc: {  	[smem:$0x3FAE] =	sst s4  }
0xd: {  	[smem:$0x3FAF] =	sst s5  }
0xe: {  	[smem:$0x3FB0] =	sst s6  }
0xf: {  	[smem:$0x3FB1] =	sst s7  }
0x10: {  	[smem:$0x3FB2] =	sst s8  }
0x11: {  	[smem:$0x3FB3] =	sst s9;
	s0 =	simm.s32 @!p0 $0x0  }
0x12: {  	s1 =	sld [smem:$0x3F99];
	s0 =	simm.s32 @p0 $0x1  }
0x13: {  	[smem:$0x3FB4] =	sst s0;
	s0 =	simm.s32 @!p1 $0x0  }
0x14: {  	s2 =	sld [smem:$0x3F98];
	s0 =	simm.s32 @p1 $0x1  }
0x15: {  	[smem:$0x3FB5] =	sst s0;
	s0 =	simm.s32 @!p2 $0x0  }
0x16: {  	s3 =	sld [smem:$0x3FDB];
	s0 =	simm.s32 @p2 $0x1  }
0x17: {  	s4 =	simm.s32 $0x1BF5;
	[smem:$0x3FB7] =	sst s0  }
0x18: {  	s0 =	sld [smem:$0x3F9A];
	_ =	swait.ge [sflag:s4], $0x0  }
0x19: {  	s7 =	sld [smem:$0x3F9B]  }
0x1a: {  	s8 =	sadd.s32 $0xFFFFE003, lr  }
0x1b: {  	s9 =	sadd.s32 $0xFFFFFEF7, lr;
	s5 =	simm.s32 $0xFFFFFFFF;
	p2 =	slt.u32 s8, $0xFFFFF086  }
0x1c: {  	p1 =	slt.u32 s9, $0xF7A;
	s5 =	simm.s32 @!p2 $0x0  }
0x1d: {  	s5 =	simm.s32 @p1 $0x1;
	p0 =	seq.s32 s7, s2  }
0x1e: {  	s7 =	smul.u32 @!p0 $0xF7A, s2;
	p2 =	seq.s32 @!p0 s5, $0x0  }
0x1f: {  	s9 =	smul.u32 $0xF7A, s1;
	s8 =	simm.s32 @!p0 $0x1BF5;
	p2 =	por !p2, p0  }
0x20: {  	[sflag:s8] =	ssyncset.s32 @!p0 $0xFFFFF086;
	s6 =	sadd.s32 @!p0 s3, s7;
	s7 =	simm.s32 @!p0 $0x108  }
0x21: {  	s3 =	sadd.s32 s3, s9;
	s6 =	sadd.s32 @!p0 $0x88, s6;
	s7 =	simm.s32 @p2 $0x1082  }
0x22: {  	[simem:s7], [sflag:s8] =	dma.local @!p0 [hbm:s6], $0xF7A  }
0x23: {  	s9 =	sor.u32 $0xD0000000, s2;
	s6 =	simm.s32 $0x108;
	_ =	swait.ge @!p0 [sflag:s8], $0x0  }
0x24: {  	s3 =	sadd.s32 $0x88, s3;
	s6 =	simm.s32 @!p1 $0x1082;
	[sflag:s4] =	ssyncset.s32 $0xFFFFF086  }
0x25: {  	[simem:s6], [sflag:s4] =	dma.local [hbm:s3], $0xF7A  }
0x26: {  	[smem:$0x3F9B] =	sst s1;
	(tag) =	ssettag s2;
	_ =	strace s9  }
0x27: {  	s1 =	sld [smem:$0x3FAB]  }
0x28: {  	s2 =	sld [smem:$0x3FAC]  }
0x29: {  	s4 =	sld [smem:$0x3FAE]  }
0x2a: {  	p0 =	seq.s32 s5, $0x0;
	s5 =	sld [smem:$0x3FAF]  }
0x2b: {  	s6 =	sld [smem:$0x3FB0]  }
0x2c: {  	s7 =	sld [smem:$0x3FB1]  }
0x2d: {  	s3 =	simm.s32 $0x108;
	s8 =	sld [smem:$0x3FB2]  }
0x2e: {  	s3 =	simm.s32 @!p0 $0x1082;
	s9 =	sld [smem:$0x3FB3]  }
0x2f: {  	lr =	sadd.s32 s0, s3;
	s0 =	sld [smem:$0x3FAA]  }
0x30: {  	s3 =	sld [smem:$0x3FAD]  }
0x31: {  	[smem:$0x3FB6] =	sst s10  }
0x32: {  	s10 =	sld [smem:$0x3FB4];
	_ =	sdelay $0x3  }
0x33: {  	p0 =	seq.s32 s10, $0x1;
	s10 =	sld [smem:$0x3FB6];
	_ =	sdelay $0x3  }
0x34: {  	[smem:$0x3FB6] =	sst s10  }
0x35: {  	s10 =	sld [smem:$0x3FB5];
	_ =	sdelay $0x3  }
0x36: {  	p1 =	seq.s32 s10, $0x1;
	s10 =	sld [smem:$0x3FB6];
	_ =	sdelay $0x3  }
0x37: {  	[smem:$0x3FB6] =	sst s10  }
0x38: {  	s10 =	sld [smem:$0x3FB7]  }
0x39: {  	_ = 	snop;
	(pc) =	sbr.ind lr, $3  }
0x3a: {  	_ = 	snop  }
0x3b: {  	_ = 	snop  }
0x3c: {  	p2 =	seq.s32 s10, $0x1;
	s10 =	sld [smem:$0x3FB6]  }
0x3d: {  	_ =	shalt  }
0x3e: {  	_ =	shalt  }
0x3f: {  	_ =	shalt  }
0x40: {  	_ =	shalt  }
0x41: {  	_ =	shalt  }
0x42: {  	_ =	shalt  }
0x43: {  	_ =	shalt  }
0x44: {  	_ =	shalt  }
0x45: {  	_ =	shalt  }
0x46: {  	_ =	shalt  }
0x47: {  	_ =	shalt  }
0x48: {  	_ =	shalt  }
0x49: {  	_ =	shalt  }
0x4a: {  	_ =	shalt  }
0x4b: {  	_ =	shalt  }
0x4c: {  	_ =	shalt  }
0x4d: {  	_ =	shalt  }
0x4e: {  	_ =	shalt  }
0x4f: {  	_ =	shalt  }
0x50: {  	_ =	shalt  }
0x51: {  	_ =	shalt  }
0x52: {  	_ =	shalt  }
0x53: {  	_ =	shalt  }
0x54: {  	_ =	shalt  }
0x55: {  	_ =	shalt  }
0x56: {  	_ =	shalt  }
0x57: {  	_ =	shalt  }
0x58: {  	_ =	shalt  }
0x59: {  	_ =	shalt  }
0x5a: {  	_ =	shalt  }
0x5b: {  	_ =	shalt  }
0x5c: {  	_ =	shalt  }
0x5d: {  	_ =	shalt  }
0x5e: {  	_ =	shalt  }
0x5f: {  	_ =	shalt  }
0x60: {  	_ =	shalt  }
0x61: {  	_ =	shalt  }
0x62: {  	_ =	shalt  }
0x63: {  	_ =	shalt  }
0x64: {  	_ =	shalt  }
0x65: {  	_ =	shalt  }
0x66: {  	_ =	shalt  }
0x67: {  	_ =	shalt  }
0x68: {  	_ =	shalt  }
0x69: {  	_ =	shalt  }
0x6a: {  	_ =	shalt  }
0x6b: {  	_ =	shalt  }
0x6c: {  	_ =	shalt  }
0x6d: {  	_ =	shalt  }
0x6e: {  	_ =	shalt  }
0x6f: {  	_ =	shalt  }
0x70: {  	_ =	shalt  }
0x71: {  	_ =	shalt  }
0x72: {  	_ =	shalt  }
0x73: {  	_ =	shalt  }
0x74: {  	_ =	shalt  }
0x75: {  	_ =	shalt  }
0x76: {  	_ =	shalt  }
0x77: {  	_ =	shalt  }
0x78: {  	_ =	shalt  }
0x79: {  	_ =	shalt  }
0x7a: {  	_ =	shalt  }
0x7b: {  	_ =	shalt  }
0x7c: {  	_ =	shalt  }
0x7d: {  	_ =	shalt  }
0x7e: {  	_ =	shalt  }
0x7f: {  	_ =	shalt  }
0x80: {  	_ =	shalt  }
0x81: {  	_ =	shalt  }
0x82: {  	_ =	shalt  }
0x83: {  	_ =	shalt  }
0x84: {  	_ =	shalt  }
0x85: {  	_ =	shalt  }
0x86: {  	_ =	shalt  }
0x87: {  	_ =	shalt  }
.Lfunc_end0:
.L_simem_size_0:
called_computation.1_lowered:
.L_overlay_start_0:
0x88: {  	s2 =	sld [smem:$0x3FD9]  }
0x89: {  	s3 =	sld [smem:$0x3FFE];
	_ =	sdelay $0x1  }
0x8a: {  	s1 =	srdreg.scid  }
0x8b: {  	s0 =	sand.u32 $0x1, s1  }
0x8c: {  	s17 =	sshll.u32 s0, $0xA;
	s2 =	sadd.s32 s3, s2  }
0x8d: {  	s2 =	sadd.s32 s2, s17  }
0x8e: {  	[smem:$0x3FC2] =	sst s2  }
0x8f: {  	_ = 	snop  }
0x90: {  	s2 =	sld [smem:$0x3FD0];
	(tm) =	ssettm $0x1  }
0x91: {  	s18 =	sld [smem:$0x3FFB];
	_ =	sdelay $0x3  }
0x92: {  	_ =	strace s18  }
0x93: {  	s3 =	sld [smem:$0x3FFC];
	_ =	sdelay $0x3  }
0x94: {  	_ =	strace s3  }
0x95: {  	s3 =	sld [smem:$0x3FFD];
	_ =	sdelay $0x3  }
0x96: {  	_ =	strace s3  }
0x97: {  	_ =	strace $0x8FFFFFFF  }
0x98: {  	s19 =	sld [smem:$0x3FDB];
	_ =	sdelay $0x1  }
0x99: {  	s4 =	simm.s32 $_scs_section_size  }
0x9a: {  	s5 =	simm.s32 $_size__tile_overlayer_lowered;
	s6 =	simm.s32 $_tile_overlayer_lowered  }
0x9b: {  	s22 =	simm.s32 $0x1BFF;
	s21 =	sshll.u32 s6, $0x1;
	s3 =	sadd.s32 s4, s19  }
0x9c: {  	s7 =	simm.s32 $0x0;
	s20 =	sshll.u32 s5, $0x1;
	s5 =	sadd.s32 s21, s3  }
0x9d: {  	[timem:s7], [sflag:s22] =	dma.local [hbm:s5], s20  }
0x9e: {  	_ =	swait.ge [sflag:s22], s20  }
0x9f: {  	s4 =	ssub.s32 $0x0, s20;
	[sflag:s22] =	ssyncset.done $0x0  }
0xa0: {  	[sflag:s22] =	ssyncadd.s32 s4;
	_ =	sdelay $0x1  }
0xa1: {  	s23 =	simm.s32 $0x1B8B  }
0xa2: {  	_ =	swait.ge [sflag:s23], $0x1  }
0xa3: {  	[sflag:s23] =	ssyncset.done $0x0  }
0xa4: {  	s25 =	simm.s32 $0x1B8E;
	s24 =	sld [smem:$0x3FFE];
	[sflag:s23] =	ssyncadd.s32 $0xFFFFFFFF  }
0xa5: {  	s26 =	simm.s32 $execute0_lowered;
	[smem:$0x3FD2] =	sst s25  }
0xa6: {  	s5 =	sshll.u32 s26, $0x1;
	_ =	strace $0x80000049;
	[dreg:$0x1] =	wrdreg $0xFFFFFFFF  }
0xa7: {  	s28 =	simm.s32 $_size_execute0_lowered;
	s3 =	sadd.s32 s3, s5;
	[dreg:$0x0] =	wrdreg $0x0  }
0xa8: {  	s5 =	sshll.u32 s28, $0x1;
	[dreg:$0x2] =	wrdreg s3  }
0xa9: {  	[dreg:$0x3] =	wrdreg s5  }
0xaa: {  	[dreg:$0x4] =	wrdreg $0xC0  }
0xab: {  	_ =	task [dreg:s7], $0x5FFFF  }
0xac: {  	[dreg:$0x1] =	wrdreg $0xFFFFFFFF  }
0xad: {  	[dreg:$0x0] =	wrdreg $0x60  }
0xae: {  	[dreg:$0x2] =	wrdreg s2  }
0xaf: {  	[dreg:$0x3] =	wrdreg s24  }
0xb0: {  	[dreg:$0x4] =	wrdreg $0xDF000  }
0xb1: {  	[dreg:$0x5] =	wrdreg $0x9  }
0xb2: {  	_ =	task.clear_ibuf [dreg:s7], $0x6FFFF;
	_ =	strace $0x90000049  }
0xb3: {  	s29 =	simm.s32 $0x9;
	_ =	strace $0x8000004B  }
0xb4: {  	_ =	swait.ge [sflag:s29], $0x1  }
0xb5: {  	[sflag:s29] =	ssyncadd.s32 $0xFFFFFFFF  }
0xb6: {  	_ =	strace $0x9000004B  }
0xb7: {  	_ =	sfence  }
0xb8: {  	s30 =	sld [smem:$0x0];
	_ =	sdelay $0x2  }
0xb9: {  	s31 =	sshll.u32 s1, $0xD;
	s1 =	sshrl.u32 s1, $0x2  }
0xba: {  	s3 =	sand.u32 $0x4000, s31;
	s1 =	sadd.s32 s1, s30  }
0xbb: {  	s0 =	sor.u32 s3, s0;
	s1 =	sshll.u32 s1, $0x11  }
0xbc: {  	s0 =	sor.u32 s1, s0  }
0xbd: {  	s0 =	sadd.s32 $0x8F2B, s0  }
0xbe: {  	[sflag:s0] =	ssyncadd.remote.s32 $0x1  }
0xbf: {  	_ =	sfence.sel $0xFFFF  }
0xc0: {  	[dreg:$0x0] =	wrdreg $0xFFFFFFFF;
	(pc) =	sbr.abs _section_cstart, $3  }
0xc1: {  	[dreg:$0x1] =	wrdreg $0xFFFFFFFF  }
0xc2: {  	_ =	task.clear_ibuf [dreg:s7], $0x2FFFF;
	_ =	strace $0x9FFFFFFF  }
0xc3: {  	(tm) =	ssettm $0x7FFFFFFF  }
tec
execute0_lowered:
.L_overlay_start_1:
0x0: {  	(tag) =	ssettag $0x1  }
0x1: {  	s0 =	rddreg [dreg:$0x0]  }
0x2: {  	s1 =	rddreg [dreg:$0x1]  }
0x3: {  	s2 =	rddreg [dreg:$0x2];
	s4 =	simm.s32 $0x0;
	s3 =	stileid.u32  }
0x4: {  	s7 =	srdreg.scid;
	s16 =	simm.s32 $0x7;
	s19 =	simm.s32 $0x4F00  }
0x5: {  	s22 =	simm.s32 $0x7F00;
	s29 =	simm.s32 $0xC700;
	s30 =	simm.s32 $0x1  }
0x6: {  	s31 =	simm.s32 $0x3;
	s20 =	simm.s32 $0x0;
	[smem:$0x7FF] =	sst s4  }
0x7: {  	s6 =	smul.u32 $0x7500, s3;
	s4 =	sadd.s32 $0x1E00, s1;
	s7 =	sand.u32 $0x1, s7  }
0x8: {  	s25 =	sshll.u32 s3, $0x6;
	s17 =	sadd.s32 $0x75000, s2;
	p0 =	sne.s32 s3, $0xF  }
0x9: {  	_ =	strace $0x8000004A;
	s8 =	smul.u32 $0xEA60, s7;
	s9 =	ssub.s32 $0x2, s7  }
0xa: {  	s7 =	sshll.u32 s7, $0x4;
	s17 =	sshrl.u32 @!p0 s17, $0x3;
	s5 =	sshrl.u32 s6, $0x3  }
0xb: {  	s11 =	sshrl.u32 s9, $0x1;
	s18 =	sor.u32 s3, s7;
	s15 =	sadd.s32 s6, s2  }
0xc: {  	s7 =	sor.u32 $0x1C07, s25;
	[dreg:$0x4] =	wrdreg s5;
	s10 =	sadd.s32 s5, s1  }
0xd: {  	s13 =	sadd.s32 s8, s1;
	s14 =	ssub.s32 s9, s11;
	s24 =	smul.u32 $0x2700, s18  }
0xe: {  	s26 =	sshll.u32 s18, $0x4;
	s1 =	sadd.s32 $0x1F400, s1;
	s15 =	sshrl.u32 s15, $0x3  }
0xf: {  	p1 =	slt.u32 s18, $0x1C;
	s18 =	simm.s32 $0x80;
	s5 =	sadd.s32 $0x10A00, s10  }
.Ltmp0:
0x10: {  	[dreg:$0x6] =	wrdreg s1;
	s13 =	sadd.s32 $0x1F600, s13;
	(pc) =	sbr.rel .LBB2_1-.Ltmp0, $4  }
0x11: {  	s14 =	smax.u32 s14, $0x1;
	s1 =	simm.s32 $0x6;
	s8 =	sshrl.u32 s24, $0x3  }
0x12: {  	[dreg:$0x5] =	wrdreg s5;
	s8 =	sadd.s32 s0, s8;
	s0 =	sadd.s32 s0, s26  }
0x13: {  	s26 =	simm.s32 $0xAF00;
	s10 =	sadd.s32 $0x9C40, s8;
	s28 =	sadd.s32 $0x9A40, s0  }
0x14: {  	s12 =	sadd.s32 $0x13680, s0;
	s0 =	simm.s32 $0x5;
	[dreg:$0x7] =	wrdreg s28  }
.LBB2_4:
0x15: {  	_ =	swait.ge [sflag:s1], $0x1800  }
0x16: {  	[sflag:s1] =	ssyncset.done $0x0  }
0x17: {  	[sflag:s1] =	ssyncadd.s32 $0xFFFFE800  }
0x18: {  	[spmem:s2] =	stream.indirect.scatter.add.f32 [tilespmem:s29], [sflag:$0x7], $0x30, s24, s18, $0xb8;
	[tilespmem:$0x15430] =	vst v63  }
0x19: {  	_ =	swait.ge [sflag:s16], $0x1800  }
0x1a: {  	s3 =	simm.s32 @!p1 $0x80;
	[sflag:s16] =	ssyncset.done $0x0  }
0x1b: {  	s5 =	simm.s32 @!p1 $0x2700;
	s6 =	simm.s32 @!p1 $0x4F00;
	[sflag:s16] =	ssyncadd.s32 $0xFFFFE800  }
0x1c: {  	[tilespmem:s6], [sflag:$0x1] =	stream.indirect.gather @!p1 [hbm4b:s4+s3], $0x30, s5, s3, $0xb8;
	[tilespmem:$0x15430] =	vst v63  }
0x1d: {  	s5 =	simm.s32 @!p1 $0x1  }
0x1e: {  	_ =	swait.ge @!p1 [sflag:s5], $0x1800  }
0x1f: {  	[sflag:s5] =	ssyncset.done @!p1 $0x0  }
0x20: {  	[sflag:s5] =	ssyncadd.s32 @!p1 $0xFFFFE800;
	s5 =	simm.s32 @!p1 $0x4E80  }
0x21: {  	[spmem:s2] =	stream.indirect.scatter.add.f32 @!p1 [tilespmem:s6], [sflag:$0x7], $0x30, s5, s3, $0xb8;
	[tilespmem:$0x15430] =	vst v63  }
0x22: {  	s3 =	simm.s32 @!p1 $0x7  }
0x23: {  	_ =	swait.ge @!p1 [sflag:s3], $0x1800  }
0x24: {  	[sflag:s3] =	ssyncset.done @!p1 $0x0  }
0x25: {  	[sflag:s3] =	ssyncadd.s32 @!p1 $0xFFFFE800  }
0x26: {  	[bflag:$0x0] =	sbarrier.arrive $0xFFFF  }
0x27: {  	s28 =	rddreg [dreg:$0x4]  }
0x28: {  	s3 =	sadd.s32 s28, s13  }
0x29: {  	[hbm:s3], [sflag:s7] =	dma.local [spmem:s15], $0xEA0  }
0x2a: {  	_ =	swait.ge [sflag:s16], $0xEA0  }
0x2b: {  	s20 =	sadd.s32 $0x1, s20;
	[sflag:s16] =	ssyncset.done $0x0  }
0x2c: {  	p2 =	sne.s32 s20, s14;
	s3 =	sadd.s32 @!p0 $0xEA00, s13;
	[sflag:s16] =	ssyncadd.s32 $0xFFFFF160  }
0x2d: {  	[hbm:s3], [sflag:s7] =	dma.local @!p0 [spmem:s17], $0x60  }
.Ltmp1:
0x2e: {  	_ = 	snop;
	(pc) =	sbr.rel @!p2 .LBB2_5-.Ltmp1, $4  }
0x2f: {  	s3 =	simm.s32 @!p0 $0x7  }
0x30: {  	_ =	swait.ge @!p0 [sflag:s3], $0x60  }
0x31: {  	[sflag:s3] =	ssyncset.done @!p0 $0x0  }
0x32: {  	[sflag:s3] =	ssyncadd.s32 @!p0 $0xFFFFFFA0  }
.LBB2_1:
0x33: {  	s3 =	rddreg [dreg:$0x5]  }
0x34: {  	[spmem:s15], [sflag:s7] =	dma.local [hbm:s3], $0xEA0  }
0x35: {  	_ =	swait.ge [sflag:s16], $0xEA0  }
0x36: {  	[sflag:s16] =	ssyncset.done $0x0  }
0x37: {  	s21 =	simm.s32 @!p0 $0x7;
	s3 =	rddreg [dreg:$0x6];
	[sflag:s16] =	ssyncadd.s32 $0xFFFFF160  }
0x38: {  	[spmem:s17], [sflag:s7] =	dma.local @!p0 [hbm:s3], $0x60  }
0x39: {  	_ =	swait.ge @!p0 [sflag:s21], $0x60  }
0x3a: {  	[sflag:s21] =	ssyncset.done @!p0 $0x0  }
0x3b: {  	[sflag:s21] =	ssyncadd.s32 @!p0 $0xFFFFFFA0  }
0x3c: {  	s9 =	simm.s32 $0x0;
	[bflag:$0x0] =	sbarrier.arrive $0xFFFF  }
0x3d: {  	[tilespmem:s9], [sflag:$0x7] =	stream.linear.gather [hbm4b:s8+s9], $0x2700, $0x38;
	[tilespmem:$0x15430] =	vst v63  }
0x3e: {  	_ =	swait.ge [sflag:s16], $0x2700  }
0x3f: {  	[sflag:s16] =	ssyncset.done $0x0  }
0x40: {  	s23 =	simm.s32 @p1 $0x2780;
	s21 =	simm.s32 @p1 $0x0;
	[sflag:s16] =	ssyncadd.s32 $0xFFFFD900  }
0x41: {  	[tilespmem:s23], [sflag:$0x7] =	stream.linear.gather @p1 [hbm4b:s10+s21], $0x2700, $0x38;
	[tilespmem:$0x15430] =	vst v63  }
0x42: {  	s21 =	simm.s32 @p1 $0x7  }
0x43: {  	_ =	swait.ge @p1 [sflag:s21], $0x2700  }
0x44: {  	s23 =	simm.s32 @!p1 $0x2700;
	[sflag:s21] =	ssyncset.done @p1 $0x0  }
0x45: {  	s5 =	rddreg [dreg:$0x7];
	[sflag:s21] =	ssyncadd.s32 @p1 $0xFFFFD900;
	s21 =	simm.s32 @!p1 $0x0  }
0x46: {  	[tilespmem:s23], [sflag:$0x7] =	stream.linear.gather @!p1 [hbm4b:s5+s21], $0x80, $0x38;
	[tilespmem:$0x15430] =	vst v63  }
0x47: {  	s23 =	simm.s32 @!p1 $0x7  }
0x48: {  	_ =	swait.ge @!p1 [sflag:s23], $0x80  }
0x49: {  	[sflag:s23] =	ssyncset.done @!p1 $0x0  }
0x4a: {  	s24 =	simm.s32 @!p1 $0x2780;
	[sflag:s23] =	ssyncadd.s32 @!p1 $0xFFFFFF80  }
0x4b: {  	[tilespmem:s24], [sflag:$0x7] =	stream.linear.gather @!p1 [hbm4b:s10+s21], $0x2700, $0x38;
	[tilespmem:$0x15430] =	vst v63  }
0x4c: {  	_ =	swait.ge @!p1 [sflag:s23], $0x2700  }
0x4d: {  	[sflag:s23] =	ssyncset.done @!p1 $0x0  }
0x4e: {  	s24 =	simm.s32 @!p1 $0x4E80;
	[sflag:s23] =	ssyncadd.s32 @!p1 $0xFFFFD900  }
0x4f: {  	[tilespmem:s24], [sflag:$0x7] =	stream.linear.gather @!p1 [hbm4b:s12+s21], $0x80, $0x38;
	[tilespmem:$0x15430] =	vst v63  }
0x50: {  	_ =	swait.ge @!p1 [sflag:s23], $0x80  }
0x51: {  	[sflag:s23] =	ssyncset.done @!p1 $0x0  }
0x52: {  	[sflag:s23] =	ssyncadd.s32 @!p1 $0xFFFFFF80  }
0x53: {  	[tilespmem:s19], [sflag:$0x1] =	stream.indirect.gather [hbm4b:s4+s18], $0x30, s9, s18, $0xb8;
	[tilespmem:$0x15430] =	vst v63  }
0x54: {  	s11 =	simm.s32 $0x6700  }
0x55: {  	[tilespmem:s11], [sflag:$0x2] =	stream.indirect.gather [hbm4b:s4+s18], $0x30, s18, s18, $0xb8;
	[tilespmem:$0x15430] =	vst v63  }
0x56: {  	s21 =	simm.s32 $0x100  }
0x57: {  	[tilespmem:s22], [sflag:$0x3] =	stream.indirect.gather [hbm4b:s4+s18], $0x30, s21, s18, $0xb8;
	[tilespmem:$0x15430] =	vst v63  }
0x58: {  	s24 =	simm.s32 $0x9700;
	s23 =	simm.s32 $0x180  }
0x59: {  	[tilespmem:s24], [sflag:$0x4] =	stream.indirect.gather [hbm4b:s4+s18], $0x30, s23, s18, $0xb8;
	[tilespmem:$0x15430] =	vst v63  }
0x5a: {  	s25 =	simm.s32 $0x200  }
0x5b: {  	[tilespmem:s26], [sflag:$0x5] =	stream.indirect.gather [hbm4b:s4+s18], $0x30, s25, s18, $0xb8;
	[tilespmem:$0x15430] =	vst v63  }
0x5c: {  	s28 =	simm.s32 $0x280;
	s21 =	simm.s32 $0x0  }
0x5d: {  	[tilespmem:s29], [sflag:$0x6] =	stream.indirect.gather [hbm4b:s4+s18], $0x30, s28, s18, $0xb8;
	[tilespmem:$0x15430] =	vst v63  }
.LBB2_2:
0x5e: {  	_ =	swait.ge [sflag:s30], $0x1800  }
0x5f: {  	s23 =	sshra.s32 s21, $0x2;
	[sflag:s30] =	ssyncset.done $0x0  }
0x60: {  	s24 =	sadd.s32 $0x2780, s23;
	[sflag:s30] =	ssyncadd.s32 $0xFFFFE800  }
0x61: {  	[spmem:s2] =	stream.indirect.scatter.add.f32 [tilespmem:s19], [sflag:$0x7], $0x30, s24, s18, $0xb8;
	[tilespmem:$0x15430] =	vst v63  }
0x62: {  	_ =	swait.ge [sflag:s16], $0x1800  }
0x63: {  	p2 =	seq.s32 s21, $0x9000;
	[sflag:s16] =	ssyncset.done $0x0  }
0x64: {  	s24 =	simm.s32 @p2 $0x2;
	[sflag:s16] =	ssyncadd.s32 $0xFFFFE800  }
0x65: {  	_ =	swait.ge @p2 [sflag:s24], $0x1800  }
0x66: {  	[sflag:s24] =	ssyncset.done @p2 $0x0  }
0x67: {  	[sflag:s24] =	ssyncadd.s32 @p2 $0xFFFFE800;
	s24 =	sshra.s32 @p2 s21, $0x2  }
0x68: {  	s28 =	simm.s32 @p2 $0x80;
	s3 =	simm.s32 @p2 $0x6700;
	s25 =	sadd.s32 @p2 $0x2800, s24  }
0x69: {  	[spmem:s2] =	stream.indirect.scatter.add.f32 @p2 [tilespmem:s3], [sflag:$0x7], $0x30, s25, s28, $0xb8;
	[tilespmem:$0x15430] =	vst v63  }
0x6a: {  	s3 =	simm.s32 @p2 $0x7  }
0x6b: {  	_ =	swait.ge @p2 [sflag:s3], $0x1800  }
0x6c: {  	s6 =	simm.s32 @!p2 $0x80;
	s25 =	sshra.s32 @!p2 s21, $0x2;
	[sflag:s3] =	ssyncset.done @p2 $0x0  }
0x6d: {  	s9 =	simm.s32 @!p2 $0x4F00;
	s5 =	sadd.s32 @!p2 $0x300, s25;
	[sflag:s3] =	ssyncadd.s32 @p2 $0xFFFFE800  }
0x6e: {  	[tilespmem:s9], [sflag:$0x1] =	stream.indirect.gather @!p2 [hbm4b:s4+s6], $0x30, s5, s6, $0xb8;
	[tilespmem:$0x15430] =	vst v63  }
0x6f: {  	s5 =	simm.s32 @!p2 $0x2  }
0x70: {  	_ =	swait.ge @!p2 [sflag:s5], $0x1800  }
0x71: {  	[sflag:s5] =	ssyncset.done @!p2 $0x0  }
0x72: {  	s9 =	simm.s32 @!p2 $0x6700;
	[sflag:s5] =	ssyncadd.s32 @!p2 $0xFFFFE800;
	s5 =	sadd.s32 @!p2 $0x2800, s25  }
0x73: {  	[spmem:s2] =	stream.indirect.scatter.add.f32 @!p2 [tilespmem:s9], [sflag:$0x7], $0x30, s5, s6, $0xb8;
	[tilespmem:$0x15430] =	vst v63  }
0x74: {  	s5 =	simm.s32 @!p2 $0x7  }
0x75: {  	_ =	swait.ge @!p2 [sflag:s5], $0x1800  }
0x76: {  	[sflag:s5] =	ssyncset.done @!p2 $0x0  }
0x77: {  	s11 =	sadd.s32 @!p2 $0x380, s25;
	[sflag:s5] =	ssyncadd.s32 @!p2 $0xFFFFE800  }
0x78: {  	[tilespmem:s9], [sflag:$0x2] =	stream.indirect.gather @!p2 [hbm4b:s4+s6], $0x30, s11, s6, $0xb8;
	[tilespmem:$0x15430] =	vst v63  }
0x79: {  	_ =	swait.ge [sflag:s31], $0x1800  }
0x7a: {  	[sflag:s31] =	ssyncset.done $0x0  }
0x7b: {  	s11 =	sadd.s32 $0x2880, s23;
	[sflag:s31] =	ssyncadd.s32 $0xFFFFE800  }
0x7c: {  	[spmem:s2] =	stream.indirect.scatter.add.f32 [tilespmem:s22], [sflag:$0x7], $0x30, s11, s18, $0xb8;
	[tilespmem:$0x15430] =	vst v63  }
0x7d: {  	_ =	swait.ge [sflag:s16], $0x1800  }
0x7e: {  	[sflag:s16] =	ssyncset.done $0x0  }
0x7f: {  	s9 =	simm.s32 @p2 $0x4;
	[sflag:s16] =	ssyncadd.s32 $0xFFFFE800  }
0x80: {  	_ =	swait.ge @p2 [sflag:s9], $0x1800  }
0x81: {  	[sflag:s9] =	ssyncset.done @p2 $0x0  }
0x82: {  	s11 =	simm.s32 @p2 $0x9700;
	[sflag:s9] =	ssyncadd.s32 @p2 $0xFFFFE800;
	s9 =	sadd.s32 @p2 $0x2900, s24  }
0x83: {  	[spmem:s2] =	stream.indirect.scatter.add.f32 @p2 [tilespmem:s11], [sflag:$0x7], $0x30, s9, s28, $0xb8;
	[tilespmem:$0x15430] =	vst v63  }
0x84: {  	_ =	swait.ge @p2 [sflag:s3], $0x1800  }
0x85: {  	[sflag:s3] =	ssyncset.done @p2 $0x0  }
0x86: {  	s9 =	simm.s32 @!p2 $0x7F00;
	[sflag:s3] =	ssyncadd.s32 @p2 $0xFFFFE800;
	s3 =	sadd.s32 @!p2 $0x400, s25  }
0x87: {  	[tilespmem:s9], [sflag:$0x3] =	stream.indirect.gather @!p2 [hbm4b:s4+s6], $0x30, s3, s6, $0xb8;
	[tilespmem:$0x15430] =	vst v63  }
0x88: {  	s3 =	simm.s32 @!p2 $0x4  }
0x89: {  	_ =	swait.ge @!p2 [sflag:s3], $0x1800  }
0x8a: {  	[sflag:s3] =	ssyncset.done @!p2 $0x0  }
0x8b: {  	s9 =	simm.s32 @!p2 $0x9700;
	[sflag:s3] =	ssyncadd.s32 @!p2 $0xFFFFE800;
	s3 =	sadd.s32 @!p2 $0x2900, s25  }
0x8c: {  	[spmem:s2] =	stream.indirect.scatter.add.f32 @!p2 [tilespmem:s9], [sflag:$0x7], $0x30, s3, s6, $0xb8;
	[tilespmem:$0x15430] =	vst v63  }
0x8d: {  	_ =	swait.ge @!p2 [sflag:s5], $0x1800  }
0x8e: {  	[sflag:s5] =	ssyncset.done @!p2 $0x0  }
0x8f: {  	s3 =	sadd.s32 @!p2 $0x480, s25;
	[sflag:s5] =	ssyncadd.s32 @!p2 $0xFFFFE800  }
0x90: {  	[tilespmem:s9], [sflag:$0x4] =	stream.indirect.gather @!p2 [hbm4b:s4+s6], $0x30, s3, s6, $0xb8;
	[tilespmem:$0x15430] =	vst v63  }
0x91: {  	_ =	swait.ge [sflag:s0], $0x1800  }
0x92: {  	[sflag:s0] =	ssyncset.done $0x0  }
.Ltmp2:
0x93: {  	s28 =	sadd.s32 $0x2980, s23;
	[sflag:s0] =	ssyncadd.s32 $0xFFFFE800;
	(pc) =	sbr.rel @p2 .LBB2_4-.Ltmp2, $4  }
0x94: {  	[spmem:s2] =	stream.indirect.scatter.add.f32 [tilespmem:s26], [sflag:$0x7], $0x30, s28, s18, $0xb8;
	[tilespmem:$0x15430] =	vst v63  }
0x95: {  	_ =	swait.ge [sflag:s16], $0x1800  }
0x96: {  	[sflag:s16] =	ssyncset.done $0x0  }
0x97: {  	s24 =	sadd.s32 $0x2A00, s23;
	[sflag:s16] =	ssyncadd.s32 $0xFFFFE800  }
0x98: {  	s3 =	sadd.s32 $0x500, s23  }
0x99: {  	[tilespmem:s26], [sflag:$0x5] =	stream.indirect.gather [hbm4b:s4+s18], $0x30, s3, s18, $0xb8;
	[tilespmem:$0x15430] =	vst v63  }
0x9a: {  	_ =	swait.ge [sflag:s1], $0x1800  }
0x9b: {  	[sflag:s1] =	ssyncset.done $0x0  }
0x9c: {  	[sflag:s1] =	ssyncadd.s32 $0xFFFFE800  }
0x9d: {  	[spmem:s2] =	stream.indirect.scatter.add.f32 [tilespmem:s29], [sflag:$0x7], $0x30, s24, s18, $0xb8;
	[tilespmem:$0x15430] =	vst v63  }
.Ltmp3:
0x9e: {  	_ = 	snop;
	(pc) =	sbr.rel .LBB2_2-.Ltmp3, $4  }
0x9f: {  	_ =	swait.ge [sflag:s16], $0x1800  }
0xa0: {  	[sflag:s16] =	ssyncset.done $0x0  }
0xa1: {  	s28 =	sadd.s32 $0x580, s23;
	s21 =	sadd.s32 $0xC00, s21;
	[sflag:s16] =	ssyncadd.s32 $0xFFFFE800  }
0xa2: {  	[tilespmem:s29], [sflag:$0x6] =	stream.indirect.gather [hbm4b:s4+s18], $0x30, s28, s18, $0xb8;
	[tilespmem:$0x15430] =	vst v63  }
.LBB2_5:
0xa3: {  	_ =	sfence.sel $0x180000  }
0xa4: {  	[bflag:$0x0] =	sbarrier.arrive $0xFFFF  }
0xa5: {  	_ =	strace $0x9000004A  }
0xa6: {  	s0 =	stileid.u32;
	[bflag:$0x2] =	sbarrier.arrive $0xFFFF  }
0xa7: {  	p0 =	sne.s32 s0, $0x0;
	s0 =	rddreg [dreg:$0x3]  }
0xa8: {  	s0 =	sadd.s32 @!p0 $0x100000, s0  }
0xa9: {  	[sflag:s0] =	ssyncadd.tile.s32 @!p0 $0x1;
	_ =	shalt  }
.Lfunc_end2:
_tile_overlayer_lowered:
.L_overlay_start_2:
0xaa: {  	(tag) =	ssettag $0x2  }
0xab: {  	s0 =	rddreg [dreg:$0x0];
	s2 =	stileid.u32  }
0xac: {  	s1 =	rddreg [dreg:$0x1];
	p0 =	sne.s32 s2, $0x0  }
0xad: {  	s3 =	rddreg [dreg:$0x2];
	[bflag:$0x3] =	sbarrier.arrive $0xFFFF;
	s2 =	simm.s32 @!p0 $0x1C07  }
0xae: {  	[timem:s3], [sflag:s2] =	dma.local @!p0 [hbm:s0], s1  }
0xaf: {  	s0 =	simm.s32 @!p0 $0x7  }
0xb0: {  	_ =	swait.ge @!p0 [sflag:s0], s1  }
0xb1: {  	s1 =	ssub.s32 @!p0 $0x0, s1;
	[sflag:s0] =	ssyncset.done @!p0 $0x0  }
0xb2: {  	[sflag:s0] =	ssyncadd.s32 @!p0 s1  }
0xb3: {  	[bflag:$0x3] =	sbarrier.arrive $0xFFFF  }
0xb4: {  	_ =	shalt  }

// kernel: kernel.14.cloned.1.call-start
scs
__scs_entry_jumppad:
0x0: {  	(pc) =	sbr.rel $0x88, $3  }
0x1: {  	(tag) =	ssettag $0x0;
	lr =	simm.s32 $0x1  }
0x2: {  	[smem:$0x3F9B] =	sst lr;
	_ =	strace $0xD0000000  }
0x3: {  	_ = 	snop  }
0x4: {  	_ = 	snop  }
0x5: {  	_ = 	snop  }
0x6: {  	_ = 	snop  }
0x7: {  	_ = 	snop  }
__scs_overlays_trampoline_lowered:
0x8: {  	[smem:$0x3FAA] =	sst s0  }
0x9: {  	[smem:$0x3FAB] =	sst s1  }
0xa: {  	[smem:$0x3FAC] =	sst s2  }
0xb: {  	[smem:$0x3FAD] =	sst s3  }
0xc: {  	[smem:$0x3FAE] =	sst s4  }
0xd: {  	[smem:$0x3FAF] =	sst s5  }
0xe: {  	[smem:$0x3FB0] =	sst s6  }
0xf: {  	[smem:$0x3FB1] =	sst s7  }
0x10: {  	[smem:$0x3FB2] =	sst s8  }
0x11: {  	[smem:$0x3FB3] =	sst s9;
	s0 =	simm.s32 @!p0 $0x0  }
0x12: {  	s1 =	sld [smem:$0x3F99];
	s0 =	simm.s32 @p0 $0x1  }
0x13: {  	[smem:$0x3FB4] =	sst s0;
	s0 =	simm.s32 @!p1 $0x0  }
0x14: {  	s2 =	sld [smem:$0x3F98];
	s0 =	simm.s32 @p1 $0x1  }
0x15: {  	[smem:$0x3FB5] =	sst s0;
	s0 =	simm.s32 @!p2 $0x0  }
0x16: {  	s3 =	sld [smem:$0x3FDB];
	s0 =	simm.s32 @p2 $0x1  }
0x17: {  	s4 =	simm.s32 $0x1BF5;
	[smem:$0x3FB7] =	sst s0  }
0x18: {  	s0 =	sld [smem:$0x3F9A];
	_ =	swait.ge [sflag:s4], $0x0  }
0x19: {  	s7 =	sld [smem:$0x3F9B]  }
0x1a: {  	s8 =	sadd.s32 $0xFFFFE003, lr  }
0x1b: {  	s9 =	sadd.s32 $0xFFFFFEF7, lr;
	s5 =	simm.s32 $0xFFFFFFFF;
	p2 =	slt.u32 s8, $0xFFFFF086  }
0x1c: {  	p1 =	slt.u32 s9, $0xF7A;
	s5 =	simm.s32 @!p2 $0x0  }
0x1d: {  	s5 =	simm.s32 @p1 $0x1;
	p0 =	seq.s32 s7, s2  }
0x1e: {  	s7 =	smul.u32 @!p0 $0xF7A, s2;
	p2 =	seq.s32 @!p0 s5, $0x0  }
0x1f: {  	s9 =	smul.u32 $0xF7A, s1;
	s8 =	simm.s32 @!p0 $0x1BF5;
	p2 =	por !p2, p0  }
0x20: {  	[sflag:s8] =	ssyncset.s32 @!p0 $0xFFFFF086;
	s6 =	sadd.s32 @!p0 s3, s7;
	s7 =	simm.s32 @!p0 $0x108  }
0x21: {  	s3 =	sadd.s32 s3, s9;
	s6 =	sadd.s32 @!p0 $0x88, s6;
	s7 =	simm.s32 @p2 $0x1082  }
0x22: {  	[simem:s7], [sflag:s8] =	dma.local @!p0 [hbm:s6], $0xF7A  }
0x23: {  	s9 =	sor.u32 $0xD0000000, s2;
	s6 =	simm.s32 $0x108;
	_ =	swait.ge @!p0 [sflag:s8], $0x0  }
0x24: {  	s3 =	sadd.s32 $0x88, s3;
	s6 =	simm.s32 @!p1 $0x1082;
	[sflag:s4] =	ssyncset.s32 $0xFFFFF086  }
0x25: {  	[simem:s6], [sflag:s4] =	dma.local [hbm:s3], $0xF7A  }
0x26: {  	[smem:$0x3F9B] =	sst s1;
	(tag) =	ssettag s2;
	_ =	strace s9  }
0x27: {  	s1 =	sld [smem:$0x3FAB]  }
0x28: {  	s2 =	sld [smem:$0x3FAC]  }
0x29: {  	s4 =	sld [smem:$0x3FAE]  }
0x2a: {  	p0 =	seq.s32 s5, $0x0;
	s5 =	sld [smem:$0x3FAF]  }
0x2b: {  	s6 =	sld [smem:$0x3FB0]  }
0x2c: {  	s7 =	sld [smem:$0x3FB1]  }
0x2d: {  	s3 =	simm.s32 $0x108;
	s8 =	sld [smem:$0x3FB2]  }
0x2e: {  	s3 =	simm.s32 @!p0 $0x1082;
	s9 =	sld [smem:$0x3FB3]  }
0x2f: {  	lr =	sadd.s32 s0, s3;
	s0 =	sld [smem:$0x3FAA]  }
0x30: {  	s3 =	sld [smem:$0x3FAD]  }
0x31: {  	[smem:$0x3FB6] =	sst s10  }
0x32: {  	s10 =	sld [smem:$0x3FB4];
	_ =	sdelay $0x3  }
0x33: {  	p0 =	seq.s32 s10, $0x1;
	s10 =	sld [smem:$0x3FB6];
	_ =	sdelay $0x3  }
0x34: {  	[smem:$0x3FB6] =	sst s10  }
0x35: {  	s10 =	sld [smem:$0x3FB5];
	_ =	sdelay $0x3  }
0x36: {  	p1 =	seq.s32 s10, $0x1;
	s10 =	sld [smem:$0x3FB6];
	_ =	sdelay $0x3  }
0x37: {  	[smem:$0x3FB6] =	sst s10  }
0x38: {  	s10 =	sld [smem:$0x3FB7]  }
0x39: {  	_ = 	snop;
	(pc) =	sbr.ind lr, $3  }
0x3a: {  	_ = 	snop  }
0x3b: {  	_ = 	snop  }
0x3c: {  	p2 =	seq.s32 s10, $0x1;
	s10 =	sld [smem:$0x3FB6]  }
0x3d: {  	_ =	shalt  }
0x3e: {  	_ =	shalt  }
0x3f: {  	_ =	shalt  }
0x40: {  	_ =	shalt  }
0x41: {  	_ =	shalt  }
0x42: {  	_ =	shalt  }
0x43: {  	_ =	shalt  }
0x44: {  	_ =	shalt  }
0x45: {  	_ =	shalt  }
0x46: {  	_ =	shalt  }
0x47: {  	_ =	shalt  }
0x48: {  	_ =	shalt  }
0x49: {  	_ =	shalt  }
0x4a: {  	_ =	shalt  }
0x4b: {  	_ =	shalt  }
0x4c: {  	_ =	shalt  }
0x4d: {  	_ =	shalt  }
0x4e: {  	_ =	shalt  }
0x4f: {  	_ =	shalt  }
0x50: {  	_ =	shalt  }
0x51: {  	_ =	shalt  }
0x52: {  	_ =	shalt  }
0x53: {  	_ =	shalt  }
0x54: {  	_ =	shalt  }
0x55: {  	_ =	shalt  }
0x56: {  	_ =	shalt  }
0x57: {  	_ =	shalt  }
0x58: {  	_ =	shalt  }
0x59: {  	_ =	shalt  }
0x5a: {  	_ =	shalt  }
0x5b: {  	_ =	shalt  }
0x5c: {  	_ =	shalt  }
0x5d: {  	_ =	shalt  }
0x5e: {  	_ =	shalt  }
0x5f: {  	_ =	shalt  }
0x60: {  	_ =	shalt  }
0x61: {  	_ =	shalt  }
0x62: {  	_ =	shalt  }
0x63: {  	_ =	shalt  }
0x64: {  	_ =	shalt  }
0x65: {  	_ =	shalt  }
0x66: {  	_ =	shalt  }
0x67: {  	_ =	shalt  }
0x68: {  	_ =	shalt  }
0x69: {  	_ =	shalt  }
0x6a: {  	_ =	shalt  }
0x6b: {  	_ =	shalt  }
0x6c: {  	_ =	shalt  }
0x6d: {  	_ =	shalt  }
0x6e: {  	_ =	shalt  }
0x6f: {  	_ =	shalt  }
0x70: {  	_ =	shalt  }
0x71: {  	_ =	shalt  }
0x72: {  	_ =	shalt  }
0x73: {  	_ =	shalt  }
0x74: {  	_ =	shalt  }
0x75: {  	_ =	shalt  }
0x76: {  	_ =	shalt  }
0x77: {  	_ =	shalt  }
0x78: {  	_ =	shalt  }
0x79: {  	_ =	shalt  }
0x7a: {  	_ =	shalt  }
0x7b: {  	_ =	shalt  }
0x7c: {  	_ =	shalt  }
0x7d: {  	_ =	shalt  }
0x7e: {  	_ =	shalt  }
0x7f: {  	_ =	shalt  }
0x80: {  	_ =	shalt  }
0x81: {  	_ =	shalt  }
0x82: {  	_ =	shalt  }
0x83: {  	_ =	shalt  }
0x84: {  	_ =	shalt  }
0x85: {  	_ =	shalt  }
0x86: {  	_ =	shalt  }
0x87: {  	_ =	shalt  }
.Lfunc_end0:
.L_simem_size_0:
called_computation.2_lowered:
.L_overlay_start_0:
0x88: {  	s2 =	sld [smem:$0x3FD9]  }
0x89: {  	s3 =	sld [smem:$0x3FFE];
	_ =	sdelay $0x1  }
0x8a: {  	s1 =	srdreg.scid  }
0x8b: {  	s0 =	sand.u32 $0x1, s1  }
0x8c: {  	s17 =	sshll.u32 s0, $0xA;
	s2 =	sadd.s32 s3, s2  }
0x8d: {  	s2 =	sadd.s32 s2, s17  }
0x8e: {  	[smem:$0x3FC2] =	sst s2  }
0x8f: {  	_ = 	snop  }
0x90: {  	s2 =	sld [smem:$0x3FD0];
	(tm) =	ssettm $0x1  }
0x91: {  	s18 =	sld [smem:$0x3FFB];
	_ =	sdelay $0x3  }
0x92: {  	_ =	strace s18  }
0x93: {  	s3 =	sld [smem:$0x3FFC];
	_ =	sdelay $0x3  }
0x94: {  	_ =	strace s3  }
0x95: {  	s3 =	sld [smem:$0x3FFD];
	_ =	sdelay $0x3  }
0x96: {  	_ =	strace s3  }
0x97: {  	_ =	strace $0x8FFFFFFF  }
0x98: {  	s19 =	sld [smem:$0x3FDB];
	_ =	sdelay $0x1  }
0x99: {  	s4 =	simm.s32 $_scs_section_size  }
0x9a: {  	s5 =	simm.s32 $_size__tile_overlayer_lowered;
	s6 =	simm.s32 $_tile_overlayer_lowered  }
0x9b: {  	s22 =	simm.s32 $0x1BFF;
	s21 =	sshll.u32 s6, $0x1;
	s3 =	sadd.s32 s4, s19  }
0x9c: {  	s7 =	simm.s32 $0x0;
	s20 =	sshll.u32 s5, $0x1;
	s5 =	sadd.s32 s21, s3  }
0x9d: {  	[timem:s7], [sflag:s22] =	dma.local [hbm:s5], s20  }
0x9e: {  	_ =	swait.ge [sflag:s22], s20  }
0x9f: {  	s4 =	ssub.s32 $0x0, s20;
	[sflag:s22] =	ssyncset.done $0x0  }
0xa0: {  	[sflag:s22] =	ssyncadd.s32 s4;
	_ =	sdelay $0x1  }
0xa1: {  	s23 =	simm.s32 $0x1B8B  }
0xa2: {  	_ =	swait.ge [sflag:s23], $0x1  }
0xa3: {  	[sflag:s23] =	ssyncset.done $0x0  }
0xa4: {  	s25 =	simm.s32 $0x1B8E;
	s24 =	sld [smem:$0x3FFE];
	[sflag:s23] =	ssyncadd.s32 $0xFFFFFFFF  }
0xa5: {  	s26 =	simm.s32 $execute0_lowered;
	[smem:$0x3FD2] =	sst s25  }
0xa6: {  	s5 =	sshll.u32 s26, $0x1;
	_ =	strace $0x8000004C;
	[dreg:$0x1] =	wrdreg $0xFFFFFFFF  }
0xa7: {  	s28 =	simm.s32 $_size_execute0_lowered;
	s3 =	sadd.s32 s3, s5;
	[dreg:$0x0] =	wrdreg $0x0  }
0xa8: {  	s5 =	sshll.u32 s28, $0x1;
	[dreg:$0x2] =	wrdreg s3  }
0xa9: {  	[dreg:$0x3] =	wrdreg s5  }
0xaa: {  	[dreg:$0x4] =	wrdreg $0xC0  }
0xab: {  	_ =	task [dreg:s7], $0x5FFFF  }
0xac: {  	[dreg:$0x1] =	wrdreg $0xFFFFFFFF  }
0xad: {  	[dreg:$0x0] =	wrdreg $0x60  }
0xae: {  	[dreg:$0x2] =	wrdreg s2  }
0xaf: {  	[dreg:$0x3] =	wrdreg s24  }
0xb0: {  	[dreg:$0x4] =	wrdreg $0x10F000  }
0xb1: {  	[dreg:$0x5] =	wrdreg $0x9  }
0xb2: {  	_ =	task.clear_ibuf [dreg:s7], $0x6FFFF;
	_ =	strace $0x9000004C  }
0xb3: {  	s29 =	simm.s32 $0x9;
	_ =	strace $0x8000004E  }
0xb4: {  	_ =	swait.ge [sflag:s29], $0x1  }
0xb5: {  	[sflag:s29] =	ssyncadd.s32 $0xFFFFFFFF  }
0xb6: {  	_ =	strace $0x9000004E  }
0xb7: {  	_ =	sfence  }
0xb8: {  	s30 =	sld [smem:$0x0];
	_ =	sdelay $0x2  }
0xb9: {  	s31 =	sshll.u32 s1, $0xD;
	s1 =	sshrl.u32 s1, $0x2  }
0xba: {  	s3 =	sand.u32 $0x4000, s31;
	s1 =	sadd.s32 s1, s30  }
0xbb: {  	s0 =	sor.u32 s3, s0;
	s1 =	sshll.u32 s1, $0x11  }
0xbc: {  	s0 =	sor.u32 s1, s0  }
0xbd: {  	s0 =	sadd.s32 $0x8F2B, s0  }
0xbe: {  	[sflag:s0] =	ssyncadd.remote.s32 $0x1  }
0xbf: {  	_ =	sfence.sel $0xFFFF  }
0xc0: {  	[dreg:$0x0] =	wrdreg $0xFFFFFFFF;
	(pc) =	sbr.abs _section_cstart, $3  }
0xc1: {  	[dreg:$0x1] =	wrdreg $0xFFFFFFFF  }
0xc2: {  	_ =	task.clear_ibuf [dreg:s7], $0x2FFFF;
	_ =	strace $0x9FFFFFFF  }
0xc3: {  	(tm) =	ssettm $0x7FFFFFFF  }
tec
execute0_lowered:
.L_overlay_start_1:
0x0: {  	(tag) =	ssettag $0x1  }
0x1: {  	s0 =	rddreg [dreg:$0x0]  }
0x2: {  	s1 =	rddreg [dreg:$0x1]  }
0x3: {  	s2 =	rddreg [dreg:$0x2];
	s4 =	simm.s32 $0x0;
	s3 =	stileid.u32  }
0x4: {  	s7 =	srdreg.scid;
	s16 =	simm.s32 $0x7;
	s19 =	simm.s32 $0x4F00  }
0x5: {  	s22 =	simm.s32 $0x8F00;
	s29 =	simm.s32 $0xEF00;
	s30 =	simm.s32 $0x1  }
0x6: {  	s31 =	simm.s32 $0x3;
	s20 =	simm.s32 $0x0;
	[smem:$0x7FF] =	sst s4  }
0x7: {  	s6 =	smul.u32 $0x9C00, s3;
	s4 =	sadd.s32 $0x1E00, s1;
	s7 =	sand.u32 $0x1, s7  }
0x8: {  	s25 =	sshll.u32 s3, $0x6;
	s17 =	sadd.s32 $0x9C000, s2;
	p0 =	sne.s32 s3, $0xF  }
0x9: {  	_ =	strace $0x8000004D;
	s8 =	smul.u32 $0x13880, s7;
	s9 =	ssub.s32 $0x2, s7  }
0xa: {  	s7 =	sshll.u32 s7, $0x4;
	s17 =	sshrl.u32 @!p0 s17, $0x3;
	s5 =	sshrl.u32 s6, $0x3  }
0xb: {  	s11 =	sshrl.u32 s9, $0x1;
	s18 =	sor.u32 s3, s7;
	s15 =	sadd.s32 s6, s2  }
0xc: {  	s7 =	sor.u32 $0x1C07, s25;
	[dreg:$0x4] =	wrdreg s5;
	s10 =	sadd.s32 s5, s1  }
0xd: {  	s13 =	sadd.s32 s8, s1;
	s14 =	ssub.s32 s9, s11;
	s24 =	smul.u32 $0x2700, s18  }
0xe: {  	s26 =	sshll.u32 s18, $0x4;
	s1 =	sadd.s32 $0x29000, s1;
	s15 =	sshrl.u32 s15, $0x3  }
0xf: {  	p1 =	slt.u32 s18, $0x1C;
	s18 =	simm.s32 $0x80;
	s5 =	sadd.s32 $0x15800, s10  }
.Ltmp0:
0x10: {  	[dreg:$0x6] =	wrdreg s1;
	s13 =	sadd.s32 $0x29200, s13;
	(pc) =	sbr.rel .LBB2_1-.Ltmp0, $4  }
0x11: {  	s14 =	smax.u32 s14, $0x1;
	s1 =	simm.s32 $0x6;
	s8 =	sshrl.u32 s24, $0x3  }
0x12: {  	[dreg:$0x5] =	wrdreg s5;
	s8 =	sadd.s32 s0, s8;
	s0 =	sadd.s32 s0, s26  }
0x13: {  	s26 =	simm.s32 $0xCF00;
	s10 =	sadd.s32 $0x9C40, s8;
	s28 =	sadd.s32 $0x9A40, s0  }
0x14: {  	s12 =	sadd.s32 $0x13680, s0;
	s0 =	simm.s32 $0x5;
	[dreg:$0x7] =	wrdreg s28  }
.LBB2_4:
0x15: {  	_ =	swait.ge [sflag:s1], $0x2000  }
0x16: {  	[sflag:s1] =	ssyncset.done $0x0  }
0x17: {  	[sflag:s1] =	ssyncadd.s32 $0xFFFFE000  }
0x18: {  	[spmem:s2] =	stream.indirect.scatter.add.f32 [tilespmem:s29], [sflag:$0x7], $0x40, s24, s18, $0xb8;
	[tilespmem:$0x1AB40] =	vst v63  }
0x19: {  	_ =	swait.ge [sflag:s16], $0x2000  }
0x1a: {  	s3 =	simm.s32 @!p1 $0x80;
	[sflag:s16] =	ssyncset.done $0x0  }
0x1b: {  	s5 =	simm.s32 @!p1 $0x2700;
	s6 =	simm.s32 @!p1 $0x4F00;
	[sflag:s16] =	ssyncadd.s32 $0xFFFFE000  }
0x1c: {  	[tilespmem:s6], [sflag:$0x1] =	stream.indirect.gather @!p1 [hbm4b:s4+s3], $0x40, s5, s3, $0xb8;
	[tilespmem:$0x1AB40] =	vst v63  }
0x1d: {  	s5 =	simm.s32 @!p1 $0x1  }
0x1e: {  	_ =	swait.ge @!p1 [sflag:s5], $0x2000  }
0x1f: {  	[sflag:s5] =	ssyncset.done @!p1 $0x0  }
0x20: {  	[sflag:s5] =	ssyncadd.s32 @!p1 $0xFFFFE000;
	s5 =	simm.s32 @!p1 $0x4E80  }
0x21: {  	[spmem:s2] =	stream.indirect.scatter.add.f32 @!p1 [tilespmem:s6], [sflag:$0x7], $0x40, s5, s3, $0xb8;
	[tilespmem:$0x1AB40] =	vst v63  }
0x22: {  	s3 =	simm.s32 @!p1 $0x7  }
0x23: {  	_ =	swait.ge @!p1 [sflag:s3], $0x2000  }
0x24: {  	[sflag:s3] =	ssyncset.done @!p1 $0x0  }
0x25: {  	[sflag:s3] =	ssyncadd.s32 @!p1 $0xFFFFE000  }
0x26: {  	[bflag:$0x0] =	sbarrier.arrive $0xFFFF  }
0x27: {  	s28 =	rddreg [dreg:$0x4]  }
0x28: {  	s3 =	sadd.s32 s28, s13  }
0x29: {  	[hbm:s3], [sflag:s7] =	dma.local [spmem:s15], $0x1380  }
0x2a: {  	_ =	swait.ge [sflag:s16], $0x1380  }
0x2b: {  	s20 =	sadd.s32 $0x1, s20;
	[sflag:s16] =	ssyncset.done $0x0  }
0x2c: {  	p2 =	sne.s32 s20, s14;
	s3 =	sadd.s32 @!p0 $0x13800, s13;
	[sflag:s16] =	ssyncadd.s32 $0xFFFFEC80  }
0x2d: {  	[hbm:s3], [sflag:s7] =	dma.local @!p0 [spmem:s17], $0x80  }
.Ltmp1:
0x2e: {  	_ = 	snop;
	(pc) =	sbr.rel @!p2 .LBB2_5-.Ltmp1, $4  }
0x2f: {  	s3 =	simm.s32 @!p0 $0x7  }
0x30: {  	_ =	swait.ge @!p0 [sflag:s3], $0x80  }
0x31: {  	[sflag:s3] =	ssyncset.done @!p0 $0x0  }
0x32: {  	[sflag:s3] =	ssyncadd.s32 @!p0 $0xFFFFFF80  }
.LBB2_1:
0x33: {  	s3 =	rddreg [dreg:$0x5]  }
0x34: {  	[spmem:s15], [sflag:s7] =	dma.local [hbm:s3], $0x1380  }
0x35: {  	_ =	swait.ge [sflag:s16], $0x1380  }
0x36: {  	[sflag:s16] =	ssyncset.done $0x0  }
0x37: {  	s21 =	simm.s32 @!p0 $0x7;
	s3 =	rddreg [dreg:$0x6];
	[sflag:s16] =	ssyncadd.s32 $0xFFFFEC80  }
0x38: {  	[spmem:s17], [sflag:s7] =	dma.local @!p0 [hbm:s3], $0x80  }
0x39: {  	_ =	swait.ge @!p0 [sflag:s21], $0x80  }
0x3a: {  	[sflag:s21] =	ssyncset.done @!p0 $0x0  }
0x3b: {  	[sflag:s21] =	ssyncadd.s32 @!p0 $0xFFFFFF80  }
0x3c: {  	s9 =	simm.s32 $0x0;
	[bflag:$0x0] =	sbarrier.arrive $0xFFFF  }
0x3d: {  	[tilespmem:s9], [sflag:$0x7] =	stream.linear.gather [hbm4b:s8+s9], $0x2700, $0x38;
	[tilespmem:$0x1AB40] =	vst v63  }
0x3e: {  	_ =	swait.ge [sflag:s16], $0x2700  }
0x3f: {  	[sflag:s16] =	ssyncset.done $0x0  }
0x40: {  	s23 =	simm.s32 @p1 $0x2780;
	s21 =	simm.s32 @p1 $0x0;
	[sflag:s16] =	ssyncadd.s32 $0xFFFFD900  }
0x41: {  	[tilespmem:s23], [sflag:$0x7] =	stream.linear.gather @p1 [hbm4b:s10+s21], $0x2700, $0x38;
	[tilespmem:$0x1AB40] =	vst v63  }
0x42: {  	s21 =	simm.s32 @p1 $0x7  }
0x43: {  	_ =	swait.ge @p1 [sflag:s21], $0x2700  }
0x44: {  	s23 =	simm.s32 @!p1 $0x2700;
	[sflag:s21] =	ssyncset.done @p1 $0x0  }
0x45: {  	s5 =	rddreg [dreg:$0x7];
	[sflag:s21] =	ssyncadd.s32 @p1 $0xFFFFD900;
	s21 =	simm.s32 @!p1 $0x0  }
0x46: {  	[tilespmem:s23], [sflag:$0x7] =	stream.linear.gather @!p1 [hbm4b:s5+s21], $0x80, $0x38;
	[tilespmem:$0x1AB40] =	vst v63  }
0x47: {  	s23 =	simm.s32 @!p1 $0x7  }
0x48: {  	_ =	swait.ge @!p1 [sflag:s23], $0x80  }
0x49: {  	[sflag:s23] =	ssyncset.done @!p1 $0x0  }
0x4a: {  	s24 =	simm.s32 @!p1 $0x2780;
	[sflag:s23] =	ssyncadd.s32 @!p1 $0xFFFFFF80  }
0x4b: {  	[tilespmem:s24], [sflag:$0x7] =	stream.linear.gather @!p1 [hbm4b:s10+s21], $0x2700, $0x38;
	[tilespmem:$0x1AB40] =	vst v63  }
0x4c: {  	_ =	swait.ge @!p1 [sflag:s23], $0x2700  }
0x4d: {  	[sflag:s23] =	ssyncset.done @!p1 $0x0  }
0x4e: {  	s24 =	simm.s32 @!p1 $0x4E80;
	[sflag:s23] =	ssyncadd.s32 @!p1 $0xFFFFD900  }
0x4f: {  	[tilespmem:s24], [sflag:$0x7] =	stream.linear.gather @!p1 [hbm4b:s12+s21], $0x80, $0x38;
	[tilespmem:$0x1AB40] =	vst v63  }
0x50: {  	_ =	swait.ge @!p1 [sflag:s23], $0x80  }
0x51: {  	[sflag:s23] =	ssyncset.done @!p1 $0x0  }
0x52: {  	[sflag:s23] =	ssyncadd.s32 @!p1 $0xFFFFFF80  }
0x53: {  	[tilespmem:s19], [sflag:$0x1] =	stream.indirect.gather [hbm4b:s4+s18], $0x40, s9, s18, $0xb8;
	[tilespmem:$0x1AB40] =	vst v63  }
0x54: {  	s11 =	simm.s32 $0x6F00  }
0x55: {  	[tilespmem:s11], [sflag:$0x2] =	stream.indirect.gather [hbm4b:s4+s18], $0x40, s18, s18, $0xb8;
	[tilespmem:$0x1AB40] =	vst v63  }
0x56: {  	s21 =	simm.s32 $0x100  }
0x57: {  	[tilespmem:s22], [sflag:$0x3] =	stream.indirect.gather [hbm4b:s4+s18], $0x40, s21, s18, $0xb8;
	[tilespmem:$0x1AB40] =	vst v63  }
0x58: {  	s24 =	simm.s32 $0xAF00;
	s23 =	simm.s32 $0x180  }
0x59: {  	[tilespmem:s24], [sflag:$0x4] =	stream.indirect.gather [hbm4b:s4+s18], $0x40, s23, s18, $0xb8;
	[tilespmem:$0x1AB40] =	vst v63  }
0x5a: {  	s25 =	simm.s32 $0x200  }
0x5b: {  	[tilespmem:s26], [sflag:$0x5] =	stream.indirect.gather [hbm4b:s4+s18], $0x40, s25, s18, $0xb8;
	[tilespmem:$0x1AB40] =	vst v63  }
0x5c: {  	s28 =	simm.s32 $0x280;
	s21 =	simm.s32 $0x0  }
0x5d: {  	[tilespmem:s29], [sflag:$0x6] =	stream.indirect.gather [hbm4b:s4+s18], $0x40, s28, s18, $0xb8;
	[tilespmem:$0x1AB40] =	vst v63  }
.LBB2_2:
0x5e: {  	_ =	swait.ge [sflag:s30], $0x2000  }
0x5f: {  	s23 =	sshra.s32 s21, $0x2;
	[sflag:s30] =	ssyncset.done $0x0  }
0x60: {  	s24 =	sadd.s32 $0x2780, s23;
	[sflag:s30] =	ssyncadd.s32 $0xFFFFE000  }
0x61: {  	[spmem:s2] =	stream.indirect.scatter.add.f32 [tilespmem:s19], [sflag:$0x7], $0x40, s24, s18, $0xb8;
	[tilespmem:$0x1AB40] =	vst v63  }
0x62: {  	_ =	swait.ge [sflag:s16], $0x2000  }
0x63: {  	p2 =	seq.s32 s21, $0x9000;
	[sflag:s16] =	ssyncset.done $0x0  }
0x64: {  	s24 =	simm.s32 @p2 $0x2;
	[sflag:s16] =	ssyncadd.s32 $0xFFFFE000  }
0x65: {  	_ =	swait.ge @p2 [sflag:s24], $0x2000  }
0x66: {  	[sflag:s24] =	ssyncset.done @p2 $0x0  }
0x67: {  	[sflag:s24] =	ssyncadd.s32 @p2 $0xFFFFE000;
	s24 =	sshra.s32 @p2 s21, $0x2  }
0x68: {  	s28 =	simm.s32 @p2 $0x80;
	s3 =	simm.s32 @p2 $0x6F00;
	s25 =	sadd.s32 @p2 $0x2800, s24  }
0x69: {  	[spmem:s2] =	stream.indirect.scatter.add.f32 @p2 [tilespmem:s3], [sflag:$0x7], $0x40, s25, s28, $0xb8;
	[tilespmem:$0x1AB40] =	vst v63  }
0x6a: {  	s3 =	simm.s32 @p2 $0x7  }
0x6b: {  	_ =	swait.ge @p2 [sflag:s3], $0x2000  }
0x6c: {  	s6 =	simm.s32 @!p2 $0x80;
	s25 =	sshra.s32 @!p2 s21, $0x2;
	[sflag:s3] =	ssyncset.done @p2 $0x0  }
0x6d: {  	s9 =	simm.s32 @!p2 $0x4F00;
	s5 =	sadd.s32 @!p2 $0x300, s25;
	[sflag:s3] =	ssyncadd.s32 @p2 $0xFFFFE000  }
0x6e: {  	[tilespmem:s9], [sflag:$0x1] =	stream.indirect.gather @!p2 [hbm4b:s4+s6], $0x40, s5, s6, $0xb8;
	[tilespmem:$0x1AB40] =	vst v63  }
0x6f: {  	s5 =	simm.s32 @!p2 $0x2  }
0x70: {  	_ =	swait.ge @!p2 [sflag:s5], $0x2000  }
0x71: {  	[sflag:s5] =	ssyncset.done @!p2 $0x0  }
0x72: {  	s9 =	simm.s32 @!p2 $0x6F00;
	[sflag:s5] =	ssyncadd.s32 @!p2 $0xFFFFE000;
	s5 =	sadd.s32 @!p2 $0x2800, s25  }
0x73: {  	[spmem:s2] =	stream.indirect.scatter.add.f32 @!p2 [tilespmem:s9], [sflag:$0x7], $0x40, s5, s6, $0xb8;
	[tilespmem:$0x1AB40] =	vst v63  }
0x74: {  	s5 =	simm.s32 @!p2 $0x7  }
0x75: {  	_ =	swait.ge @!p2 [sflag:s5], $0x2000  }
0x76: {  	[sflag:s5] =	ssyncset.done @!p2 $0x0  }
0x77: {  	s11 =	sadd.s32 @!p2 $0x380, s25;
	[sflag:s5] =	ssyncadd.s32 @!p2 $0xFFFFE000  }
0x78: {  	[tilespmem:s9], [sflag:$0x2] =	stream.indirect.gather @!p2 [hbm4b:s4+s6], $0x40, s11, s6, $0xb8;
	[tilespmem:$0x1AB40] =	vst v63  }
0x79: {  	_ =	swait.ge [sflag:s31], $0x2000  }
0x7a: {  	[sflag:s31] =	ssyncset.done $0x0  }
0x7b: {  	s11 =	sadd.s32 $0x2880, s23;
	[sflag:s31] =	ssyncadd.s32 $0xFFFFE000  }
0x7c: {  	[spmem:s2] =	stream.indirect.scatter.add.f32 [tilespmem:s22], [sflag:$0x7], $0x40, s11, s18, $0xb8;
	[tilespmem:$0x1AB40] =	vst v63  }
0x7d: {  	_ =	swait.ge [sflag:s16], $0x2000  }
0x7e: {  	[sflag:s16] =	ssyncset.done $0x0  }
0x7f: {  	s9 =	simm.s32 @p2 $0x4;
	[sflag:s16] =	ssyncadd.s32 $0xFFFFE000  }
0x80: {  	_ =	swait.ge @p2 [sflag:s9], $0x2000  }
0x81: {  	[sflag:s9] =	ssyncset.done @p2 $0x0  }
0x82: {  	s11 =	simm.s32 @p2 $0xAF00;
	[sflag:s9] =	ssyncadd.s32 @p2 $0xFFFFE000;
	s9 =	sadd.s32 @p2 $0x2900, s24  }
0x83: {  	[spmem:s2] =	stream.indirect.scatter.add.f32 @p2 [tilespmem:s11], [sflag:$0x7], $0x40, s9, s28, $0xb8;
	[tilespmem:$0x1AB40] =	vst v63  }
0x84: {  	_ =	swait.ge @p2 [sflag:s3], $0x2000  }
0x85: {  	[sflag:s3] =	ssyncset.done @p2 $0x0  }
0x86: {  	s9 =	simm.s32 @!p2 $0x8F00;
	[sflag:s3] =	ssyncadd.s32 @p2 $0xFFFFE000;
	s3 =	sadd.s32 @!p2 $0x400, s25  }
0x87: {  	[tilespmem:s9], [sflag:$0x3] =	stream.indirect.gather @!p2 [hbm4b:s4+s6], $0x40, s3, s6, $0xb8;
	[tilespmem:$0x1AB40] =	vst v63  }
0x88: {  	s3 =	simm.s32 @!p2 $0x4  }
0x89: {  	_ =	swait.ge @!p2 [sflag:s3], $0x2000  }
0x8a: {  	[sflag:s3] =	ssyncset.done @!p2 $0x0  }
0x8b: {  	s9 =	simm.s32 @!p2 $0xAF00;
	[sflag:s3] =	ssyncadd.s32 @!p2 $0xFFFFE000;
	s3 =	sadd.s32 @!p2 $0x2900, s25  }
0x8c: {  	[spmem:s2] =	stream.indirect.scatter.add.f32 @!p2 [tilespmem:s9], [sflag:$0x7], $0x40, s3, s6, $0xb8;
	[tilespmem:$0x1AB40] =	vst v63  }
0x8d: {  	_ =	swait.ge @!p2 [sflag:s5], $0x2000  }
0x8e: {  	[sflag:s5] =	ssyncset.done @!p2 $0x0  }
0x8f: {  	s3 =	sadd.s32 @!p2 $0x480, s25;
	[sflag:s5] =	ssyncadd.s32 @!p2 $0xFFFFE000  }
0x90: {  	[tilespmem:s9], [sflag:$0x4] =	stream.indirect.gather @!p2 [hbm4b:s4+s6], $0x40, s3, s6, $0xb8;
	[tilespmem:$0x1AB40] =	vst v63  }
0x91: {  	_ =	swait.ge [sflag:s0], $0x2000  }
0x92: {  	[sflag:s0] =	ssyncset.done $0x0  }
.Ltmp2:
0x93: {  	s28 =	sadd.s32 $0x2980, s23;
	[sflag:s0] =	ssyncadd.s32 $0xFFFFE000;
	(pc) =	sbr.rel @p2 .LBB2_4-.Ltmp2, $4  }
0x94: {  	[spmem:s2] =	stream.indirect.scatter.add.f32 [tilespmem:s26], [sflag:$0x7], $0x40, s28, s18, $0xb8;
	[tilespmem:$0x1AB40] =	vst v63  }
0x95: {  	_ =	swait.ge [sflag:s16], $0x2000  }
0x96: {  	[sflag:s16] =	ssyncset.done $0x0  }
0x97: {  	s24 =	sadd.s32 $0x2A00, s23;
	[sflag:s16] =	ssyncadd.s32 $0xFFFFE000  }
0x98: {  	s3 =	sadd.s32 $0x500, s23  }
0x99: {  	[tilespmem:s26], [sflag:$0x5] =	stream.indirect.gather [hbm4b:s4+s18], $0x40, s3, s18, $0xb8;
	[tilespmem:$0x1AB40] =	vst v63  }
0x9a: {  	_ =	swait.ge [sflag:s1], $0x2000  }
0x9b: {  	[sflag:s1] =	ssyncset.done $0x0  }
0x9c: {  	[sflag:s1] =	ssyncadd.s32 $0xFFFFE000  }
0x9d: {  	[spmem:s2] =	stream.indirect.scatter.add.f32 [tilespmem:s29], [sflag:$0x7], $0x40, s24, s18, $0xb8;
	[tilespmem:$0x1AB40] =	vst v63  }
.Ltmp3:
0x9e: {  	_ = 	snop;
	(pc) =	sbr.rel .LBB2_2-.Ltmp3, $4  }
0x9f: {  	_ =	swait.ge [sflag:s16], $0x2000  }
0xa0: {  	[sflag:s16] =	ssyncset.done $0x0  }
0xa1: {  	s28 =	sadd.s32 $0x580, s23;
	s21 =	sadd.s32 $0xC00, s21;
	[sflag:s16] =	ssyncadd.s32 $0xFFFFE000  }
0xa2: {  	[tilespmem:s29], [sflag:$0x6] =	stream.indirect.gather [hbm4b:s4+s18], $0x40, s28, s18, $0xb8;
	[tilespmem:$0x1AB40] =	vst v63  }
.LBB2_5:
0xa3: {  	_ =	sfence.sel $0x180000  }
0xa4: {  	[bflag:$0x0] =	sbarrier.arrive $0xFFFF  }
0xa5: {  	_ =	strace $0x9000004D  }
0xa6: {  	s0 =	stileid.u32;
	[bflag:$0x2] =	sbarrier.arrive $0xFFFF  }
0xa7: {  	p0 =	sne.s32 s0, $0x0;
	s0 =	rddreg [dreg:$0x3]  }
0xa8: {  	s0 =	sadd.s32 @!p0 $0x100000, s0  }
0xa9: {  	[sflag:s0] =	ssyncadd.tile.s32 @!p0 $0x1;
	_ =	shalt  }
.Lfunc_end2:
_tile_overlayer_lowered:
.L_overlay_start_2:
0xaa: {  	(tag) =	ssettag $0x2  }
0xab: {  	s0 =	rddreg [dreg:$0x0];
	s2 =	stileid.u32  }
0xac: {  	s1 =	rddreg [dreg:$0x1];
	p0 =	sne.s32 s2, $0x0  }
0xad: {  	s3 =	rddreg [dreg:$0x2];
	[bflag:$0x3] =	sbarrier.arrive $0xFFFF;
	s2 =	simm.s32 @!p0 $0x1C07  }
0xae: {  	[timem:s3], [sflag:s2] =	dma.local @!p0 [hbm:s0], s1  }
0xaf: {  	s0 =	simm.s32 @!p0 $0x7  }
0xb0: {  	_ =	swait.ge @!p0 [sflag:s0], s1  }
0xb1: {  	s1 =	ssub.s32 @!p0 $0x0, s1;
	[sflag:s0] =	ssyncset.done @!p0 $0x0  }
0xb2: {  	[sflag:s0] =	ssyncadd.s32 @!p0 s1  }
0xb3: {  	[bflag:$0x3] =	sbarrier.arrive $0xFFFF  }
0xb4: {  	_ =	shalt  }

// kernel: kernel.8.cloned.1.call-start
scs
__scs_entry_jumppad:
0x0: {  	(pc) =	sbr.rel $0x88, $3  }
0x1: {  	(tag) =	ssettag $0x0;
	lr =	simm.s32 $0x1  }
0x2: {  	[smem:$0x3F9B] =	sst lr;
	_ =	strace $0xD0000000  }
0x3: {  	_ = 	snop  }
0x4: {  	_ = 	snop  }
0x5: {  	_ = 	snop  }
0x6: {  	_ = 	snop  }
0x7: {  	_ = 	snop  }
__scs_overlays_trampoline_lowered:
0x8: {  	[smem:$0x3FAA] =	sst s0  }
0x9: {  	[smem:$0x3FAB] =	sst s1  }
0xa: {  	[smem:$0x3FAC] =	sst s2  }
0xb: {  	[smem:$0x3FAD] =	sst s3  }
0xc: {  	[smem:$0x3FAE] =	sst s4  }
0xd: {  	[smem:$0x3FAF] =	sst s5  }
0xe: {  	[smem:$0x3FB0] =	sst s6  }
0xf: {  	[smem:$0x3FB1] =	sst s7  }
0x10: {  	[smem:$0x3FB2] =	sst s8  }
0x11: {  	[smem:$0x3FB3] =	sst s9;
	s0 =	simm.s32 @!p0 $0x0  }
0x12: {  	s1 =	sld [smem:$0x3F99];
	s0 =	simm.s32 @p0 $0x1  }
0x13: {  	[smem:$0x3FB4] =	sst s0;
	s0 =	simm.s32 @!p1 $0x0  }
0x14: {  	s2 =	sld [smem:$0x3F98];
	s0 =	simm.s32 @p1 $0x1  }
0x15: {  	[smem:$0x3FB5] =	sst s0;
	s0 =	simm.s32 @!p2 $0x0  }
0x16: {  	s3 =	sld [smem:$0x3FDB];
	s0 =	simm.s32 @p2 $0x1  }
0x17: {  	s4 =	simm.s32 $0x1BF5;
	[smem:$0x3FB7] =	sst s0  }
0x18: {  	s0 =	sld [smem:$0x3F9A];
	_ =	swait.ge [sflag:s4], $0x0  }
0x19: {  	s7 =	sld [smem:$0x3F9B]  }
0x1a: {  	s8 =	sadd.s32 $0xFFFFE003, lr  }
0x1b: {  	s9 =	sadd.s32 $0xFFFFFEF7, lr;
	s5 =	simm.s32 $0xFFFFFFFF;
	p2 =	slt.u32 s8, $0xFFFFF086  }
0x1c: {  	p1 =	slt.u32 s9, $0xF7A;
	s5 =	simm.s32 @!p2 $0x0  }
0x1d: {  	s5 =	simm.s32 @p1 $0x1;
	p0 =	seq.s32 s7, s2  }
0x1e: {  	s7 =	smul.u32 @!p0 $0xF7A, s2;
	p2 =	seq.s32 @!p0 s5, $0x0  }
0x1f: {  	s9 =	smul.u32 $0xF7A, s1;
	s8 =	simm.s32 @!p0 $0x1BF5;
	p2 =	por !p2, p0  }
0x20: {  	[sflag:s8] =	ssyncset.s32 @!p0 $0xFFFFF086;
	s6 =	sadd.s32 @!p0 s3, s7;
	s7 =	simm.s32 @!p0 $0x108  }
0x21: {  	s3 =	sadd.s32 s3, s9;
	s6 =	sadd.s32 @!p0 $0x88, s6;
	s7 =	simm.s32 @p2 $0x1082  }
0x22: {  	[simem:s7], [sflag:s8] =	dma.local @!p0 [hbm:s6], $0xF7A  }
0x23: {  	s9 =	sor.u32 $0xD0000000, s2;
	s6 =	simm.s32 $0x108;
	_ =	swait.ge @!p0 [sflag:s8], $0x0  }
0x24: {  	s3 =	sadd.s32 $0x88, s3;
	s6 =	simm.s32 @!p1 $0x1082;
	[sflag:s4] =	ssyncset.s32 $0xFFFFF086  }
0x25: {  	[simem:s6], [sflag:s4] =	dma.local [hbm:s3], $0xF7A  }
0x26: {  	[smem:$0x3F9B] =	sst s1;
	(tag) =	ssettag s2;
	_ =	strace s9  }
0x27: {  	s1 =	sld [smem:$0x3FAB]  }
0x28: {  	s2 =	sld [smem:$0x3FAC]  }
0x29: {  	s4 =	sld [smem:$0x3FAE]  }
0x2a: {  	p0 =	seq.s32 s5, $0x0;
	s5 =	sld [smem:$0x3FAF]  }
0x2b: {  	s6 =	sld [smem:$0x3FB0]  }
0x2c: {  	s7 =	sld [smem:$0x3FB1]  }
0x2d: {  	s3 =	simm.s32 $0x108;
	s8 =	sld [smem:$0x3FB2]  }
0x2e: {  	s3 =	simm.s32 @!p0 $0x1082;
	s9 =	sld [smem:$0x3FB3]  }
0x2f: {  	lr =	sadd.s32 s0, s3;
	s0 =	sld [smem:$0x3FAA]  }
0x30: {  	s3 =	sld [smem:$0x3FAD]  }
0x31: {  	[smem:$0x3FB6] =	sst s10  }
0x32: {  	s10 =	sld [smem:$0x3FB4];
	_ =	sdelay $0x3  }
0x33: {  	p0 =	seq.s32 s10, $0x1;
	s10 =	sld [smem:$0x3FB6];
	_ =	sdelay $0x3  }
0x34: {  	[smem:$0x3FB6] =	sst s10  }
0x35: {  	s10 =	sld [smem:$0x3FB5];
	_ =	sdelay $0x3  }
0x36: {  	p1 =	seq.s32 s10, $0x1;
	s10 =	sld [smem:$0x3FB6];
	_ =	sdelay $0x3  }
0x37: {  	[smem:$0x3FB6] =	sst s10  }
0x38: {  	s10 =	sld [smem:$0x3FB7]  }
0x39: {  	_ = 	snop;
	(pc) =	sbr.ind lr, $3  }
0x3a: {  	_ = 	snop  }
0x3b: {  	_ = 	snop  }
0x3c: {  	p2 =	seq.s32 s10, $0x1;
	s10 =	sld [smem:$0x3FB6]  }
0x3d: {  	_ =	shalt  }
0x3e: {  	_ =	shalt  }
0x3f: {  	_ =	shalt  }
0x40: {  	_ =	shalt  }
0x41: {  	_ =	shalt  }
0x42: {  	_ =	shalt  }
0x43: {  	_ =	shalt  }
0x44: {  	_ =	shalt  }
0x45: {  	_ =	shalt  }
0x46: {  	_ =	shalt  }
0x47: {  	_ =	shalt  }
0x48: {  	_ =	shalt  }
0x49: {  	_ =	shalt  }
0x4a: {  	_ =	shalt  }
0x4b: {  	_ =	shalt  }
0x4c: {  	_ =	shalt  }
0x4d: {  	_ =	shalt  }
0x4e: {  	_ =	shalt  }
0x4f: {  	_ =	shalt  }
0x50: {  	_ =	shalt  }
0x51: {  	_ =	shalt  }
0x52: {  	_ =	shalt  }
0x53: {  	_ =	shalt  }
0x54: {  	_ =	shalt  }
0x55: {  	_ =	shalt  }
0x56: {  	_ =	shalt  }
0x57: {  	_ =	shalt  }
0x58: {  	_ =	shalt  }
0x59: {  	_ =	shalt  }
0x5a: {  	_ =	shalt  }
0x5b: {  	_ =	shalt  }
0x5c: {  	_ =	shalt  }
0x5d: {  	_ =	shalt  }
0x5e: {  	_ =	shalt  }
0x5f: {  	_ =	shalt  }
0x60: {  	_ =	shalt  }
0x61: {  	_ =	shalt  }
0x62: {  	_ =	shalt  }
0x63: {  	_ =	shalt  }
0x64: {  	_ =	shalt  }
0x65: {  	_ =	shalt  }
0x66: {  	_ =	shalt  }
0x67: {  	_ =	shalt  }
0x68: {  	_ =	shalt  }
0x69: {  	_ =	shalt  }
0x6a: {  	_ =	shalt  }
0x6b: {  	_ =	shalt  }
0x6c: {  	_ =	shalt  }
0x6d: {  	_ =	shalt  }
0x6e: {  	_ =	shalt  }
0x6f: {  	_ =	shalt  }
0x70: {  	_ =	shalt  }
0x71: {  	_ =	shalt  }
0x72: {  	_ =	shalt  }
0x73: {  	_ =	shalt  }
0x74: {  	_ =	shalt  }
0x75: {  	_ =	shalt  }
0x76: {  	_ =	shalt  }
0x77: {  	_ =	shalt  }
0x78: {  	_ =	shalt  }
0x79: {  	_ =	shalt  }
0x7a: {  	_ =	shalt  }
0x7b: {  	_ =	shalt  }
0x7c: {  	_ =	shalt  }
0x7d: {  	_ =	shalt  }
0x7e: {  	_ =	shalt  }
0x7f: {  	_ =	shalt  }
0x80: {  	_ =	shalt  }
0x81: {  	_ =	shalt  }
0x82: {  	_ =	shalt  }
0x83: {  	_ =	shalt  }
0x84: {  	_ =	shalt  }
0x85: {  	_ =	shalt  }
0x86: {  	_ =	shalt  }
0x87: {  	_ =	shalt  }
.Lfunc_end0:
.L_simem_size_0:
called_computation_lowered:
.L_overlay_start_0:
0x88: {  	s2 =	sld [smem:$0x3FD9]  }
0x89: {  	s3 =	sld [smem:$0x3FFE];
	_ =	sdelay $0x1  }
0x8a: {  	s1 =	srdreg.scid  }
0x8b: {  	s0 =	sand.u32 $0x1, s1  }
0x8c: {  	s17 =	sshll.u32 s0, $0xA;
	s2 =	sadd.s32 s3, s2  }
0x8d: {  	s2 =	sadd.s32 s2, s17  }
0x8e: {  	[smem:$0x3FC2] =	sst s2  }
0x8f: {  	_ = 	snop  }
0x90: {  	s2 =	sld [smem:$0x3FD0];
	(tm) =	ssettm $0x1  }
0x91: {  	s18 =	sld [smem:$0x3FFB];
	_ =	sdelay $0x3  }
0x92: {  	_ =	strace s18  }
0x93: {  	s3 =	sld [smem:$0x3FFC];
	_ =	sdelay $0x3  }
0x94: {  	_ =	strace s3  }
0x95: {  	s3 =	sld [smem:$0x3FFD];
	_ =	sdelay $0x3  }
0x96: {  	_ =	strace s3  }
0x97: {  	_ =	strace $0x8FFFFFFF  }
0x98: {  	s19 =	sld [smem:$0x3FDB];
	_ =	sdelay $0x1  }
0x99: {  	s4 =	simm.s32 $_scs_section_size  }
0x9a: {  	s5 =	simm.s32 $_size__tile_overlayer_lowered;
	s6 =	simm.s32 $_tile_overlayer_lowered  }
0x9b: {  	s22 =	simm.s32 $0x1BFF;
	s21 =	sshll.u32 s6, $0x1;
	s3 =	sadd.s32 s4, s19  }
0x9c: {  	s7 =	simm.s32 $0x0;
	s20 =	sshll.u32 s5, $0x1;
	s5 =	sadd.s32 s21, s3  }
0x9d: {  	[timem:s7], [sflag:s22] =	dma.local [hbm:s5], s20  }
0x9e: {  	_ =	swait.ge [sflag:s22], s20  }
0x9f: {  	s4 =	ssub.s32 $0x0, s20;
	[sflag:s22] =	ssyncset.done $0x0  }
0xa0: {  	[sflag:s22] =	ssyncadd.s32 s4;
	_ =	sdelay $0x1  }
0xa1: {  	s23 =	simm.s32 $0x1B8B  }
0xa2: {  	_ =	swait.ge [sflag:s23], $0x1  }
0xa3: {  	[sflag:s23] =	ssyncset.done $0x0  }
0xa4: {  	s25 =	simm.s32 $0x1B8E;
	s24 =	sld [smem:$0x3FFE];
	[sflag:s23] =	ssyncadd.s32 $0xFFFFFFFF  }
0xa5: {  	s26 =	simm.s32 $execute0_lowered;
	[smem:$0x3FD2] =	sst s25  }
0xa6: {  	s5 =	sshll.u32 s26, $0x1;
	_ =	strace $0x80000046;
	[dreg:$0x1] =	wrdreg $0xFFFFFFFF  }
0xa7: {  	s28 =	simm.s32 $_size_execute0_lowered;
	s3 =	sadd.s32 s3, s5;
	[dreg:$0x0] =	wrdreg $0x0  }
0xa8: {  	s5 =	sshll.u32 s28, $0x1;
	[dreg:$0x2] =	wrdreg s3  }
0xa9: {  	[dreg:$0x3] =	wrdreg s5  }
0xaa: {  	[dreg:$0x4] =	wrdreg $0xC0  }
0xab: {  	_ =	task [dreg:s7], $0x5FFFF  }
0xac: {  	[dreg:$0x1] =	wrdreg $0xFFFFFFFF  }
0xad: {  	[dreg:$0x0] =	wrdreg $0x60  }
0xae: {  	[dreg:$0x2] =	wrdreg s2  }
0xaf: {  	[dreg:$0x3] =	wrdreg s24  }
0xb0: {  	[dreg:$0x4] =	wrdreg $0x2F800  }
0xb1: {  	[dreg:$0x5] =	wrdreg $0x9  }
0xb2: {  	_ =	task.clear_ibuf [dreg:s7], $0x6FFFF;
	_ =	strace $0x90000046  }
0xb3: {  	s29 =	simm.s32 $0x9;
	_ =	strace $0x80000048  }
0xb4: {  	_ =	swait.ge [sflag:s29], $0x1  }
0xb5: {  	[sflag:s29] =	ssyncadd.s32 $0xFFFFFFFF  }
0xb6: {  	_ =	strace $0x90000048  }
0xb7: {  	_ =	sfence  }
0xb8: {  	s30 =	sld [smem:$0x0];
	_ =	sdelay $0x2  }
0xb9: {  	s31 =	sshll.u32 s1, $0xD;
	s1 =	sshrl.u32 s1, $0x2  }
0xba: {  	s3 =	sand.u32 $0x4000, s31;
	s1 =	sadd.s32 s1, s30  }
0xbb: {  	s0 =	sor.u32 s3, s0;
	s1 =	sshll.u32 s1, $0x11  }
0xbc: {  	s0 =	sor.u32 s1, s0  }
0xbd: {  	s0 =	sadd.s32 $0x8F2B, s0  }
0xbe: {  	[sflag:s0] =	ssyncadd.remote.s32 $0x1  }
0xbf: {  	_ =	sfence.sel $0xFFFF  }
0xc0: {  	[dreg:$0x0] =	wrdreg $0xFFFFFFFF;
	(pc) =	sbr.abs _section_cstart, $3  }
0xc1: {  	[dreg:$0x1] =	wrdreg $0xFFFFFFFF  }
0xc2: {  	_ =	task.clear_ibuf [dreg:s7], $0x2FFFF;
	_ =	strace $0x9FFFFFFF  }
0xc3: {  	(tm) =	ssettm $0x7FFFFFFF  }
tec
execute0_lowered:
.L_overlay_start_1:
0x0: {  	(tag) =	ssettag $0x1  }
0x1: {  	s8 =	rddreg [dreg:$0x0]  }
0x2: {  	s7 =	rddreg [dreg:$0x1]  }
0x3: {  	s2 =	rddreg [dreg:$0x2]  }
0x4: {  	s0 =	rddreg [dreg:$0x3];
	s3 =	simm.s32 $0x0  }
0x5: {  	s1 =	stileid.u32;
	s4 =	srdreg.scid;
	s16 =	simm.s32 $0x1  }
0x6: {  	s19 =	simm.s32 $0x0;
	[smem:$0x7FF] =	sst s3;
	s5 =	smul.u32 $0x2700, s1  }
0x7: {  	s6 =	sand.u32 $0x1, s4;
	s4 =	sadd.s32 $0x6E00, s7;
	s29 =	sshll.u32 s1, $0x6  }
0x8: {  	s15 =	sadd.s32 $0x27000, s2;
	p0 =	sne.s32 s1, $0xF;
	_ =	strace $0x80000047  }
0x9: {  	s9 =	smul.u32 $0x4E20, s6;
	s11 =	ssub.s32 $0x2, s6;
	s6 =	sshll.u32 s6, $0x4  }
0xa: {  	s17 =	sshrl.u32 s5, $0x3;
	s28 =	sshrl.u32 s11, $0x1;
	s14 =	sor.u32 s1, s6  }
0xb: {  	s13 =	sadd.s32 s5, s2;
	s6 =	sor.u32 $0x1C02, s29;
	s10 =	sadd.s32 s17, s7  }
0xc: {  	s12 =	sadd.s32 s9, s7;
	s11 =	ssub.s32 s11, s28;
	s30 =	smul.u32 $0x2700, s14  }
0xd: {  	s31 =	sshll.u32 s14, $0x4;
	s7 =	sadd.s32 $0x6C00, s7;
	p1 =	slt.u32 s14, $0x1C  }
0xe: {  	s14 =	simm.s32 $0x2780;
	s5 =	sadd.s32 $0x1E00, s10;
	s10 =	sadd.s32 s31, s8  }
0xf: {  	s18 =	sadd.s32 $0x7000, s12;
	s12 =	simm.s32 $0x2;
	s9 =	sshrl.u32 s30, $0x3  }
0x10: {  	s17 =	sadd.s32 s17, s18;
	s18 =	sadd.s32 @!p0 $0x4E00, s18;
	s9 =	sadd.s32 s8, s9  }
0x11: {  	s8 =	sadd.s32 $0x9C40, s9;
	s9 =	sadd.s32 $0x13680, s10;
	s10 =	smax.u32 s11, $0x1  }
0x12: {  	s11 =	sshrl.u32 s13, $0x3;
	s13 =	sshrl.u32 @!p0 s15, $0x3;
	s15 =	simm.s32 $0x80  }
.LBB2_1:
0x13: {  	[spmem:s11], [sflag:s6] =	dma.local [hbm:s5], $0x4E0  }
0x14: {  	_ =	swait.ge [sflag:s12], $0x4E0  }
0x15: {  	[sflag:s12] =	ssyncset.done $0x0  }
0x16: {  	s20 =	simm.s32 @!p0 $0x2;
	[sflag:s12] =	ssyncadd.s32 $0xFFFFFB20  }
0x17: {  	[spmem:s13], [sflag:s6] =	dma.local @!p0 [hbm:s7], $0x20  }
0x18: {  	_ =	swait.ge @!p0 [sflag:s20], $0x20  }
0x19: {  	[sflag:s20] =	ssyncset.done @!p0 $0x0  }
0x1a: {  	[sflag:s20] =	ssyncadd.s32 @!p0 $0xFFFFFFE0  }
0x1b: {  	[bflag:$0x0] =	sbarrier.arrive $0xFFFF  }
0x1c: {  	[tilespmem:s3], [sflag:$0x2] =	stream.linear.gather [hbm4b:s8+s3], $0x2700, $0x38;
	[tilespmem:$0x5690] =	vst v63  }
0x1d: {  	_ =	swait.ge [sflag:s12], $0x2700  }
0x1e: {  	[sflag:s12] =	ssyncset.done $0x0  }
0x1f: {  	s21 =	simm.s32 @!p1 $0x2700;
	s20 =	simm.s32 @!p1 $0x0;
	[sflag:s12] =	ssyncadd.s32 $0xFFFFD900  }
0x20: {  	[tilespmem:s21], [sflag:$0x2] =	stream.linear.gather @!p1 [hbm4b:s9+s20], $0x80, $0x38;
	[tilespmem:$0x5690] =	vst v63  }
0x21: {  	s20 =	simm.s32 @!p1 $0x2  }
0x22: {  	_ =	swait.ge @!p1 [sflag:s20], $0x80  }
0x23: {  	[sflag:s20] =	ssyncset.done @!p1 $0x0  }
0x24: {  	[sflag:s20] =	ssyncadd.s32 @!p1 $0xFFFFFF80  }
0x25: {  	[tilespmem:s14], [sflag:$0x2] =	stream.linear.gather [hbm4b:s4+s3], $0x800, $0x38;
	[tilespmem:$0x5690] =	vst v63  }
0x26: {  	_ =	swait.ge [sflag:s12], $0x800  }
0x27: {  	[sflag:s12] =	ssyncset.done $0x0  }
0x28: {  	s25 =	simm.s32 $0x0;
	[sflag:s12] =	ssyncadd.s32 $0xFFFFF800  }
0x29: {  	[spmem:s2] =	stream.indirect.scatter.add.f32 [tilespmem:s14], [sflag:$0x1], $0x10, s25, s15, $0xb8;
	[tilespmem:$0x5690] =	vst v63  }
0x2a: {  	s26 =	simm.s32 $0x80  }
0x2b: {  	[spmem:s2] =	stream.indirect.scatter.add.f32 [tilespmem:s14], [sflag:$0x1], $0x10, s26, s15, $0xb8;
	[tilespmem:$0x5690] =	vst v63  }
0x2c: {  	s28 =	simm.s32 $0x100  }
0x2d: {  	[spmem:s2] =	stream.indirect.scatter.add.f32 [tilespmem:s14], [sflag:$0x1], $0x10, s28, s15, $0xb8;
	[tilespmem:$0x5690] =	vst v63  }
0x2e: {  	s29 =	simm.s32 $0x180  }
0x2f: {  	[spmem:s2] =	stream.indirect.scatter.add.f32 [tilespmem:s14], [sflag:$0x1], $0x10, s29, s15, $0xb8;
	[tilespmem:$0x5690] =	vst v63  }
0x30: {  	s30 =	simm.s32 $0x200  }
0x31: {  	[spmem:s2] =	stream.indirect.scatter.add.f32 [tilespmem:s14], [sflag:$0x1], $0x10, s30, s15, $0xb8;
	[tilespmem:$0x5690] =	vst v63  }
0x32: {  	s31 =	simm.s32 $0x280  }
0x33: {  	[spmem:s2] =	stream.indirect.scatter.add.f32 [tilespmem:s14], [sflag:$0x1], $0x10, s31, s15, $0xb8;
	[tilespmem:$0x5690] =	vst v63  }
0x34: {  	_ =	swait.ge [sflag:s16], $0x800  }
0x35: {  	[sflag:s16] =	ssyncset.done $0x0  }
0x36: {  	[sflag:s16] =	ssyncadd.s32 $0xFFFFF800  }
0x37: {  	_ =	swait.ge [sflag:s16], $0x800  }
0x38: {  	[sflag:s16] =	ssyncset.done $0x0  }
0x39: {  	[sflag:s16] =	ssyncadd.s32 $0xFFFFF800  }
0x3a: {  	_ =	swait.ge [sflag:s16], $0x800  }
0x3b: {  	[sflag:s16] =	ssyncset.done $0x0  }
0x3c: {  	[sflag:s16] =	ssyncadd.s32 $0xFFFFF800  }
0x3d: {  	_ =	swait.ge [sflag:s16], $0x800  }
0x3e: {  	[sflag:s16] =	ssyncset.done $0x0  }
0x3f: {  	[sflag:s16] =	ssyncadd.s32 $0xFFFFF800  }
0x40: {  	_ =	swait.ge [sflag:s16], $0x800  }
0x41: {  	[sflag:s16] =	ssyncset.done $0x0  }
0x42: {  	[sflag:s16] =	ssyncadd.s32 $0xFFFFF800  }
0x43: {  	_ =	swait.ge [sflag:s16], $0x800  }
0x44: {  	s21 =	simm.s32 $0x1800;
	s20 =	simm.s32 $0xC00;
	[sflag:s16] =	ssyncset.done $0x0  }
.LBB2_2:
0x45: {  	s22 =	sshra.s32 s20, $0x2  }
0x46: {  	[sflag:s16] =	ssyncadd.s32 $0xFFFFF800;
	s20 =	smov.u32 s21;
	s23 =	sadd.s32 $0xC00, s21  }
0x47: {  	[spmem:s2] =	stream.indirect.scatter.add.f32 [tilespmem:s14], [sflag:$0x1], $0x10, s22, s15, $0xb8;
	[tilespmem:$0x5690] =	vst v63  }
0x48: {  	p2 =	sne.s32 s21, $0x9000;
	s21 =	sadd.s32 $0x80, s22  }
0x49: {  	[spmem:s2] =	stream.indirect.scatter.add.f32 [tilespmem:s14], [sflag:$0x1], $0x10, s21, s15, $0xb8;
	[tilespmem:$0x5690] =	vst v63  }
0x4a: {  	s21 =	sadd.s32 $0x100, s22  }
0x4b: {  	[spmem:s2] =	stream.indirect.scatter.add.f32 [tilespmem:s14], [sflag:$0x1], $0x10, s21, s15, $0xb8;
	[tilespmem:$0x5690] =	vst v63  }
0x4c: {  	s21 =	sadd.s32 $0x180, s22  }
0x4d: {  	[spmem:s2] =	stream.indirect.scatter.add.f32 [tilespmem:s14], [sflag:$0x1], $0x10, s21, s15, $0xb8;
	[tilespmem:$0x5690] =	vst v63  }
0x4e: {  	s21 =	sadd.s32 $0x200, s22  }
0x4f: {  	[spmem:s2] =	stream.indirect.scatter.add.f32 [tilespmem:s14], [sflag:$0x1], $0x10, s21, s15, $0xb8;
	[tilespmem:$0x5690] =	vst v63  }
0x50: {  	s21 =	sadd.s32 $0x280, s22  }
0x51: {  	[spmem:s2] =	stream.indirect.scatter.add.f32 [tilespmem:s14], [sflag:$0x1], $0x10, s21, s15, $0xb8;
	[tilespmem:$0x5690] =	vst v63  }
0x52: {  	_ =	swait.ge [sflag:s16], $0x800  }
0x53: {  	[sflag:s16] =	ssyncset.done $0x0  }
0x54: {  	[sflag:s16] =	ssyncadd.s32 $0xFFFFF800  }
0x55: {  	_ =	swait.ge [sflag:s16], $0x800  }
0x56: {  	[sflag:s16] =	ssyncset.done $0x0  }
0x57: {  	[sflag:s16] =	ssyncadd.s32 $0xFFFFF800  }
0x58: {  	_ =	swait.ge [sflag:s16], $0x800  }
0x59: {  	[sflag:s16] =	ssyncset.done $0x0  }
0x5a: {  	[sflag:s16] =	ssyncadd.s32 $0xFFFFF800  }
0x5b: {  	_ =	swait.ge [sflag:s16], $0x800  }
0x5c: {  	[sflag:s16] =	ssyncset.done $0x0  }
0x5d: {  	[sflag:s16] =	ssyncadd.s32 $0xFFFFF800  }
.Ltmp0:
0x5e: {  	_ =	swait.ge [sflag:s16], $0x800;
	(pc) =	sbr.rel @p2 .LBB2_2-.Ltmp0, $4  }
0x5f: {  	[sflag:s16] =	ssyncset.done $0x0  }
0x60: {  	[sflag:s16] =	ssyncadd.s32 $0xFFFFF800  }
0x61: {  	_ =	swait.ge [sflag:s16], $0x800  }
0x62: {  	s21 =	smov.u32 s23;
	[sflag:s16] =	ssyncset.done $0x0  }
0x63: {  	s20 =	sshra.s32 s20, $0x2;
	[sflag:s16] =	ssyncadd.s32 $0xFFFFF800  }
0x64: {  	[spmem:s2] =	stream.indirect.scatter.add.f32 [tilespmem:s14], [sflag:$0x1], $0x10, s20, s15, $0xb8;
	[tilespmem:$0x5690] =	vst v63  }
0x65: {  	s21 =	sadd.s32 $0x80, s20  }
0x66: {  	[spmem:s2] =	stream.indirect.scatter.add.f32 [tilespmem:s14], [sflag:$0x1], $0x10, s21, s15, $0xb8;
	[tilespmem:$0x5690] =	vst v63  }
0x67: {  	s29 =	sadd.s32 $0x100, s20  }
0x68: {  	[spmem:s2] =	stream.indirect.scatter.add.f32 [tilespmem:s14], [sflag:$0x1], $0x10, s29, s15, $0xb8;
	[tilespmem:$0x5690] =	vst v63  }
0x69: {  	s30 =	sadd.s32 $0x180, s20  }
0x6a: {  	[spmem:s2] =	stream.indirect.scatter.add.f32 [tilespmem:s14], [sflag:$0x1], $0x10, s30, s15, $0xb8;
	[tilespmem:$0x5690] =	vst v63  }
0x6b: {  	s31 =	sadd.s32 $0x200, s20  }
0x6c: {  	[spmem:s2] =	stream.indirect.scatter.add.f32 [tilespmem:s14], [sflag:$0x1], $0x10, s31, s15, $0xb8;
	[tilespmem:$0x5690] =	vst v63  }
0x6d: {  	s20 =	sadd.s32 $0x280, s20  }
0x6e: {  	[spmem:s2] =	stream.indirect.scatter.add.f32 [tilespmem:s14], [sflag:$0x1], $0x10, s20, s15, $0xb8;
	[tilespmem:$0x5690] =	vst v63  }
0x6f: {  	_ =	swait.ge [sflag:s16], $0x800  }
0x70: {  	[sflag:s16] =	ssyncset.done $0x0  }
0x71: {  	[sflag:s16] =	ssyncadd.s32 $0xFFFFF800  }
0x72: {  	_ =	swait.ge [sflag:s16], $0x800  }
0x73: {  	[sflag:s16] =	ssyncset.done $0x0  }
0x74: {  	[sflag:s16] =	ssyncadd.s32 $0xFFFFF800  }
0x75: {  	_ =	swait.ge [sflag:s16], $0x800  }
0x76: {  	[sflag:s16] =	ssyncset.done $0x0  }
0x77: {  	[sflag:s16] =	ssyncadd.s32 $0xFFFFF800  }
0x78: {  	_ =	swait.ge [sflag:s16], $0x800  }
0x79: {  	[sflag:s16] =	ssyncset.done $0x0  }
0x7a: {  	[sflag:s16] =	ssyncadd.s32 $0xFFFFF800  }
0x7b: {  	_ =	swait.ge [sflag:s16], $0x800  }
0x7c: {  	[sflag:s16] =	ssyncset.done $0x0  }
0x7d: {  	[sflag:s16] =	ssyncadd.s32 $0xFFFFF800  }
0x7e: {  	_ =	swait.ge [sflag:s16], $0x800  }
0x7f: {  	s22 =	simm.s32 @!p1 $0x2780;
	[sflag:s16] =	ssyncset.done $0x0  }
0x80: {  	s21 =	simm.s32 @!p1 $0x2700;
	s20 =	simm.s32 @!p1 $0x80;
	[sflag:s16] =	ssyncadd.s32 $0xFFFFF800  }
0x81: {  	[spmem:s2] =	stream.indirect.scatter.add.f32 @!p1 [tilespmem:s22], [sflag:$0x2], $0x10, s21, s20, $0xb8;
	[tilespmem:$0x5690] =	vst v63  }
0x82: {  	s20 =	simm.s32 @!p1 $0x2  }
0x83: {  	_ =	swait.ge @!p1 [sflag:s20], $0x800  }
0x84: {  	[sflag:s20] =	ssyncset.done @!p1 $0x0  }
0x85: {  	[sflag:s20] =	ssyncadd.s32 @!p1 $0xFFFFF800  }
0x86: {  	[bflag:$0x0] =	sbarrier.arrive $0xFFFF  }
0x87: {  	[hbm:s17], [sflag:s6] =	dma.local [spmem:s11], $0x4E0  }
0x88: {  	s19 =	sadd.s32 $0x1, s19;
	_ =	swait.ge [sflag:s12], $0x4E0  }
0x89: {  	p2 =	sne.s32 s19, s10;
	[sflag:s12] =	ssyncset.done $0x0  }
.Ltmp1:
0x8a: {  	s20 =	simm.s32 @!p0 $0x2;
	[sflag:s12] =	ssyncadd.s32 $0xFFFFFB20;
	(pc) =	sbr.rel @p2 .LBB2_1-.Ltmp1, $4  }
0x8b: {  	[hbm:s18], [sflag:s6] =	dma.local @!p0 [spmem:s13], $0x20  }
0x8c: {  	_ =	swait.ge @!p0 [sflag:s20], $0x20  }
0x8d: {  	[sflag:s20] =	ssyncset.done @!p0 $0x0  }
0x8e: {  	[sflag:s20] =	ssyncadd.s32 @!p0 $0xFFFFFFE0  }
0x8f: {  	_ =	sfence.sel $0x180000  }
0x90: {  	[bflag:$0x0] =	sbarrier.arrive $0xFFFF  }
0x91: {  	p0 =	sne.s32 s1, $0x0;
	_ =	strace $0x90000047  }
0x92: {  	s0 =	sadd.s32 @!p0 $0x100000, s0;
	[bflag:$0x2] =	sbarrier.arrive $0xFFFF  }
0x93: {  	[sflag:s0] =	ssyncadd.tile.s32 @!p0 $0x1;
	_ =	shalt  }
.Lfunc_end2:
_tile_overlayer_lowered:
.L_overlay_start_2:
0x94: {  	(tag) =	ssettag $0x2  }
0x95: {  	s0 =	rddreg [dreg:$0x0];
	s2 =	stileid.u32  }
0x96: {  	s1 =	rddreg [dreg:$0x1];
	p0 =	sne.s32 s2, $0x0  }
0x97: {  	s3 =	rddreg [dreg:$0x2];
	[bflag:$0x3] =	sbarrier.arrive $0xFFFF;
	s2 =	simm.s32 @!p0 $0x1C02  }
0x98: {  	[timem:s3], [sflag:s2] =	dma.local @!p0 [hbm:s0], s1  }
0x99: {  	s0 =	simm.s32 @!p0 $0x2  }
0x9a: {  	_ =	swait.ge @!p0 [sflag:s0], s1  }
0x9b: {  	s1 =	ssub.s32 @!p0 $0x0, s1;
	[sflag:s0] =	ssyncset.done @!p0 $0x0  }
0x9c: {  	[sflag:s0] =	ssyncadd.s32 @!p0 s1  }
0x9d: {  	[bflag:$0x3] =	sbarrier.arrive $0xFFFF  }
0x9e: {  	_ =	shalt  }

</sc_bundles>
